<compile_context>
chip_gen: v7x
topology: tpu7x:2x2x1
jax: 0.10.2.dev20260603
libtpu: 0.0.44.dev20260713+nightly
codegen_flags: <defaults>
</compile_context>

<pallas_src>
import jax
import jax.numpy as jnp
from jax import lax
from jax.experimental import pallas as pl
from jax.experimental.pallas import tpu as pltpu
from jax.experimental.pallas import tpu_sc as plsc

QP1 = 4097
QS = 4096
C = 8
B = 4096
L = 200
NC, NS, LANES = 2, 16, 16
NW = NC * NS
BPW = B // NW
NSL = BPW // LANES
CHUNK = 40
NCHUNK = L // CHUNK


def _tiled_offset(q16, n16):
    return (
        ((q16 >> 3) << 15) + ((n16 >> 7) << 10)
        + ((q16 & 7) << 7) + (n16 & 127)
    )


def _seq_gen_body(nqs_flat, qcr_flat, qid_hbm, nidx_hbm, out_q, out_c,
                  nidx_v, qcr_v, qbuf, qnext, idxbuf, qchunk, cchunk,
                  sem_chain, sem_chain2, sem_chain3, sem_chain4,
                  sem_chain5, sem_chain6, sem_chain7, sem_chain8,
                  sem_stage, sem_out):
    wid = lax.axis_index("s") * NC + lax.axis_index("c")
    base = wid * BPW

    cps = [
        pltpu.make_async_copy(qid_hbm.at[pl.ds(base, BPW)], qbuf, sem_stage),
        pltpu.make_async_copy(nidx_hbm.at[:, pl.ds(base, BPW)], nidx_v,
                              sem_stage),
        pltpu.make_async_copy(qcr_flat, qcr_v, sem_stage),
    ]
    for cp in cps:
        cp.start()
    for cp in cps:
        cp.wait()

    NG = 8
    SPG = NSL // NG
    GL = SPG * LANES
    gslices = [pl.ds(g * GL, GL) for g in range(NG)]
    gsems = [sem_chain, sem_chain2, sem_chain3, sem_chain4,
             sem_chain5, sem_chain6, sem_chain7, sem_chain8]

    def gwait(buf, g):
        pltpu.make_async_copy(
            nqs_flat.at[idxbuf.at[gslices[g]]], buf.at[gslices[g]],
            gsems[g]).wait()

    def step(l, lc, cur, nxt, first):
        for g in range(NG):
            @pl.when(jnp.logical_not(first))
            def _():
                gwait(cur, g)
            for s in range(g * SPG, (g + 1) * SPG):
                sl = pl.ds(s * LANES, LANES)
                q16 = cur[sl]
                n16 = nidx_v[l, sl]
                pltpu.make_async_copy(
                    nqs_flat.at[_tiled_offset(q16, n16)], nxt.at[sl],
                    gsems[g]).start()
                qchunk[lc, sl] = q16
            for s in range(g * SPG, (g + 1) * SPG):
                sl = pl.ds(s * LANES, LANES)
                qc16 = cur[sl] * C
                for c in range(C):
                    cchunk[lc, c, sl] = plsc.load_gather(qcr_v, [qc16 + c])

    def chunk_body(ci, carry):
        def pair_body(i, carry2):
            lc = i * 2
            l = ci * CHUNK + lc
            step(l, lc, qbuf, qnext, jnp.logical_and(ci == 0, i == 0))
            step(l + 1, lc + 1, qnext, qbuf, False)
            return carry2

        lax.fori_loop(0, CHUNK // 2, pair_body, 0, unroll=False)
        l0 = ci * CHUNK
        cp_q = pltpu.make_async_copy(
            qchunk, out_q.at[pl.ds(l0, CHUNK), pl.ds(base, BPW)], sem_out)
        cp_q.start()
        cp_c = pltpu.make_async_copy(
            cchunk, out_c.at[pl.ds(l0, CHUNK), :, pl.ds(base, BPW)], sem_out)
        cp_c.start()
        cp_q.wait()
        cp_c.wait()
        return carry

    lax.fori_loop(0, NCHUNK, chunk_body, 0, unroll=False)
    for g in range(NG):
        gwait(qbuf, g)


@jax.jit
def _seq_gen(nqs_flat, qcr_flat, ques_id, next_index):
    mesh = plsc.VectorSubcoreMesh(core_axis_name="c", subcore_axis_name="s")
    kfn = pl.kernel(
        _seq_gen_body,
        out_type=(
            jax.ShapeDtypeStruct((L, B), jnp.int32),
            jax.ShapeDtypeStruct((L, C, B), jnp.int32),
        ),
        mesh=mesh,
        scratch_types=(
            pltpu.VMEM((L, BPW), jnp.int32),
            pltpu.VMEM((QP1 * C,), jnp.int32),
            pltpu.VMEM((BPW,), jnp.int32),
            pltpu.VMEM((BPW,), jnp.int32),
            pltpu.VMEM((BPW,), jnp.int32),
            pltpu.VMEM((CHUNK, BPW), jnp.int32),
            pltpu.VMEM((CHUNK, C, BPW), jnp.int32),
            pltpu.SemaphoreType.DMA,
            pltpu.SemaphoreType.DMA,
            pltpu.SemaphoreType.DMA,
            pltpu.SemaphoreType.DMA,
            pltpu.SemaphoreType.DMA,
            pltpu.SemaphoreType.DMA,
            pltpu.SemaphoreType.DMA,
            pltpu.SemaphoreType.DMA,
            pltpu.SemaphoreType.DMA,
            pltpu.SemaphoreType.DMA,
        ),
        compiler_params=pltpu.CompilerParams(
            use_tc_tiling_on_sc=False, needs_layout_passes=False),
        name="ques_seq_gen_sc",
    )
    out_q, out_ct = kfn(nqs_flat, qcr_flat, ques_id, next_index)
    return out_q, jnp.transpose(out_ct, (0, 2, 1))


def kernel(ques_concept_relation, next_question_set, ques_id, next_index,
           responses):
    qcr_flat = jnp.reshape(ques_concept_relation, (QP1 * C,))
    nqs_sl = jax.lax.slice(next_question_set, (0, 0), (QS, QS))
    nqs_flat = jnp.reshape(
        jnp.transpose(jnp.reshape(nqs_sl, (QS // 8, 8, QS // 128, 128)),
                      (0, 2, 1, 3)),
        (QS * QS,))
    ques_ids_seq, concepts_seq = _seq_gen(
        nqs_flat, qcr_flat, ques_id, next_index)
    return ques_ids_seq, concepts_seq, responses

# --- scband reference (transcript-rebuilt; emitter-appended) ---
"""Pipeline reference for scband-ques-seq-gen-77223511982555 (READ-ONLY COPY).

The authoritative reference and input builder live on the scoring server;
editing this copy changes nothing except your own understanding.
"""

import jax, jax.numpy as jnp
import numpy as np

Q = 4096
C = 8
B = 4096
L = 200

def setup_inputs(seed: int = 0) -> dict:
    key = jax.random.key(seed)
    k1, k2, k3, k4, k5 = jax.random.split(key, 5)
    # Buffers that the torch module loads from pickle files (problem->skill relation
    # and next-question transition table), materialized with in-range random ints.
    ques_concept_relation = jax.random.randint(k1, (Q + 1, C), 0, 512, dtype=jnp.int32)
    next_question_set = jax.random.randint(k2, (Q + 1, Q + 1), 1, Q, dtype=jnp.int32)
    # Randomness that torch draws inside gen(), hoisted out as explicit inputs
    # so the reference is deterministic.
    ques_id = jax.random.randint(k3, (B,), 1, Q, dtype=jnp.int32)
    next_index = jax.random.randint(k4, (L, B), 1, Q, dtype=jnp.int32)
    responses = (jax.random.uniform(k5, (L, B, 1)) < 0.5).astype(jnp.float32)
    return {
        'ques_concept_relation': ques_concept_relation,
        'next_question_set': next_question_set,
        'ques_id': ques_id,
        'next_index': next_index,
        'responses': responses,
    }

def reference(ques_concept_relation, next_question_set, ques_id, next_index, responses):
    # Faithful translation of the per-step loop in ques_seq_gen.gen():
    #   related_concepts = ques_concept_relation[ques_id]        (embedding gather)
    #   ques_id          = next_question_set[ques_id, next_idx]  (2-D table gather)
    # unrolled over this_len steps via lax.scan. interval/elapsed times are
    # all-zeros in the original code, so they carry no information and are
    # reconstructible from shapes; responses are passed through per-step.
    def step(qid, nidx):
        concepts = jnp.take(ques_concept_relation, qid, axis=0)
        next_q = next_question_set[qid, nidx]
        return next_q, (qid, concepts)

    _, (ques_ids_seq, concepts_seq) = jax.lax.scan(step, ques_id, next_index)
    # ques_ids_seq: int32[L, B], concepts_seq: int32[L, B, C], responses: f32[L, B, 1]
    return ques_ids_seq, concepts_seq, responses

if __name__ == "__main__":
    import jax
    _d = setup_inputs()
    print(jax.jit(kernel)(*tuple(_d.values())))

</pallas_src>

<mosaic_0001>
#map = affine_map<(d0, d1) -> (0)>
#map1 = affine_map<(d0, d1) -> (0, 0)>
#map2 = affine_map<(d0, d1) -> (0, 0, 0)>
module attributes {stable_mosaic.version = 14 : i64} {
  func.func @ques_seq_gen_sc(%arg0: i32, %arg1: i32, %arg2: memref<16777216xi32, #tpu.memory_space<hbm>>, %arg3: memref<32776xi32, #tpu.memory_space<hbm>>, %arg4: memref<4096xi32, #tpu.memory_space<hbm>>, %arg5: memref<200x4096xi32, #tpu.memory_space<hbm>>, %arg6: memref<200x4096xi32, #tpu.memory_space<hbm>>, %arg7: memref<200x8x4096xi32, #tpu.memory_space<hbm>>, %arg8: memref<200x128xi32, #tpu.memory_space<vmem>>, %arg9: memref<32776xi32, #tpu.memory_space<vmem>>, %arg10: memref<128xi32, #tpu.memory_space<vmem>>, %arg11: memref<128xi32, #tpu.memory_space<vmem>>, %arg12: memref<128xi32, #tpu.memory_space<vmem>>, %arg13: memref<40x128xi32, #tpu.memory_space<vmem>>, %arg14: memref<40x8x128xi32, #tpu.memory_space<vmem>>, %arg15: memref<!tpu.dma_semaphore, #tpu.memory_space<semaphore_mem>>, %arg16: memref<!tpu.dma_semaphore, #tpu.memory_space<semaphore_mem>>, %arg17: memref<!tpu.dma_semaphore, #tpu.memory_space<semaphore_mem>>, %arg18: memref<!tpu.dma_semaphore, #tpu.memory_space<semaphore_mem>>, %arg19: memref<!tpu.dma_semaphore, #tpu.memory_space<semaphore_mem>>, %arg20: memref<!tpu.dma_semaphore, #tpu.memory_space<semaphore_mem>>, %arg21: memref<!tpu.dma_semaphore, #tpu.memory_space<semaphore_mem>>, %arg22: memref<!tpu.dma_semaphore, #tpu.memory_space<semaphore_mem>>, %arg23: memref<!tpu.dma_semaphore, #tpu.memory_space<semaphore_mem>>, %arg24: memref<!tpu.dma_semaphore, #tpu.memory_space<semaphore_mem>>) attributes {dimension_semantics = [#tpu.dimension_semantics<core_parallel>, #tpu.dimension_semantics<subcore_parallel>], iteration_bounds = array<i64: 2, 16>, scalar_prefetch = 0 : i64, scratch_operands = 17 : i64, tpu.core_type = #tpu.core_type<sc_vector_subcore>, window_params = [{transform_indices = #map}, {transform_indices = #map}, {transform_indices = #map}, {transform_indices = #map1}, {transform_indices = #map1}, {transform_indices = #map2}]} {
    %mul3A = arith.constant 2 : i32
    %mul3A_0 = arith.muli %arg1, %mul3A : i32
    %add3A = arith.addi %mul3A_0, %arg0 : i32
    %mul3A_1 = arith.constant 128 : i32
    %mul3A_2 = arith.muli %add3A, %mul3A_1 : i32
    %dma_start3A = tpu.memref_slice %arg4[%mul3A_2] : memref<4096xi32, #tpu.memory_space<hbm>> -> memref<128xi32, #tpu.memory_space<hbm>>
    %dma_start3A_3 = tpu.memref_slice %arg4[%mul3A_2] : memref<4096xi32, #tpu.memory_space<hbm>> -> memref<128xi32, #tpu.memory_space<hbm>>
    tpu.enqueue_dma source(%dma_start3A_3 : memref<128xi32, #tpu.memory_space<hbm>>) target(%arg10 : memref<128xi32, #tpu.memory_space<vmem>>) target_semaphore(%arg23 : memref<!tpu.dma_semaphore, #tpu.memory_space<semaphore_mem>>)
    %dma_start3A_4 = arith.constant 0 : i32
    %dma_start3A_5 = tpu.memref_slice %arg5[%dma_start3A_4, %mul3A_2] : memref<200x4096xi32, #tpu.memory_space<hbm>> -> memref<200x128xi32, #tpu.memory_space<hbm>>
    %dma_start3A_6 = arith.constant 0 : i32
    %dma_start3A_7 = tpu.memref_slice %arg5[%dma_start3A_6, %mul3A_2] : memref<200x4096xi32, #tpu.memory_space<hbm>> -> memref<200x128xi32, #tpu.memory_space<hbm>>
    tpu.enqueue_dma source(%dma_start3A_7 : memref<200x128xi32, #tpu.memory_space<hbm>>) target(%arg8 : memref<200x128xi32, #tpu.memory_space<vmem>>) target_semaphore(%arg23 : memref<!tpu.dma_semaphore, #tpu.memory_space<semaphore_mem>>)
    tpu.enqueue_dma source(%arg3 : memref<32776xi32, #tpu.memory_space<hbm>>) target(%arg9 : memref<32776xi32, #tpu.memory_space<vmem>>) target_semaphore(%arg23 : memref<!tpu.dma_semaphore, #tpu.memory_space<semaphore_mem>>)
    %dma_wait3A = tpu.memref_slice %arg4[%mul3A_2] : memref<4096xi32, #tpu.memory_space<hbm>> -> memref<128xi32, #tpu.memory_space<hbm>>
    %dma_wait3A_8 = tpu.memref_slice %arg4[%mul3A_2] : memref<4096xi32, #tpu.memory_space<hbm>> -> memref<128xi32, #tpu.memory_space<hbm>>
    tpu.wait_dma2 semaphore(%arg23 : memref<!tpu.dma_semaphore, #tpu.memory_space<semaphore_mem>>) src(%dma_wait3A_8 : memref<128xi32, #tpu.memory_space<hbm>>) dst(%arg10 : memref<128xi32, #tpu.memory_space<vmem>>)
    %dma_wait3A_9 = arith.constant 0 : i32
    %dma_wait3A_10 = tpu.memref_slice %arg5[%dma_wait3A_9, %mul3A_2] : memref<200x4096xi32, #tpu.memory_space<hbm>> -> memref<200x128xi32, #tpu.memory_space<hbm>>
    %dma_wait3A_11 = arith.constant 0 : i32
    %dma_wait3A_12 = tpu.memref_slice %arg5[%dma_wait3A_11, %mul3A_2] : memref<200x4096xi32, #tpu.memory_space<hbm>> -> memref<200x128xi32, #tpu.memory_space<hbm>>
    tpu.wait_dma2 semaphore(%arg23 : memref<!tpu.dma_semaphore, #tpu.memory_space<semaphore_mem>>) src(%dma_wait3A_12 : memref<200x128xi32, #tpu.memory_space<hbm>>) dst(%arg8 : memref<200x128xi32, #tpu.memory_space<vmem>>)
    tpu.wait_dma2 semaphore(%arg23 : memref<!tpu.dma_semaphore, #tpu.memory_space<semaphore_mem>>) src(%arg3 : memref<32776xi32, #tpu.memory_space<hbm>>) dst(%arg9 : memref<32776xi32, #tpu.memory_space<vmem>>)
    %scan3A = arith.constant 0 : i32
    %scan3A_13 = arith.constant 0 : i32
    %scan3A_14 = arith.constant 5 : i32
    %scan3A_15 = arith.addi %scan3A_13, %scan3A_14 : i32
    %scan3A_16 = arith.constant 1 : i32
    scf.for %scan3A_66 = %scan3A_13 to %scan3A_15 step %scan3A_16  : i32 {
      %scan3A_67 = arith.constant 0 : i32
      %scan3A_68 = arith.constant 0 : i32
      %scan3A_69 = arith.constant 20 : i32
      %scan3A_70 = arith.addi %scan3A_68, %scan3A_69 : i32
      %scan3A_71 = arith.constant 1 : i32
      scf.for %scan3A_87 = %scan3A_68 to %scan3A_70 step %scan3A_71  : i32 {
        %mul3A_88 = arith.constant 2 : i32
        %mul3A_89 = arith.muli %scan3A_87, %mul3A_88 : i32
        %mul3A_90 = arith.constant 40 : i32
        %mul3A_91 = arith.muli %scan3A_66, %mul3A_90 : i32
        %add3A_92 = arith.addi %mul3A_91, %mul3A_89 : i32
        %eq3A = arith.constant 0 : i32
        %eq3A_93 = arith.cmpi eq, %scan3A_66, %eq3A : i32
        %eq3A_94 = arith.constant 0 : i32
        %eq3A_95 = arith.cmpi eq, %scan3A_87, %eq3A_94 : i32
        %and3A = arith.andi %eq3A_93, %eq3A_95 : i1
        %not3A = arith.constant true
        %not3A_96 = arith.xori %and3A, %not3A : i1
        %convert_element_type3A = arith.extui %not3A_96 : i1 to i32
        %cond3A = arith.constant 0 : i32
        %cond3A_97 = arith.cmpi ne, %convert_element_type3A, %cond3A : i32
        scf.if %cond3A_97 {
          %dma_wait3A_1988 = arith.constant 0 : i32
          %dma_wait3A_1989 = tpu.memref_slice %arg10[%dma_wait3A_1988] : memref<128xi32, #tpu.memory_space<vmem>> -> memref<16xi32, #tpu.memory_space<vmem>>
          %dma_wait3A_1990 = arith.constant 0 : i32
          %dma_wait3A_1991 = tpu.memref_slice %arg12[%dma_wait3A_1990] : memref<128xi32, #tpu.memory_space<vmem>> -> memref<16xi32, #tpu.memory_space<vmem>>
          %dma_wait3A_1992 = arith.constant 0 : i32
          %dma_wait3A_1993 = tpu.memref_slice %arg2[%dma_wait3A_1992] : memref<16777216xi32, #tpu.memory_space<hbm>> -> memref<16777216xi32, #tpu.memory_space<hbm>>
          tpu.wait_indirect_dma semaphore(%arg15 : memref<!tpu.dma_semaphore, #tpu.memory_space<semaphore_mem>>) src(%dma_wait3A_1993 : memref<16777216xi32, #tpu.memory_space<hbm>>) dst(%dma_wait3A_1989 : memref<16xi32, #tpu.memory_space<vmem>>)
        } else {
        }
        %get3A = arith.constant 0 : index
        %get3A_98 = tpu.vector_load %arg10[%get3A] {strides = array<i32>} : memref<128xi32, #tpu.memory_space<vmem>>, vector<16xi32>,
        %get3A_99 = arith.index_cast %add3A_92 : i32 to index
        %get3A_100 = arith.constant 0 : index
        %get3A_101 = tpu.vector_load %arg8[%get3A_99, %get3A_100] {strides = array<i32>} : memref<200x128xi32, #tpu.memory_space<vmem>>, vector<16xi32>,
        %shift_right_arithmetic3A = arith.constant 3 : i32
        %shift_right_arithmetic3A_102 = vector.broadcast %shift_right_arithmetic3A : i32 to vector<16xi32>
        %shift_right_arithmetic3A_103 = arith.shrsi %get3A_98, %shift_right_arithmetic3A_102 : vector<16xi32>
        %shift_left3A = arith.constant 15 : i32
        %shift_left3A_104 = vector.broadcast %shift_left3A : i32 to vector<16xi32>
        %shift_left3A_105 = arith.shli %shift_right_arithmetic3A_103, %shift_left3A_104 : vector<16xi32>
        %shift_right_arithmetic3A_106 = arith.constant 7 : i32
        %shift_right_arithmetic3A_107 = vector.broadcast %shift_right_arithmetic3A_106 : i32 to vector<16xi32>
        %shift_right_arithmetic3A_108 = arith.shrsi %get3A_101, %shift_right_arithmetic3A_107 : vector<16xi32>
        %shift_left3A_109 = arith.constant 10 : i32
        %shift_left3A_110 = vector.broadcast %shift_left3A_109 : i32 to vector<16xi32>
        %shift_left3A_111 = arith.shli %shift_right_arithmetic3A_108, %shift_left3A_110 : vector<16xi32>
        %add3A_112 = arith.addi %shift_left3A_105, %shift_left3A_111 : vector<16xi32>
        %and3A_113 = arith.constant 7 : i32
        %and3A_114 = vector.broadcast %and3A_113 : i32 to vector<16xi32>
        %and3A_115 = arith.andi %get3A_98, %and3A_114 : vector<16xi32>
        %shift_left3A_116 = arith.constant 7 : i32
        %shift_left3A_117 = vector.broadcast %shift_left3A_116 : i32 to vector<16xi32>
        %shift_left3A_118 = arith.shli %and3A_115, %shift_left3A_117 : vector<16xi32>
        %add3A_119 = arith.addi %add3A_112, %shift_left3A_118 : vector<16xi32>
        %and3A_120 = arith.constant 127 : i32
        %and3A_121 = vector.broadcast %and3A_120 : i32 to vector<16xi32>
        %and3A_122 = arith.andi %get3A_101, %and3A_121 : vector<16xi32>
        %add3A_123 = arith.addi %add3A_119, %and3A_122 : vector<16xi32>
        %dma_start3A_124 = arith.constant 0 : i32
        %dma_start3A_125 = tpu.memref_slice %arg11[%dma_start3A_124] : memref<128xi32, #tpu.memory_space<vmem>> -> memref<16xi32, #tpu.memory_space<vmem>>
        %dma_start3A_126 = arith.constant 0 : i32
        %dma_start3A_127 = tpu.memref_slice %arg2[%dma_start3A_126] : memref<16777216xi32, #tpu.memory_space<hbm>> -> memref<16777216xi32, #tpu.memory_space<hbm>>
        tpu.enqueue_indirect_dma source(%dma_start3A_127 : memref<16777216xi32, #tpu.memory_space<hbm>>) target(%dma_start3A_125 : memref<16xi32, #tpu.memory_space<vmem>>) offsets(%add3A_123 : vector<16xi32>) semaphore(%arg15 : memref<!tpu.dma_semaphore, #tpu.memory_space<semaphore_mem>>)
        %swap3A = arith.index_cast %mul3A_89 : i32 to index
        %swap3A_128 = arith.constant 0 : index
        %swap3A_129 = tpu.vector_load %arg13[%swap3A, %swap3A_128] {strides = array<i32>} : memref<40x128xi32, #tpu.memory_space<vmem>>, vector<16xi32>,
        tpu.vector_store %arg13[%swap3A, %swap3A_128], %get3A_98 {strides = array<i32>} : memref<40x128xi32, #tpu.memory_space<vmem>>, vector<16xi32>,
        %get3A_130 = arith.constant 0 : index
        %get3A_131 = tpu.vector_load %arg10[%get3A_130] {strides = array<i32>} : memref<128xi32, #tpu.memory_space<vmem>>, vector<16xi32>,
        %mul3A_132 = arith.constant 8 : i32
        %mul3A_133 = vector.broadcast %mul3A_132 : i32 to vector<16xi32>
        %mul3A_134 = arith.muli %get3A_131, %mul3A_133 : vector<16xi32>
        %add3A_135 = arith.constant 0 : i32
        %add3A_136 = vector.broadcast %add3A_135 : i32 to vector<16xi32>
        %add3A_137 = arith.addi %mul3A_134, %add3A_136 : vector<16xi32>
        %gather3A = tpu.vector_load_idx %arg9[%add3A_137] : memref<32776xi32, #tpu.memory_space<vmem>>[vector<16xi32>], vector<16xi32>,
        %swap3A_138 = arith.constant 0 : i32
        %swap3A_139 = arith.index_cast %mul3A_89 : i32 to index
        %swap3A_140 = arith.index_cast %swap3A_138 : i32 to index
        %swap3A_141 = arith.constant 0 : index
        %swap3A_142 = tpu.vector_load %arg14[%swap3A_139, %swap3A_140, %swap3A_141] {strides = array<i32>} : memref<40x8x128xi32, #tpu.memory_space<vmem>>, vector<16xi32>,
        tpu.vector_store %arg14[%swap3A_139, %swap3A_140, %swap3A_141], %gather3A {strides = array<i32>} : memref<40x8x128xi32, #tpu.memory_space<vmem>>, vector<16xi32>,
        %add3A_143 = arith.constant 1 : i32
        %add3A_144 = vector.broadcast %add3A_143 : i32 to vector<16xi32>
        %add3A_145 = arith.addi %mul3A_134, %add3A_144 : vector<16xi32>
        %gather3A_146 = tpu.vector_load_idx %arg9[%add3A_145] : memref<32776xi32, #tpu.memory_space<vmem>>[vector<16xi32>], vector<16xi32>,
        %swap3A_147 = arith.constant 1 : i32
        %swap3A_148 = arith.index_cast %mul3A_89 : i32 to index
        %swap3A_149 = arith.index_cast %swap3A_147 : i32 to index
        %swap3A_150 = arith.constant 0 : index
        %swap3A_151 = tpu.vector_load %arg14[%swap3A_148, %swap3A_149, %swap3A_150] {strides = array<i32>} : memref<40x8x128xi32, #tpu.memory_space<vmem>>, vector<16xi32>,
        tpu.vector_store %arg14[%swap3A_148, %swap3A_149, %swap3A_150], %gather3A_146 {strides = array<i32>} : memref<40x8x128xi32, #tpu.memory_space<vmem>>, vector<16xi32>,
        %add3A_152 = arith.constant 2 : i32
        %add3A_153 = vector.broadcast %add3A_152 : i32 to vector<16xi32>
        %add3A_154 = arith.addi %mul3A_134, %add3A_153 : vector<16xi32>
        %gather3A_155 = tpu.vector_load_idx %arg9[%add3A_154] : memref<32776xi32, #tpu.memory_space<vmem>>[vector<16xi32>], vector<16xi32>,
        %swap3A_156 = arith.constant 2 : i32
        %swap3A_157 = arith.index_cast %mul3A_89 : i32 to index
        %swap3A_158 = arith.index_cast %swap3A_156 : i32 to index
        %swap3A_159 = arith.constant 0 : index
        %swap3A_160 = tpu.vector_load %arg14[%swap3A_157, %swap3A_158, %swap3A_159] {strides = array<i32>} : memref<40x8x128xi32, #tpu.memory_space<vmem>>, vector<16xi32>,
        tpu.vector_store %arg14[%swap3A_157, %swap3A_158, %swap3A_159], %gather3A_155 {strides = array<i32>} : memref<40x8x128xi32, #tpu.memory_space<vmem>>, vector<16xi32>,
        %add3A_161 = arith.constant 3 : i32
        %add3A_162 = vector.broadcast %add3A_161 : i32 to vector<16xi32>
        %add3A_163 = arith.addi %mul3A_134, %add3A_162 : vector<16xi32>
        %gather3A_164 = tpu.vector_load_idx %arg9[%add3A_163] : memref<32776xi32, #tpu.memory_space<vmem>>[vector<16xi32>], vector<16xi32>,
        %swap3A_165 = arith.constant 3 : i32
        %swap3A_166 = arith.index_cast %mul3A_89 : i32 to index
        %swap3A_167 = arith.index_cast %swap3A_165 : i32 to index
        %swap3A_168 = arith.constant 0 : index
        %swap3A_169 = tpu.vector_load %arg14[%swap3A_166, %swap3A_167, %swap3A_168] {strides = array<i32>} : memref<40x8x128xi32, #tpu.memory_space<vmem>>, vector<16xi32>,
        tpu.vector_store %arg14[%swap3A_166, %swap3A_167, %swap3A_168], %gather3A_164 {strides = array<i32>} : memref<40x8x128xi32, #tpu.memory_space<vmem>>, vector<16xi32>,
        %add3A_170 = arith.constant 4 : i32
        %add3A_171 = vector.broadcast %add3A_170 : i32 to vector<16xi32>
        %add3A_172 = arith.addi %mul3A_134, %add3A_171 : vector<16xi32>
        %gather3A_173 = tpu.vector_load_idx %arg9[%add3A_172] : memref<32776xi32, #tpu.memory_space<vmem>>[vector<16xi32>], vector<16xi32>,
        %swap3A_174 = arith.constant 4 : i32
        %swap3A_175 = arith.index_cast %mul3A_89 : i32 to index
        %swap3A_176 = arith.index_cast %swap3A_174 : i32 to index
        %swap3A_177 = arith.constant 0 : index
        %swap3A_178 = tpu.vector_load %arg14[%swap3A_175, %swap3A_176, %swap3A_177] {strides = array<i32>} : memref<40x8x128xi32, #tpu.memory_space<vmem>>, vector<16xi32>,
        tpu.vector_store %arg14[%swap3A_175, %swap3A_176, %swap3A_177], %gather3A_173 {strides = array<i32>} : memref<40x8x128xi32, #tpu.memory_space<vmem>>, vector<16xi32>,
        %add3A_179 = arith.constant 5 : i32
        %add3A_180 = vector.broadcast %add3A_179 : i32 to vector<16xi32>
        %add3A_181 = arith.addi %mul3A_134, %add3A_180 : vector<16xi32>
        %gather3A_182 = tpu.vector_load_idx %arg9[%add3A_181] : memref<32776xi32, #tpu.memory_space<vmem>>[vector<16xi32>], vector<16xi32>,
        %swap3A_183 = arith.constant 5 : i32
        %swap3A_184 = arith.index_cast %mul3A_89 : i32 to index
        %swap3A_185 = arith.index_cast %swap3A_183 : i32 to index
        %swap3A_186 = arith.constant 0 : index
        %swap3A_187 = tpu.vector_load %arg14[%swap3A_184, %swap3A_185, %swap3A_186] {strides = array<i32>} : memref<40x8x128xi32, #tpu.memory_space<vmem>>, vector<16xi32>,
        tpu.vector_store %arg14[%swap3A_184, %swap3A_185, %swap3A_186], %gather3A_182 {strides = array<i32>} : memref<40x8x128xi32, #tpu.memory_space<vmem>>, vector<16xi32>,
        %add3A_188 = arith.constant 6 : i32
        %add3A_189 = vector.broadcast %add3A_188 : i32 to vector<16xi32>
        %add3A_190 = arith.addi %mul3A_134, %add3A_189 : vector<16xi32>
        %gather3A_191 = tpu.vector_load_idx %arg9[%add3A_190] : memref<32776xi32, #tpu.memory_space<vmem>>[vector<16xi32>], vector<16xi32>,
        %swap3A_192 = arith.constant 6 : i32
        %swap3A_193 = arith.index_cast %mul3A_89 : i32 to index
        %swap3A_194 = arith.index_cast %swap3A_192 : i32 to index
        %swap3A_195 = arith.constant 0 : index
        %swap3A_196 = tpu.vector_load %arg14[%swap3A_193, %swap3A_194, %swap3A_195] {strides = array<i32>} : memref<40x8x128xi32, #tpu.memory_space<vmem>>, vector<16xi32>,
        tpu.vector_store %arg14[%swap3A_193, %swap3A_194, %swap3A_195], %gather3A_191 {strides = array<i32>} : memref<40x8x128xi32, #tpu.memory_space<vmem>>, vector<16xi32>,
        %add3A_197 = arith.constant 7 : i32
        %add3A_198 = vector.broadcast %add3A_197 : i32 to vector<16xi32>
        %add3A_199 = arith.addi %mul3A_134, %add3A_198 : vector<16xi32>
        %gather3A_200 = tpu.vector_load_idx %arg9[%add3A_199] : memref<32776xi32, #tpu.memory_space<vmem>>[vector<16xi32>], vector<16xi32>,
        %swap3A_201 = arith.constant 7 : i32
        %swap3A_202 = arith.index_cast %mul3A_89 : i32 to index
        %swap3A_203 = arith.index_cast %swap3A_201 : i32 to index
        %swap3A_204 = arith.constant 0 : index
        %swap3A_205 = tpu.vector_load %arg14[%swap3A_202, %swap3A_203, %swap3A_204] {strides = array<i32>} : memref<40x8x128xi32, #tpu.memory_space<vmem>>, vector<16xi32>,
        tpu.vector_store %arg14[%swap3A_202, %swap3A_203, %swap3A_204], %gather3A_200 {strides = array<i32>} : memref<40x8x128xi32, #tpu.memory_space<vmem>>, vector<16xi32>,
        %not3A_206 = arith.constant true
        %not3A_207 = arith.xori %and3A, %not3A_206 : i1
        %convert_element_type3A_208 = arith.extui %not3A_207 : i1 to i32
        %cond3A_209 = arith.constant 0 : i32
        %cond3A_210 = arith.cmpi ne, %convert_element_type3A_208, %cond3A_209 : i32
        scf.if %cond3A_210 {
          %dma_wait3A_1988 = arith.constant 16 : i32
          %dma_wait3A_1989 = tpu.memref_slice %arg10[%dma_wait3A_1988] : memref<128xi32, #tpu.memory_space<vmem>> -> memref<16xi32, #tpu.memory_space<vmem>>
          %dma_wait3A_1990 = arith.constant 16 : i32
          %dma_wait3A_1991 = tpu.memref_slice %arg12[%dma_wait3A_1990] : memref<128xi32, #tpu.memory_space<vmem>> -> memref<16xi32, #tpu.memory_space<vmem>>
          %dma_wait3A_1992 = arith.constant 0 : i32
          %dma_wait3A_1993 = tpu.memref_slice %arg2[%dma_wait3A_1992] : memref<16777216xi32, #tpu.memory_space<hbm>> -> memref<16777216xi32, #tpu.memory_space<hbm>>
          tpu.wait_indirect_dma semaphore(%arg16 : memref<!tpu.dma_semaphore, #tpu.memory_space<semaphore_mem>>) src(%dma_wait3A_1993 : memref<16777216xi32, #tpu.memory_space<hbm>>) dst(%dma_wait3A_1989 : memref<16xi32, #tpu.memory_space<vmem>>)
        } else {
        }
        %get3A_211 = arith.constant 16 : index
        %get3A_212 = tpu.vector_load %arg10[%get3A_211] {strides = array<i32>} : memref<128xi32, #tpu.memory_space<vmem>>, vector<16xi32>,
        %get3A_213 = arith.index_cast %add3A_92 : i32 to index
        %get3A_214 = arith.constant 16 : index
        %get3A_215 = tpu.vector_load %arg8[%get3A_213, %get3A_214] {strides = array<i32>} : memref<200x128xi32, #tpu.memory_space<vmem>>, vector<16xi32>,
        %shift_right_arithmetic3A_216 = arith.constant 3 : i32
        %shift_right_arithmetic3A_217 = vector.broadcast %shift_right_arithmetic3A_216 : i32 to vector<16xi32>
        %shift_right_arithmetic3A_218 = arith.shrsi %get3A_212, %shift_right_arithmetic3A_217 : vector<16xi32>
        %shift_left3A_219 = arith.constant 15 : i32
        %shift_left3A_220 = vector.broadcast %shift_left3A_219 : i32 to vector<16xi32>
        %shift_left3A_221 = arith.shli %shift_right_arithmetic3A_218, %shift_left3A_220 : vector<16xi32>
        %shift_right_arithmetic3A_222 = arith.constant 7 : i32
        %shift_right_arithmetic3A_223 = vector.broadcast %shift_right_arithmetic3A_222 : i32 to vector<16xi32>
        %shift_right_arithmetic3A_224 = arith.shrsi %get3A_215, %shift_right_arithmetic3A_223 : vector<16xi32>
        %shift_left3A_225 = arith.constant 10 : i32
        %shift_left3A_226 = vector.broadcast %shift_left3A_225 : i32 to vector<16xi32>
        %shift_left3A_227 = arith.shli %shift_right_arithmetic3A_224, %shift_left3A_226 : vector<16xi32>
        %add3A_228 = arith.addi %shift_left3A_221, %shift_left3A_227 : vector<16xi32>
        %and3A_229 = arith.constant 7 : i32
        %and3A_230 = vector.broadcast %and3A_229 : i32 to vector<16xi32>
        %and3A_231 = arith.andi %get3A_212, %and3A_230 : vector<16xi32>
        %shift_left3A_232 = arith.constant 7 : i32
        %shift_left3A_233 = vector.broadcast %shift_left3A_232 : i32 to vector<16xi32>
        %shift_left3A_234 = arith.shli %and3A_231, %shift_left3A_233 : vector<16xi32>
        %add3A_235 = arith.addi %add3A_228, %shift_left3A_234 : vector<16xi32>
        %and3A_236 = arith.constant 127 : i32
        %and3A_237 = vector.broadcast %and3A_236 : i32 to vector<16xi32>
        %and3A_238 = arith.andi %get3A_215, %and3A_237 : vector<16xi32>
        %add3A_239 = arith.addi %add3A_235, %and3A_238 : vector<16xi32>
        %dma_start3A_240 = arith.constant 16 : i32
        %dma_start3A_241 = tpu.memref_slice %arg11[%dma_start3A_240] : memref<128xi32, #tpu.memory_space<vmem>> -> memref<16xi32, #tpu.memory_space<vmem>>
        %dma_start3A_242 = arith.constant 0 : i32
        %dma_start3A_243 = tpu.memref_slice %arg2[%dma_start3A_242] : memref<16777216xi32, #tpu.memory_space<hbm>> -> memref<16777216xi32, #tpu.memory_space<hbm>>
        tpu.enqueue_indirect_dma source(%dma_start3A_243 : memref<16777216xi32, #tpu.memory_space<hbm>>) target(%dma_start3A_241 : memref<16xi32, #tpu.memory_space<vmem>>) offsets(%add3A_239 : vector<16xi32>) semaphore(%arg16 : memref<!tpu.dma_semaphore, #tpu.memory_space<semaphore_mem>>)
        %swap3A_244 = arith.index_cast %mul3A_89 : i32 to index
        %swap3A_245 = arith.constant 16 : index
        %swap3A_246 = tpu.vector_load %arg13[%swap3A_244, %swap3A_245] {strides = array<i32>} : memref<40x128xi32, #tpu.memory_space<vmem>>, vector<16xi32>,
        tpu.vector_store %arg13[%swap3A_244, %swap3A_245], %get3A_212 {strides = array<i32>} : memref<40x128xi32, #tpu.memory_space<vmem>>, vector<16xi32>,
        %get3A_247 = arith.constant 16 : index
        %get3A_248 = tpu.vector_load %arg10[%get3A_247] {strides = array<i32>} : memref<128xi32, #tpu.memory_space<vmem>>, vector<16xi32>,
        %mul3A_249 = arith.constant 8 : i32
        %mul3A_250 = vector.broadcast %mul3A_249 : i32 to vector<16xi32>
        %mul3A_251 = arith.muli %get3A_248, %mul3A_250 : vector<16xi32>
        %add3A_252 = arith.constant 0 : i32
        %add3A_253 = vector.broadcast %add3A_252 : i32 to vector<16xi32>
        %add3A_254 = arith.addi %mul3A_251, %add3A_253 : vector<16xi32>
        %gather3A_255 = tpu.vector_load_idx %arg9[%add3A_254] : memref<32776xi32, #tpu.memory_space<vmem>>[vector<16xi32>], vector<16xi32>,
        %swap3A_256 = arith.constant 0 : i32
        %swap3A_257 = arith.index_cast %mul3A_89 : i32 to index
        %swap3A_258 = arith.index_cast %swap3A_256 : i32 to index
        %swap3A_259 = arith.constant 16 : index
        %swap3A_260 = tpu.vector_load %arg14[%swap3A_257, %swap3A_258, %swap3A_259] {strides = array<i32>} : memref<40x8x128xi32, #tpu.memory_space<vmem>>, vector<16xi32>,
        tpu.vector_store %arg14[%swap3A_257, %swap3A_258, %swap3A_259], %gather3A_255 {strides = array<i32>} : memref<40x8x128xi32, #tpu.memory_space<vmem>>, vector<16xi32>,
        %add3A_261 = arith.constant 1 : i32
        %add3A_262 = vector.broadcast %add3A_261 : i32 to vector<16xi32>
        %add3A_263 = arith.addi %mul3A_251, %add3A_262 : vector<16xi32>
        %gather3A_264 = tpu.vector_load_idx %arg9[%add3A_263] : memref<32776xi32, #tpu.memory_space<vmem>>[vector<16xi32>], vector<16xi32>,
        %swap3A_265 = arith.constant 1 : i32
        %swap3A_266 = arith.index_cast %mul3A_89 : i32 to index
        %swap3A_267 = arith.index_cast %swap3A_265 : i32 to index
        %swap3A_268 = arith.constant 16 : index
        %swap3A_269 = tpu.vector_load %arg14[%swap3A_266, %swap3A_267, %swap3A_268] {strides = array<i32>} : memref<40x8x128xi32, #tpu.memory_space<vmem>>, vector<16xi32>,
        tpu.vector_store %arg14[%swap3A_266, %swap3A_267, %swap3A_268], %gather3A_264 {strides = array<i32>} : memref<40x8x128xi32, #tpu.memory_space<vmem>>, vector<16xi32>,
        %add3A_270 = arith.constant 2 : i32
        %add3A_271 = vector.broadcast %add3A_270 : i32 to vector<16xi32>
        %add3A_272 = arith.addi %mul3A_251, %add3A_271 : vector<16xi32>
        %gather3A_273 = tpu.vector_load_idx %arg9[%add3A_272] : memref<32776xi32, #tpu.memory_space<vmem>>[vector<16xi32>], vector<16xi32>,
        %swap3A_274 = arith.constant 2 : i32
        %swap3A_275 = arith.index_cast %mul3A_89 : i32 to index
        %swap3A_276 = arith.index_cast %swap3A_274 : i32 to index
        %swap3A_277 = arith.constant 16 : index
        %swap3A_278 = tpu.vector_load %arg14[%swap3A_275, %swap3A_276, %swap3A_277] {strides = array<i32>} : memref<40x8x128xi32, #tpu.memory_space<vmem>>, vector<16xi32>,
        tpu.vector_store %arg14[%swap3A_275, %swap3A_276, %swap3A_277], %gather3A_273 {strides = array<i32>} : memref<40x8x128xi32, #tpu.memory_space<vmem>>, vector<16xi32>,
        %add3A_279 = arith.constant 3 : i32
        %add3A_280 = vector.broadcast %add3A_279 : i32 to vector<16xi32>
        %add3A_281 = arith.addi %mul3A_251, %add3A_280 : vector<16xi32>
        %gather3A_282 = tpu.vector_load_idx %arg9[%add3A_281] : memref<32776xi32, #tpu.memory_space<vmem>>[vector<16xi32>], vector<16xi32>,
        %swap3A_283 = arith.constant 3 : i32
        %swap3A_284 = arith.index_cast %mul3A_89 : i32 to index
        %swap3A_285 = arith.index_cast %swap3A_283 : i32 to index
        %swap3A_286 = arith.constant 16 : index
        %swap3A_287 = tpu.vector_load %arg14[%swap3A_284, %swap3A_285, %swap3A_286] {strides = array<i32>} : memref<40x8x128xi32, #tpu.memory_space<vmem>>, vector<16xi32>,
        tpu.vector_store %arg14[%swap3A_284, %swap3A_285, %swap3A_286], %gather3A_282 {strides = array<i32>} : memref<40x8x128xi32, #tpu.memory_space<vmem>>, vector<16xi32>,
        %add3A_288 = arith.constant 4 : i32
        %add3A_289 = vector.broadcast %add3A_288 : i32 to vector<16xi32>
        %add3A_290 = arith.addi %mul3A_251, %add3A_289 : vector<16xi32>
        %gather3A_291 = tpu.vector_load_idx %arg9[%add3A_290] : memref<32776xi32, #tpu.memory_space<vmem>>[vector<16xi32>], vector<16xi32>,
        %swap3A_292 = arith.constant 4 : i32
        %swap3A_293 = arith.index_cast %mul3A_89 : i32 to index
        %swap3A_294 = arith.index_cast %swap3A_292 : i32 to index
        %swap3A_295 = arith.constant 16 : index
        %swap3A_296 = tpu.vector_load %arg14[%swap3A_293, %swap3A_294, %swap3A_295] {strides = array<i32>} : memref<40x8x128xi32, #tpu.memory_space<vmem>>, vector<16xi32>,
        tpu.vector_store %arg14[%swap3A_293, %swap3A_294, %swap3A_295], %gather3A_291 {strides = array<i32>} : memref<40x8x128xi32, #tpu.memory_space<vmem>>, vector<16xi32>,
        %add3A_297 = arith.constant 5 : i32
        %add3A_298 = vector.broadcast %add3A_297 : i32 to vector<16xi32>
        %add3A_299 = arith.addi %mul3A_251, %add3A_298 : vector<16xi32>
        %gather3A_300 = tpu.vector_load_idx %arg9[%add3A_299] : memref<32776xi32, #tpu.memory_space<vmem>>[vector<16xi32>], vector<16xi32>,
        %swap3A_301 = arith.constant 5 : i32
        %swap3A_302 = arith.index_cast %mul3A_89 : i32 to index
        %swap3A_303 = arith.index_cast %swap3A_301 : i32 to index
        %swap3A_304 = arith.constant 16 : index
        %swap3A_305 = tpu.vector_load %arg14[%swap3A_302, %swap3A_303, %swap3A_304] {strides = array<i32>} : memref<40x8x128xi32, #tpu.memory_space<vmem>>, vector<16xi32>,
        tpu.vector_store %arg14[%swap3A_302, %swap3A_303, %swap3A_304], %gather3A_300 {strides = array<i32>} : memref<40x8x128xi32, #tpu.memory_space<vmem>>, vector<16xi32>,
        %add3A_306 = arith.constant 6 : i32
        %add3A_307 = vector.broadcast %add3A_306 : i32 to vector<16xi32>
        %add3A_308 = arith.addi %mul3A_251, %add3A_307 : vector<16xi32>
        %gather3A_309 = tpu.vector_load_idx %arg9[%add3A_308] : memref<32776xi32, #tpu.memory_space<vmem>>[vector<16xi32>], vector<16xi32>,
        %swap3A_310 = arith.constant 6 : i32
        %swap3A_311 = arith.index_cast %mul3A_89 : i32 to index
        %swap3A_312 = arith.index_cast %swap3A_310 : i32 to index
        %swap3A_313 = arith.constant 16 : index
        %swap3A_314 = tpu.vector_load %arg14[%swap3A_311, %swap3A_312, %swap3A_313] {strides = array<i32>} : memref<40x8x128xi32, #tpu.memory_space<vmem>>, vector<16xi32>,
        tpu.vector_store %arg14[%swap3A_311, %swap3A_312, %swap3A_313], %gather3A_309 {strides = array<i32>} : memref<40x8x128xi32, #tpu.memory_space<vmem>>, vector<16xi32>,
        %add3A_315 = arith.constant 7 : i32
        %add3A_316 = vector.broadcast %add3A_315 : i32 to vector<16xi32>
        %add3A_317 = arith.addi %mul3A_251, %add3A_316 : vector<16xi32>
        %gather3A_318 = tpu.vector_load_idx %arg9[%add3A_317] : memref<32776xi32, #tpu.memory_space<vmem>>[vector<16xi32>], vector<16xi32>,
        %swap3A_319 = arith.constant 7 : i32
        %swap3A_320 = arith.index_cast %mul3A_89 : i32 to index
        %swap3A_321 = arith.index_cast %swap3A_319 : i32 to index
        %swap3A_322 = arith.constant 16 : index
        %swap3A_323 = tpu.vector_load %arg14[%swap3A_320, %swap3A_321, %swap3A_322] {strides = array<i32>} : memref<40x8x128xi32, #tpu.memory_space<vmem>>, vector<16xi32>,
        tpu.vector_store %arg14[%swap3A_320, %swap3A_321, %swap3A_322], %gather3A_318 {strides = array<i32>} : memref<40x8x128xi32, #tpu.memory_space<vmem>>, vector<16xi32>,
        %not3A_324 = arith.constant true
        %not3A_325 = arith.xori %and3A, %not3A_324 : i1
        %convert_element_type3A_326 = arith.extui %not3A_325 : i1 to i32
        %cond3A_327 = arith.constant 0 : i32
        %cond3A_328 = arith.cmpi ne, %convert_element_type3A_326, %cond3A_327 : i32
        scf.if %cond3A_328 {
          %dma_wait3A_1988 = arith.constant 32 : i32
          %dma_wait3A_1989 = tpu.memref_slice %arg10[%dma_wait3A_1988] : memref<128xi32, #tpu.memory_space<vmem>> -> memref<16xi32, #tpu.memory_space<vmem>>
          %dma_wait3A_1990 = arith.constant 32 : i32
          %dma_wait3A_1991 = tpu.memref_slice %arg12[%dma_wait3A_1990] : memref<128xi32, #tpu.memory_space<vmem>> -> memref<16xi32, #tpu.memory_space<vmem>>
          %dma_wait3A_1992 = arith.constant 0 : i32
          %dma_wait3A_1993 = tpu.memref_slice %arg2[%dma_wait3A_1992] : memref<16777216xi32, #tpu.memory_space<hbm>> -> memref<16777216xi32, #tpu.memory_space<hbm>>
          tpu.wait_indirect_dma semaphore(%arg17 : memref<!tpu.dma_semaphore, #tpu.memory_space<semaphore_mem>>) src(%dma_wait3A_1993 : memref<16777216xi32, #tpu.memory_space<hbm>>) dst(%dma_wait3A_1989 : memref<16xi32, #tpu.memory_space<vmem>>)
        } else {
        }
        %get3A_329 = arith.constant 32 : index
        %get3A_330 = tpu.vector_load %arg10[%get3A_329] {strides = array<i32>} : memref<128xi32, #tpu.memory_space<vmem>>, vector<16xi32>,
        %get3A_331 = arith.index_cast %add3A_92 : i32 to index
        %get3A_332 = arith.constant 32 : index
        %get3A_333 = tpu.vector_load %arg8[%get3A_331, %get3A_332] {strides = array<i32>} : memref<200x128xi32, #tpu.memory_space<vmem>>, vector<16xi32>,
        %shift_right_arithmetic3A_334 = arith.constant 3 : i32
        %shift_right_arithmetic3A_335 = vector.broadcast %shift_right_arithmetic3A_334 : i32 to vector<16xi32>
        %shift_right_arithmetic3A_336 = arith.shrsi %get3A_330, %shift_right_arithmetic3A_335 : vector<16xi32>
        %shift_left3A_337 = arith.constant 15 : i32
        %shift_left3A_338 = vector.broadcast %shift_left3A_337 : i32 to vector<16xi32>
        %shift_left3A_339 = arith.shli %shift_right_arithmetic3A_336, %shift_left3A_338 : vector<16xi32>
        %shift_right_arithmetic3A_340 = arith.constant 7 : i32
        %shift_right_arithmetic3A_341 = vector.broadcast %shift_right_arithmetic3A_340 : i32 to vector<16xi32>
        %shift_right_arithmetic3A_342 = arith.shrsi %get3A_333, %shift_right_arithmetic3A_341 : vector<16xi32>
        %shift_left3A_343 = arith.constant 10 : i32
        %shift_left3A_344 = vector.broadcast %shift_left3A_343 : i32 to vector<16xi32>
        %shift_left3A_345 = arith.shli %shift_right_arithmetic3A_342, %shift_left3A_344 : vector<16xi32>
        %add3A_346 = arith.addi %shift_left3A_339, %shift_left3A_345 : vector<16xi32>
        %and3A_347 = arith.constant 7 : i32
        %and3A_348 = vector.broadcast %and3A_347 : i32 to vector<16xi32>
        %and3A_349 = arith.andi %get3A_330, %and3A_348 : vector<16xi32>
        %shift_left3A_350 = arith.constant 7 : i32
        %shift_left3A_351 = vector.broadcast %shift_left3A_350 : i32 to vector<16xi32>
        %shift_left3A_352 = arith.shli %and3A_349, %shift_left3A_351 : vector<16xi32>
        %add3A_353 = arith.addi %add3A_346, %shift_left3A_352 : vector<16xi32>
        %and3A_354 = arith.constant 127 : i32
        %and3A_355 = vector.broadcast %and3A_354 : i32 to vector<16xi32>
        %and3A_356 = arith.andi %get3A_333, %and3A_355 : vector<16xi32>
        %add3A_357 = arith.addi %add3A_353, %and3A_356 : vector<16xi32>
        %dma_start3A_358 = arith.constant 32 : i32
        %dma_start3A_359 = tpu.memref_slice %arg11[%dma_start3A_358] : memref<128xi32, #tpu.memory_space<vmem>> -> memref<16xi32, #tpu.memory_space<vmem>>
        %dma_start3A_360 = arith.constant 0 : i32
        %dma_start3A_361 = tpu.memref_slice %arg2[%dma_start3A_360] : memref<16777216xi32, #tpu.memory_space<hbm>> -> memref<16777216xi32, #tpu.memory_space<hbm>>
        tpu.enqueue_indirect_dma source(%dma_start3A_361 : memref<16777216xi32, #tpu.memory_space<hbm>>) target(%dma_start3A_359 : memref<16xi32, #tpu.memory_space<vmem>>) offsets(%add3A_357 : vector<16xi32>) semaphore(%arg17 : memref<!tpu.dma_semaphore, #tpu.memory_space<semaphore_mem>>)
        %swap3A_362 = arith.index_cast %mul3A_89 : i32 to index
        %swap3A_363 = arith.constant 32 : index
        %swap3A_364 = tpu.vector_load %arg13[%swap3A_362, %swap3A_363] {strides = array<i32>} : memref<40x128xi32, #tpu.memory_space<vmem>>, vector<16xi32>,
        tpu.vector_store %arg13[%swap3A_362, %swap3A_363], %get3A_330 {strides = array<i32>} : memref<40x128xi32, #tpu.memory_space<vmem>>, vector<16xi32>,
        %get3A_365 = arith.constant 32 : index
        %get3A_366 = tpu.vector_load %arg10[%get3A_365] {strides = array<i32>} : memref<128xi32, #tpu.memory_space<vmem>>, vector<16xi32>,
        %mul3A_367 = arith.constant 8 : i32
        %mul3A_368 = vector.broadcast %mul3A_367 : i32 to vector<16xi32>
        %mul3A_369 = arith.muli %get3A_366, %mul3A_368 : vector<16xi32>
        %add3A_370 = arith.constant 0 : i32
        %add3A_371 = vector.broadcast %add3A_370 : i32 to vector<16xi32>
        %add3A_372 = arith.addi %mul3A_369, %add3A_371 : vector<16xi32>
        %gather3A_373 = tpu.vector_load_idx %arg9[%add3A_372] : memref<32776xi32, #tpu.memory_space<vmem>>[vector<16xi32>], vector<16xi32>,
        %swap3A_374 = arith.constant 0 : i32
        %swap3A_375 = arith.index_cast %mul3A_89 : i32 to index
        %swap3A_376 = arith.index_cast %swap3A_374 : i32 to index
        %swap3A_377 = arith.constant 32 : index
        %swap3A_378 = tpu.vector_load %arg14[%swap3A_375, %swap3A_376, %swap3A_377] {strides = array<i32>} : memref<40x8x128xi32, #tpu.memory_space<vmem>>, vector<16xi32>,
        tpu.vector_store %arg14[%swap3A_375, %swap3A_376, %swap3A_377], %gather3A_373 {strides = array<i32>} : memref<40x8x128xi32, #tpu.memory_space<vmem>>, vector<16xi32>,
        %add3A_379 = arith.constant 1 : i32
        %add3A_380 = vector.broadcast %add3A_379 : i32 to vector<16xi32>
        %add3A_381 = arith.addi %mul3A_369, %add3A_380 : vector<16xi32>
        %gather3A_382 = tpu.vector_load_idx %arg9[%add3A_381] : memref<32776xi32, #tpu.memory_space<vmem>>[vector<16xi32>], vector<16xi32>,
        %swap3A_383 = arith.constant 1 : i32
        %swap3A_384 = arith.index_cast %mul3A_89 : i32 to index
        %swap3A_385 = arith.index_cast %swap3A_383 : i32 to index
        %swap3A_386 = arith.constant 32 : index
        %swap3A_387 = tpu.vector_load %arg14[%swap3A_384, %swap3A_385, %swap3A_386] {strides = array<i32>} : memref<40x8x128xi32, #tpu.memory_space<vmem>>, vector<16xi32>,
        tpu.vector_store %arg14[%swap3A_384, %swap3A_385, %swap3A_386], %gather3A_382 {strides = array<i32>} : memref<40x8x128xi32, #tpu.memory_space<vmem>>, vector<16xi32>,
        %add3A_388 = arith.constant 2 : i32
        %add3A_389 = vector.broadcast %add3A_388 : i32 to vector<16xi32>
        %add3A_390 = arith.addi %mul3A_369, %add3A_389 : vector<16xi32>
        %gather3A_391 = tpu.vector_load_idx %arg9[%add3A_390] : memref<32776xi32, #tpu.memory_space<vmem>>[vector<16xi32>], vector<16xi32>,
        %swap3A_392 = arith.constant 2 : i32
        %swap3A_393 = arith.index_cast %mul3A_89 : i32 to index
        %swap3A_394 = arith.index_cast %swap3A_392 : i32 to index
        %swap3A_395 = arith.constant 32 : index
        %swap3A_396 = tpu.vector_load %arg14[%swap3A_393, %swap3A_394, %swap3A_395] {strides = array<i32>} : memref<40x8x128xi32, #tpu.memory_space<vmem>>, vector<16xi32>,
        tpu.vector_store %arg14[%swap3A_393, %swap3A_394, %swap3A_395], %gather3A_391 {strides = array<i32>} : memref<40x8x128xi32, #tpu.memory_space<vmem>>, vector<16xi32>,
        %add3A_397 = arith.constant 3 : i32
        %add3A_398 = vector.broadcast %add3A_397 : i32 to vector<16xi32>
        %add3A_399 = arith.addi %mul3A_369, %add3A_398 : vector<16xi32>
        %gather3A_400 = tpu.vector_load_idx %arg9[%add3A_399] : memref<32776xi32, #tpu.memory_space<vmem>>[vector<16xi32>], vector<16xi32>,
        %swap3A_401 = arith.constant 3 : i32
        %swap3A_402 = arith.index_cast %mul3A_89 : i32 to index
        %swap3A_403 = arith.index_cast %swap3A_401 : i32 to index
        %swap3A_404 = arith.constant 32 : index
        %swap3A_405 = tpu.vector_load %arg14[%swap3A_402, %swap3A_403, %swap3A_404] {strides = array<i32>} : memref<40x8x128xi32, #tpu.memory_space<vmem>>, vector<16xi32>,
        tpu.vector_store %arg14[%swap3A_402, %swap3A_403, %swap3A_404], %gather3A_400 {strides = array<i32>} : memref<40x8x128xi32, #tpu.memory_space<vmem>>, vector<16xi32>,
        %add3A_406 = arith.constant 4 : i32
        %add3A_407 = vector.broadcast %add3A_406 : i32 to vector<16xi32>
        %add3A_408 = arith.addi %mul3A_369, %add3A_407 : vector<16xi32>
        %gather3A_409 = tpu.vector_load_idx %arg9[%add3A_408] : memref<32776xi32, #tpu.memory_space<vmem>>[vector<16xi32>], vector<16xi32>,
        %swap3A_410 = arith.constant 4 : i32
        %swap3A_411 = arith.index_cast %mul3A_89 : i32 to index
        %swap3A_412 = arith.index_cast %swap3A_410 : i32 to index
        %swap3A_413 = arith.constant 32 : index
        %swap3A_414 = tpu.vector_load %arg14[%swap3A_411, %swap3A_412, %swap3A_413] {strides = array<i32>} : memref<40x8x128xi32, #tpu.memory_space<vmem>>, vector<16xi32>,
        tpu.vector_store %arg14[%swap3A_411, %swap3A_412, %swap3A_413], %gather3A_409 {strides = array<i32>} : memref<40x8x128xi32, #tpu.memory_space<vmem>>, vector<16xi32>,
        %add3A_415 = arith.constant 5 : i32
        %add3A_416 = vector.broadcast %add3A_415 : i32 to vector<16xi32>
        %add3A_417 = arith.addi %mul3A_369, %add3A_416 : vector<16xi32>
        %gather3A_418 = tpu.vector_load_idx %arg9[%add3A_417] : memref<32776xi32, #tpu.memory_space<vmem>>[vector<16xi32>], vector<16xi32>,
        %swap3A_419 = arith.constant 5 : i32
        %swap3A_420 = arith.index_cast %mul3A_89 : i32 to index
        %swap3A_421 = arith.index_cast %swap3A_419 : i32 to index
        %swap3A_422 = arith.constant 32 : index
        %swap3A_423 = tpu.vector_load %arg14[%swap3A_420, %swap3A_421, %swap3A_422] {strides = array<i32>} : memref<40x8x128xi32, #tpu.memory_space<vmem>>, vector<16xi32>,
        tpu.vector_store %arg14[%swap3A_420, %swap3A_421, %swap3A_422], %gather3A_418 {strides = array<i32>} : memref<40x8x128xi32, #tpu.memory_space<vmem>>, vector<16xi32>,
        %add3A_424 = arith.constant 6 : i32
        %add3A_425 = vector.broadcast %add3A_424 : i32 to vector<16xi32>
        %add3A_426 = arith.addi %mul3A_369, %add3A_425 : vector<16xi32>
        %gather3A_427 = tpu.vector_load_idx %arg9[%add3A_426] : memref<32776xi32, #tpu.memory_space<vmem>>[vector<16xi32>], vector<16xi32>,
        %swap3A_428 = arith.constant 6 : i32
        %swap3A_429 = arith.index_cast %mul3A_89 : i32 to index
        %swap3A_430 = arith.index_cast %swap3A_428 : i32 to index
        %swap3A_431 = arith.constant 32 : index
        %swap3A_432 = tpu.vector_load %arg14[%swap3A_429, %swap3A_430, %swap3A_431] {strides = array<i32>} : memref<40x8x128xi32, #tpu.memory_space<vmem>>, vector<16xi32>,
        tpu.vector_store %arg14[%swap3A_429, %swap3A_430, %swap3A_431], %gather3A_427 {strides = array<i32>} : memref<40x8x128xi32, #tpu.memory_space<vmem>>, vector<16xi32>,
        %add3A_433 = arith.constant 7 : i32
        %add3A_434 = vector.broadcast %add3A_433 : i32 to vector<16xi32>
        %add3A_435 = arith.addi %mul3A_369, %add3A_434 : vector<16xi32>
        %gather3A_436 = tpu.vector_load_idx %arg9[%add3A_435] : memref<32776xi32, #tpu.memory_space<vmem>>[vector<16xi32>], vector<16xi32>,
        %swap3A_437 = arith.constant 7 : i32
        %swap3A_438 = arith.index_cast %mul3A_89 : i32 to index
        %swap3A_439 = arith.index_cast %swap3A_437 : i32 to index
        %swap3A_440 = arith.constant 32 : index
        %swap3A_441 = tpu.vector_load %arg14[%swap3A_438, %swap3A_439, %swap3A_440] {strides = array<i32>} : memref<40x8x128xi32, #tpu.memory_space<vmem>>, vector<16xi32>,
        tpu.vector_store %arg14[%swap3A_438, %swap3A_439, %swap3A_440], %gather3A_436 {strides = array<i32>} : memref<40x8x128xi32, #tpu.memory_space<vmem>>, vector<16xi32>,
        %not3A_442 = arith.constant true
        %not3A_443 = arith.xori %and3A, %not3A_442 : i1
        %convert_element_type3A_444 = arith.extui %not3A_443 : i1 to i32
        %cond3A_445 = arith.constant 0 : i32
        %cond3A_446 = arith.cmpi ne, %convert_element_type3A_444, %cond3A_445 : i32
        scf.if %cond3A_446 {
          %dma_wait3A_1988 = arith.constant 48 : i32
          %dma_wait3A_1989 = tpu.memref_slice %arg10[%dma_wait3A_1988] : memref<128xi32, #tpu.memory_space<vmem>> -> memref<16xi32, #tpu.memory_space<vmem>>
          %dma_wait3A_1990 = arith.constant 48 : i32
          %dma_wait3A_1991 = tpu.memref_slice %arg12[%dma_wait3A_1990] : memref<128xi32, #tpu.memory_space<vmem>> -> memref<16xi32, #tpu.memory_space<vmem>>
          %dma_wait3A_1992 = arith.constant 0 : i32
          %dma_wait3A_1993 = tpu.memref_slice %arg2[%dma_wait3A_1992] : memref<16777216xi32, #tpu.memory_space<hbm>> -> memref<16777216xi32, #tpu.memory_space<hbm>>
          tpu.wait_indirect_dma semaphore(%arg18 : memref<!tpu.dma_semaphore, #tpu.memory_space<semaphore_mem>>) src(%dma_wait3A_1993 : memref<16777216xi32, #tpu.memory_space<hbm>>) dst(%dma_wait3A_1989 : memref<16xi32, #tpu.memory_space<vmem>>)
        } else {
        }
        %get3A_447 = arith.constant 48 : index
        %get3A_448 = tpu.vector_load %arg10[%get3A_447] {strides = array<i32>} : memref<128xi32, #tpu.memory_space<vmem>>, vector<16xi32>,
        %get3A_449 = arith.index_cast %add3A_92 : i32 to index
        %get3A_450 = arith.constant 48 : index
        %get3A_451 = tpu.vector_load %arg8[%get3A_449, %get3A_450] {strides = array<i32>} : memref<200x128xi32, #tpu.memory_space<vmem>>, vector<16xi32>,
        %shift_right_arithmetic3A_452 = arith.constant 3 : i32
        %shift_right_arithmetic3A_453 = vector.broadcast %shift_right_arithmetic3A_452 : i32 to vector<16xi32>
        %shift_right_arithmetic3A_454 = arith.shrsi %get3A_448, %shift_right_arithmetic3A_453 : vector<16xi32>
        %shift_left3A_455 = arith.constant 15 : i32
        %shift_left3A_456 = vector.broadcast %shift_left3A_455 : i32 to vector<16xi32>
        %shift_left3A_457 = arith.shli %shift_right_arithmetic3A_454, %shift_left3A_456 : vector<16xi32>
        %shift_right_arithmetic3A_458 = arith.constant 7 : i32
        %shift_right_arithmetic3A_459 = vector.broadcast %shift_right_arithmetic3A_458 : i32 to vector<16xi32>
        %shift_right_arithmetic3A_460 = arith.shrsi %get3A_451, %shift_right_arithmetic3A_459 : vector<16xi32>
        %shift_left3A_461 = arith.constant 10 : i32
        %shift_left3A_462 = vector.broadcast %shift_left3A_461 : i32 to vector<16xi32>
        %shift_left3A_463 = arith.shli %shift_right_arithmetic3A_460, %shift_left3A_462 : vector<16xi32>
        %add3A_464 = arith.addi %shift_left3A_457, %shift_left3A_463 : vector<16xi32>
        %and3A_465 = arith.constant 7 : i32
        %and3A_466 = vector.broadcast %and3A_465 : i32 to vector<16xi32>
        %and3A_467 = arith.andi %get3A_448, %and3A_466 : vector<16xi32>
        %shift_left3A_468 = arith.constant 7 : i32
        %shift_left3A_469 = vector.broadcast %shift_left3A_468 : i32 to vector<16xi32>
        %shift_left3A_470 = arith.shli %and3A_467, %shift_left3A_469 : vector<16xi32>
        %add3A_471 = arith.addi %add3A_464, %shift_left3A_470 : vector<16xi32>
        %and3A_472 = arith.constant 127 : i32
        %and3A_473 = vector.broadcast %and3A_472 : i32 to vector<16xi32>
        %and3A_474 = arith.andi %get3A_451, %and3A_473 : vector<16xi32>
        %add3A_475 = arith.addi %add3A_471, %and3A_474 : vector<16xi32>
        %dma_start3A_476 = arith.constant 48 : i32
        %dma_start3A_477 = tpu.memref_slice %arg11[%dma_start3A_476] : memref<128xi32, #tpu.memory_space<vmem>> -> memref<16xi32, #tpu.memory_space<vmem>>
        %dma_start3A_478 = arith.constant 0 : i32
        %dma_start3A_479 = tpu.memref_slice %arg2[%dma_start3A_478] : memref<16777216xi32, #tpu.memory_space<hbm>> -> memref<16777216xi32, #tpu.memory_space<hbm>>
        tpu.enqueue_indirect_dma source(%dma_start3A_479 : memref<16777216xi32, #tpu.memory_space<hbm>>) target(%dma_start3A_477 : memref<16xi32, #tpu.memory_space<vmem>>) offsets(%add3A_475 : vector<16xi32>) semaphore(%arg18 : memref<!tpu.dma_semaphore, #tpu.memory_space<semaphore_mem>>)
        %swap3A_480 = arith.index_cast %mul3A_89 : i32 to index
        %swap3A_481 = arith.constant 48 : index
        %swap3A_482 = tpu.vector_load %arg13[%swap3A_480, %swap3A_481] {strides = array<i32>} : memref<40x128xi32, #tpu.memory_space<vmem>>, vector<16xi32>,
        tpu.vector_store %arg13[%swap3A_480, %swap3A_481], %get3A_448 {strides = array<i32>} : memref<40x128xi32, #tpu.memory_space<vmem>>, vector<16xi32>,
        %get3A_483 = arith.constant 48 : index
        %get3A_484 = tpu.vector_load %arg10[%get3A_483] {strides = array<i32>} : memref<128xi32, #tpu.memory_space<vmem>>, vector<16xi32>,
        %mul3A_485 = arith.constant 8 : i32
        %mul3A_486 = vector.broadcast %mul3A_485 : i32 to vector<16xi32>
        %mul3A_487 = arith.muli %get3A_484, %mul3A_486 : vector<16xi32>
        %add3A_488 = arith.constant 0 : i32
        %add3A_489 = vector.broadcast %add3A_488 : i32 to vector<16xi32>
        %add3A_490 = arith.addi %mul3A_487, %add3A_489 : vector<16xi32>
        %gather3A_491 = tpu.vector_load_idx %arg9[%add3A_490] : memref<32776xi32, #tpu.memory_space<vmem>>[vector<16xi32>], vector<16xi32>,
        %swap3A_492 = arith.constant 0 : i32
        %swap3A_493 = arith.index_cast %mul3A_89 : i32 to index
        %swap3A_494 = arith.index_cast %swap3A_492 : i32 to index
        %swap3A_495 = arith.constant 48 : index
        %swap3A_496 = tpu.vector_load %arg14[%swap3A_493, %swap3A_494, %swap3A_495] {strides = array<i32>} : memref<40x8x128xi32, #tpu.memory_space<vmem>>, vector<16xi32>,
        tpu.vector_store %arg14[%swap3A_493, %swap3A_494, %swap3A_495], %gather3A_491 {strides = array<i32>} : memref<40x8x128xi32, #tpu.memory_space<vmem>>, vector<16xi32>,
        %add3A_497 = arith.constant 1 : i32
        %add3A_498 = vector.broadcast %add3A_497 : i32 to vector<16xi32>
        %add3A_499 = arith.addi %mul3A_487, %add3A_498 : vector<16xi32>
        %gather3A_500 = tpu.vector_load_idx %arg9[%add3A_499] : memref<32776xi32, #tpu.memory_space<vmem>>[vector<16xi32>], vector<16xi32>,
        %swap3A_501 = arith.constant 1 : i32
        %swap3A_502 = arith.index_cast %mul3A_89 : i32 to index
        %swap3A_503 = arith.index_cast %swap3A_501 : i32 to index
        %swap3A_504 = arith.constant 48 : index
        %swap3A_505 = tpu.vector_load %arg14[%swap3A_502, %swap3A_503, %swap3A_504] {strides = array<i32>} : memref<40x8x128xi32, #tpu.memory_space<vmem>>, vector<16xi32>,
        tpu.vector_store %arg14[%swap3A_502, %swap3A_503, %swap3A_504], %gather3A_500 {strides = array<i32>} : memref<40x8x128xi32, #tpu.memory_space<vmem>>, vector<16xi32>,
        %add3A_506 = arith.constant 2 : i32
        %add3A_507 = vector.broadcast %add3A_506 : i32 to vector<16xi32>
        %add3A_508 = arith.addi %mul3A_487, %add3A_507 : vector<16xi32>
        %gather3A_509 = tpu.vector_load_idx %arg9[%add3A_508] : memref<32776xi32, #tpu.memory_space<vmem>>[vector<16xi32>], vector<16xi32>,
        %swap3A_510 = arith.constant 2 : i32
        %swap3A_511 = arith.index_cast %mul3A_89 : i32 to index
        %swap3A_512 = arith.index_cast %swap3A_510 : i32 to index
        %swap3A_513 = arith.constant 48 : index
        %swap3A_514 = tpu.vector_load %arg14[%swap3A_511, %swap3A_512, %swap3A_513] {strides = array<i32>} : memref<40x8x128xi32, #tpu.memory_space<vmem>>, vector<16xi32>,
        tpu.vector_store %arg14[%swap3A_511, %swap3A_512, %swap3A_513], %gather3A_509 {strides = array<i32>} : memref<40x8x128xi32, #tpu.memory_space<vmem>>, vector<16xi32>,
        %add3A_515 = arith.constant 3 : i32
        %add3A_516 = vector.broadcast %add3A_515 : i32 to vector<16xi32>
        %add3A_517 = arith.addi %mul3A_487, %add3A_516 : vector<16xi32>
        %gather3A_518 = tpu.vector_load_idx %arg9[%add3A_517] : memref<32776xi32, #tpu.memory_space<vmem>>[vector<16xi32>], vector<16xi32>,
        %swap3A_519 = arith.constant 3 : i32
        %swap3A_520 = arith.index_cast %mul3A_89 : i32 to index
        %swap3A_521 = arith.index_cast %swap3A_519 : i32 to index
        %swap3A_522 = arith.constant 48 : index
        %swap3A_523 = tpu.vector_load %arg14[%swap3A_520, %swap3A_521, %swap3A_522] {strides = array<i32>} : memref<40x8x128xi32, #tpu.memory_space<vmem>>, vector<16xi32>,
        tpu.vector_store %arg14[%swap3A_520, %swap3A_521, %swap3A_522], %gather3A_518 {strides = array<i32>} : memref<40x8x128xi32, #tpu.memory_space<vmem>>, vector<16xi32>,
        %add3A_524 = arith.constant 4 : i32
        %add3A_525 = vector.broadcast %add3A_524 : i32 to vector<16xi32>
        %add3A_526 = arith.addi %mul3A_487, %add3A_525 : vector<16xi32>
        %gather3A_527 = tpu.vector_load_idx %arg9[%add3A_526] : memref<32776xi32, #tpu.memory_space<vmem>>[vector<16xi32>], vector<16xi32>,
        %swap3A_528 = arith.constant 4 : i32
        %swap3A_529 = arith.index_cast %mul3A_89 : i32 to index
        %swap3A_530 = arith.index_cast %swap3A_528 : i32 to index
        %swap3A_531 = arith.constant 48 : index
        %swap3A_532 = tpu.vector_load %arg14[%swap3A_529, %swap3A_530, %swap3A_531] {strides = array<i32>} : memref<40x8x128xi32, #tpu.memory_space<vmem>>, vector<16xi32>,
        tpu.vector_store %arg14[%swap3A_529, %swap3A_530, %swap3A_531], %gather3A_527 {strides = array<i32>} : memref<40x8x128xi32, #tpu.memory_space<vmem>>, vector<16xi32>,
        %add3A_533 = arith.constant 5 : i32
        %add3A_534 = vector.broadcast %add3A_533 : i32 to vector<16xi32>
        %add3A_535 = arith.addi %mul3A_487, %add3A_534 : vector<16xi32>
        %gather3A_536 = tpu.vector_load_idx %arg9[%add3A_535] : memref<32776xi32, #tpu.memory_space<vmem>>[vector<16xi32>], vector<16xi32>,
        %swap3A_537 = arith.constant 5 : i32
        %swap3A_538 = arith.index_cast %mul3A_89 : i32 to index
        %swap3A_539 = arith.index_cast %swap3A_537 : i32 to index
        %swap3A_540 = arith.constant 48 : index
        %swap3A_541 = tpu.vector_load %arg14[%swap3A_538, %swap3A_539, %swap3A_540] {strides = array<i32>} : memref<40x8x128xi32, #tpu.memory_space<vmem>>, vector<16xi32>,
        tpu.vector_store %arg14[%swap3A_538, %swap3A_539, %swap3A_540], %gather3A_536 {strides = array<i32>} : memref<40x8x128xi32, #tpu.memory_space<vmem>>, vector<16xi32>,
        %add3A_542 = arith.constant 6 : i32
        %add3A_543 = vector.broadcast %add3A_542 : i32 to vector<16xi32>
        %add3A_544 = arith.addi %mul3A_487, %add3A_543 : vector<16xi32>
        %gather3A_545 = tpu.vector_load_idx %arg9[%add3A_544] : memref<32776xi32, #tpu.memory_space<vmem>>[vector<16xi32>], vector<16xi32>,
        %swap3A_546 = arith.constant 6 : i32
        %swap3A_547 = arith.index_cast %mul3A_89 : i32 to index
        %swap3A_548 = arith.index_cast %swap3A_546 : i32 to index
        %swap3A_549 = arith.constant 48 : index
        %swap3A_550 = tpu.vector_load %arg14[%swap3A_547, %swap3A_548, %swap3A_549] {strides = array<i32>} : memref<40x8x128xi32, #tpu.memory_space<vmem>>, vector<16xi32>,
        tpu.vector_store %arg14[%swap3A_547, %swap3A_548, %swap3A_549], %gather3A_545 {strides = array<i32>} : memref<40x8x128xi32, #tpu.memory_space<vmem>>, vector<16xi32>,
        %add3A_551 = arith.constant 7 : i32
        %add3A_552 = vector.broadcast %add3A_551 : i32 to vector<16xi32>
        %add3A_553 = arith.addi %mul3A_487, %add3A_552 : vector<16xi32>
        %gather3A_554 = tpu.vector_load_idx %arg9[%add3A_553] : memref<32776xi32, #tpu.memory_space<vmem>>[vector<16xi32>], vector<16xi32>,
        %swap3A_555 = arith.constant 7 : i32
        %swap3A_556 = arith.index_cast %mul3A_89 : i32 to index
        %swap3A_557 = arith.index_cast %swap3A_555 : i32 to index
        %swap3A_558 = arith.constant 48 : index
        %swap3A_559 = tpu.vector_load %arg14[%swap3A_556, %swap3A_557, %swap3A_558] {strides = array<i32>} : memref<40x8x128xi32, #tpu.memory_space<vmem>>, vector<16xi32>,
        tpu.vector_store %arg14[%swap3A_556, %swap3A_557, %swap3A_558], %gather3A_554 {strides = array<i32>} : memref<40x8x128xi32, #tpu.memory_space<vmem>>, vector<16xi32>,
        %not3A_560 = arith.constant true
        %not3A_561 = arith.xori %and3A, %not3A_560 : i1
        %convert_element_type3A_562 = arith.extui %not3A_561 : i1 to i32
        %cond3A_563 = arith.constant 0 : i32
        %cond3A_564 = arith.cmpi ne, %convert_element_type3A_562, %cond3A_563 : i32
        scf.if %cond3A_564 {
          %dma_wait3A_1988 = arith.constant 64 : i32
          %dma_wait3A_1989 = tpu.memref_slice %arg10[%dma_wait3A_1988] : memref<128xi32, #tpu.memory_space<vmem>> -> memref<16xi32, #tpu.memory_space<vmem>>
          %dma_wait3A_1990 = arith.constant 64 : i32
          %dma_wait3A_1991 = tpu.memref_slice %arg12[%dma_wait3A_1990] : memref<128xi32, #tpu.memory_space<vmem>> -> memref<16xi32, #tpu.memory_space<vmem>>
          %dma_wait3A_1992 = arith.constant 0 : i32
          %dma_wait3A_1993 = tpu.memref_slice %arg2[%dma_wait3A_1992] : memref<16777216xi32, #tpu.memory_space<hbm>> -> memref<16777216xi32, #tpu.memory_space<hbm>>
          tpu.wait_indirect_dma semaphore(%arg19 : memref<!tpu.dma_semaphore, #tpu.memory_space<semaphore_mem>>) src(%dma_wait3A_1993 : memref<16777216xi32, #tpu.memory_space<hbm>>) dst(%dma_wait3A_1989 : memref<16xi32, #tpu.memory_space<vmem>>)
        } else {
        }
        %get3A_565 = arith.constant 64 : index
        %get3A_566 = tpu.vector_load %arg10[%get3A_565] {strides = array<i32>} : memref<128xi32, #tpu.memory_space<vmem>>, vector<16xi32>,
        %get3A_567 = arith.index_cast %add3A_92 : i32 to index
        %get3A_568 = arith.constant 64 : index
        %get3A_569 = tpu.vector_load %arg8[%get3A_567, %get3A_568] {strides = array<i32>} : memref<200x128xi32, #tpu.memory_space<vmem>>, vector<16xi32>,
        %shift_right_arithmetic3A_570 = arith.constant 3 : i32
        %shift_right_arithmetic3A_571 = vector.broadcast %shift_right_arithmetic3A_570 : i32 to vector<16xi32>
        %shift_right_arithmetic3A_572 = arith.shrsi %get3A_566, %shift_right_arithmetic3A_571 : vector<16xi32>
        %shift_left3A_573 = arith.constant 15 : i32
        %shift_left3A_574 = vector.broadcast %shift_left3A_573 : i32 to vector<16xi32>
        %shift_left3A_575 = arith.shli %shift_right_arithmetic3A_572, %shift_left3A_574 : vector<16xi32>
        %shift_right_arithmetic3A_576 = arith.constant 7 : i32
        %shift_right_arithmetic3A_577 = vector.broadcast %shift_right_arithmetic3A_576 : i32 to vector<16xi32>
        %shift_right_arithmetic3A_578 = arith.shrsi %get3A_569, %shift_right_arithmetic3A_577 : vector<16xi32>
        %shift_left3A_579 = arith.constant 10 : i32
        %shift_left3A_580 = vector.broadcast %shift_left3A_579 : i32 to vector<16xi32>
        %shift_left3A_581 = arith.shli %shift_right_arithmetic3A_578, %shift_left3A_580 : vector<16xi32>
        %add3A_582 = arith.addi %shift_left3A_575, %shift_left3A_581 : vector<16xi32>
        %and3A_583 = arith.constant 7 : i32
        %and3A_584 = vector.broadcast %and3A_583 : i32 to vector<16xi32>
        %and3A_585 = arith.andi %get3A_566, %and3A_584 : vector<16xi32>
        %shift_left3A_586 = arith.constant 7 : i32
        %shift_left3A_587 = vector.broadcast %shift_left3A_586 : i32 to vector<16xi32>
        %shift_left3A_588 = arith.shli %and3A_585, %shift_left3A_587 : vector<16xi32>
        %add3A_589 = arith.addi %add3A_582, %shift_left3A_588 : vector<16xi32>
        %and3A_590 = arith.constant 127 : i32
        %and3A_591 = vector.broadcast %and3A_590 : i32 to vector<16xi32>
        %and3A_592 = arith.andi %get3A_569, %and3A_591 : vector<16xi32>
        %add3A_593 = arith.addi %add3A_589, %and3A_592 : vector<16xi32>
        %dma_start3A_594 = arith.constant 64 : i32
        %dma_start3A_595 = tpu.memref_slice %arg11[%dma_start3A_594] : memref<128xi32, #tpu.memory_space<vmem>> -> memref<16xi32, #tpu.memory_space<vmem>>
        %dma_start3A_596 = arith.constant 0 : i32
        %dma_start3A_597 = tpu.memref_slice %arg2[%dma_start3A_596] : memref<16777216xi32, #tpu.memory_space<hbm>> -> memref<16777216xi32, #tpu.memory_space<hbm>>
        tpu.enqueue_indirect_dma source(%dma_start3A_597 : memref<16777216xi32, #tpu.memory_space<hbm>>) target(%dma_start3A_595 : memref<16xi32, #tpu.memory_space<vmem>>) offsets(%add3A_593 : vector<16xi32>) semaphore(%arg19 : memref<!tpu.dma_semaphore, #tpu.memory_space<semaphore_mem>>)
        %swap3A_598 = arith.index_cast %mul3A_89 : i32 to index
        %swap3A_599 = arith.constant 64 : index
        %swap3A_600 = tpu.vector_load %arg13[%swap3A_598, %swap3A_599] {strides = array<i32>} : memref<40x128xi32, #tpu.memory_space<vmem>>, vector<16xi32>,
        tpu.vector_store %arg13[%swap3A_598, %swap3A_599], %get3A_566 {strides = array<i32>} : memref<40x128xi32, #tpu.memory_space<vmem>>, vector<16xi32>,
        %get3A_601 = arith.constant 64 : index
        %get3A_602 = tpu.vector_load %arg10[%get3A_601] {strides = array<i32>} : memref<128xi32, #tpu.memory_space<vmem>>, vector<16xi32>,
        %mul3A_603 = arith.constant 8 : i32
        %mul3A_604 = vector.broadcast %mul3A_603 : i32 to vector<16xi32>
        %mul3A_605 = arith.muli %get3A_602, %mul3A_604 : vector<16xi32>
        %add3A_606 = arith.constant 0 : i32
        %add3A_607 = vector.broadcast %add3A_606 : i32 to vector<16xi32>
        %add3A_608 = arith.addi %mul3A_605, %add3A_607 : vector<16xi32>
        %gather3A_609 = tpu.vector_load_idx %arg9[%add3A_608] : memref<32776xi32, #tpu.memory_space<vmem>>[vector<16xi32>], vector<16xi32>,
        %swap3A_610 = arith.constant 0 : i32
        %swap3A_611 = arith.index_cast %mul3A_89 : i32 to index
        %swap3A_612 = arith.index_cast %swap3A_610 : i32 to index
        %swap3A_613 = arith.constant 64 : index
        %swap3A_614 = tpu.vector_load %arg14[%swap3A_611, %swap3A_612, %swap3A_613] {strides = array<i32>} : memref<40x8x128xi32, #tpu.memory_space<vmem>>, vector<16xi32>,
        tpu.vector_store %arg14[%swap3A_611, %swap3A_612, %swap3A_613], %gather3A_609 {strides = array<i32>} : memref<40x8x128xi32, #tpu.memory_space<vmem>>, vector<16xi32>,
        %add3A_615 = arith.constant 1 : i32
        %add3A_616 = vector.broadcast %add3A_615 : i32 to vector<16xi32>
        %add3A_617 = arith.addi %mul3A_605, %add3A_616 : vector<16xi32>
        %gather3A_618 = tpu.vector_load_idx %arg9[%add3A_617] : memref<32776xi32, #tpu.memory_space<vmem>>[vector<16xi32>], vector<16xi32>,
        %swap3A_619 = arith.constant 1 : i32
        %swap3A_620 = arith.index_cast %mul3A_89 : i32 to index
        %swap3A_621 = arith.index_cast %swap3A_619 : i32 to index
        %swap3A_622 = arith.constant 64 : index
        %swap3A_623 = tpu.vector_load %arg14[%swap3A_620, %swap3A_621, %swap3A_622] {strides = array<i32>} : memref<40x8x128xi32, #tpu.memory_space<vmem>>, vector<16xi32>,
        tpu.vector_store %arg14[%swap3A_620, %swap3A_621, %swap3A_622], %gather3A_618 {strides = array<i32>} : memref<40x8x128xi32, #tpu.memory_space<vmem>>, vector<16xi32>,
        %add3A_624 = arith.constant 2 : i32
        %add3A_625 = vector.broadcast %add3A_624 : i32 to vector<16xi32>
        %add3A_626 = arith.addi %mul3A_605, %add3A_625 : vector<16xi32>
        %gather3A_627 = tpu.vector_load_idx %arg9[%add3A_626] : memref<32776xi32, #tpu.memory_space<vmem>>[vector<16xi32>], vector<16xi32>,
        %swap3A_628 = arith.constant 2 : i32
        %swap3A_629 = arith.index_cast %mul3A_89 : i32 to index
        %swap3A_630 = arith.index_cast %swap3A_628 : i32 to index
        %swap3A_631 = arith.constant 64 : index
        %swap3A_632 = tpu.vector_load %arg14[%swap3A_629, %swap3A_630, %swap3A_631] {strides = array<i32>} : memref<40x8x128xi32, #tpu.memory_space<vmem>>, vector<16xi32>,
        tpu.vector_store %arg14[%swap3A_629, %swap3A_630, %swap3A_631], %gather3A_627 {strides = array<i32>} : memref<40x8x128xi32, #tpu.memory_space<vmem>>, vector<16xi32>,
        %add3A_633 = arith.constant 3 : i32
        %add3A_634 = vector.broadcast %add3A_633 : i32 to vector<16xi32>
        %add3A_635 = arith.addi %mul3A_605, %add3A_634 : vector<16xi32>
        %gather3A_636 = tpu.vector_load_idx %arg9[%add3A_635] : memref<32776xi32, #tpu.memory_space<vmem>>[vector<16xi32>], vector<16xi32>,
        %swap3A_637 = arith.constant 3 : i32
        %swap3A_638 = arith.index_cast %mul3A_89 : i32 to index
        %swap3A_639 = arith.index_cast %swap3A_637 : i32 to index
        %swap3A_640 = arith.constant 64 : index
        %swap3A_641 = tpu.vector_load %arg14[%swap3A_638, %swap3A_639, %swap3A_640] {strides = array<i32>} : memref<40x8x128xi32, #tpu.memory_space<vmem>>, vector<16xi32>,
        tpu.vector_store %arg14[%swap3A_638, %swap3A_639, %swap3A_640], %gather3A_636 {strides = array<i32>} : memref<40x8x128xi32, #tpu.memory_space<vmem>>, vector<16xi32>,
        %add3A_642 = arith.constant 4 : i32
        %add3A_643 = vector.broadcast %add3A_642 : i32 to vector<16xi32>
        %add3A_644 = arith.addi %mul3A_605, %add3A_643 : vector<16xi32>
        %gather3A_645 = tpu.vector_load_idx %arg9[%add3A_644] : memref<32776xi32, #tpu.memory_space<vmem>>[vector<16xi32>], vector<16xi32>,
        %swap3A_646 = arith.constant 4 : i32
        %swap3A_647 = arith.index_cast %mul3A_89 : i32 to index
        %swap3A_648 = arith.index_cast %swap3A_646 : i32 to index
        %swap3A_649 = arith.constant 64 : index
        %swap3A_650 = tpu.vector_load %arg14[%swap3A_647, %swap3A_648, %swap3A_649] {strides = array<i32>} : memref<40x8x128xi32, #tpu.memory_space<vmem>>, vector<16xi32>,
        tpu.vector_store %arg14[%swap3A_647, %swap3A_648, %swap3A_649], %gather3A_645 {strides = array<i32>} : memref<40x8x128xi32, #tpu.memory_space<vmem>>, vector<16xi32>,
        %add3A_651 = arith.constant 5 : i32
        %add3A_652 = vector.broadcast %add3A_651 : i32 to vector<16xi32>
        %add3A_653 = arith.addi %mul3A_605, %add3A_652 : vector<16xi32>
        %gather3A_654 = tpu.vector_load_idx %arg9[%add3A_653] : memref<32776xi32, #tpu.memory_space<vmem>>[vector<16xi32>], vector<16xi32>,
        %swap3A_655 = arith.constant 5 : i32
        %swap3A_656 = arith.index_cast %mul3A_89 : i32 to index
        %swap3A_657 = arith.index_cast %swap3A_655 : i32 to index
        %swap3A_658 = arith.constant 64 : index
        %swap3A_659 = tpu.vector_load %arg14[%swap3A_656, %swap3A_657, %swap3A_658] {strides = array<i32>} : memref<40x8x128xi32, #tpu.memory_space<vmem>>, vector<16xi32>,
        tpu.vector_store %arg14[%swap3A_656, %swap3A_657, %swap3A_658], %gather3A_654 {strides = array<i32>} : memref<40x8x128xi32, #tpu.memory_space<vmem>>, vector<16xi32>,
        %add3A_660 = arith.constant 6 : i32
        %add3A_661 = vector.broadcast %add3A_660 : i32 to vector<16xi32>
        %add3A_662 = arith.addi %mul3A_605, %add3A_661 : vector<16xi32>
        %gather3A_663 = tpu.vector_load_idx %arg9[%add3A_662] : memref<32776xi32, #tpu.memory_space<vmem>>[vector<16xi32>], vector<16xi32>,
        %swap3A_664 = arith.constant 6 : i32
        %swap3A_665 = arith.index_cast %mul3A_89 : i32 to index
        %swap3A_666 = arith.index_cast %swap3A_664 : i32 to index
        %swap3A_667 = arith.constant 64 : index
        %swap3A_668 = tpu.vector_load %arg14[%swap3A_665, %swap3A_666, %swap3A_667] {strides = array<i32>} : memref<40x8x128xi32, #tpu.memory_space<vmem>>, vector<16xi32>,
        tpu.vector_store %arg14[%swap3A_665, %swap3A_666, %swap3A_667], %gather3A_663 {strides = array<i32>} : memref<40x8x128xi32, #tpu.memory_space<vmem>>, vector<16xi32>,
        %add3A_669 = arith.constant 7 : i32
        %add3A_670 = vector.broadcast %add3A_669 : i32 to vector<16xi32>
        %add3A_671 = arith.addi %mul3A_605, %add3A_670 : vector<16xi32>
        %gather3A_672 = tpu.vector_load_idx %arg9[%add3A_671] : memref<32776xi32, #tpu.memory_space<vmem>>[vector<16xi32>], vector<16xi32>,
        %swap3A_673 = arith.constant 7 : i32
        %swap3A_674 = arith.index_cast %mul3A_89 : i32 to index
        %swap3A_675 = arith.index_cast %swap3A_673 : i32 to index
        %swap3A_676 = arith.constant 64 : index
        %swap3A_677 = tpu.vector_load %arg14[%swap3A_674, %swap3A_675, %swap3A_676] {strides = array<i32>} : memref<40x8x128xi32, #tpu.memory_space<vmem>>, vector<16xi32>,
        tpu.vector_store %arg14[%swap3A_674, %swap3A_675, %swap3A_676], %gather3A_672 {strides = array<i32>} : memref<40x8x128xi32, #tpu.memory_space<vmem>>, vector<16xi32>,
        %not3A_678 = arith.constant true
        %not3A_679 = arith.xori %and3A, %not3A_678 : i1
        %convert_element_type3A_680 = arith.extui %not3A_679 : i1 to i32
        %cond3A_681 = arith.constant 0 : i32
        %cond3A_682 = arith.cmpi ne, %convert_element_type3A_680, %cond3A_681 : i32
        scf.if %cond3A_682 {
          %dma_wait3A_1988 = arith.constant 80 : i32
          %dma_wait3A_1989 = tpu.memref_slice %arg10[%dma_wait3A_1988] : memref<128xi32, #tpu.memory_space<vmem>> -> memref<16xi32, #tpu.memory_space<vmem>>
          %dma_wait3A_1990 = arith.constant 80 : i32
          %dma_wait3A_1991 = tpu.memref_slice %arg12[%dma_wait3A_1990] : memref<128xi32, #tpu.memory_space<vmem>> -> memref<16xi32, #tpu.memory_space<vmem>>
          %dma_wait3A_1992 = arith.constant 0 : i32
          %dma_wait3A_1993 = tpu.memref_slice %arg2[%dma_wait3A_1992] : memref<16777216xi32, #tpu.memory_space<hbm>> -> memref<16777216xi32, #tpu.memory_space<hbm>>
          tpu.wait_indirect_dma semaphore(%arg20 : memref<!tpu.dma_semaphore, #tpu.memory_space<semaphore_mem>>) src(%dma_wait3A_1993 : memref<16777216xi32, #tpu.memory_space<hbm>>) dst(%dma_wait3A_1989 : memref<16xi32, #tpu.memory_space<vmem>>)
        } else {
        }
        %get3A_683 = arith.constant 80 : index
        %get3A_684 = tpu.vector_load %arg10[%get3A_683] {strides = array<i32>} : memref<128xi32, #tpu.memory_space<vmem>>, vector<16xi32>,
        %get3A_685 = arith.index_cast %add3A_92 : i32 to index
        %get3A_686 = arith.constant 80 : index
        %get3A_687 = tpu.vector_load %arg8[%get3A_685, %get3A_686] {strides = array<i32>} : memref<200x128xi32, #tpu.memory_space<vmem>>, vector<16xi32>,
        %shift_right_arithmetic3A_688 = arith.constant 3 : i32
        %shift_right_arithmetic3A_689 = vector.broadcast %shift_right_arithmetic3A_688 : i32 to vector<16xi32>
        %shift_right_arithmetic3A_690 = arith.shrsi %get3A_684, %shift_right_arithmetic3A_689 : vector<16xi32>
        %shift_left3A_691 = arith.constant 15 : i32
        %shift_left3A_692 = vector.broadcast %shift_left3A_691 : i32 to vector<16xi32>
        %shift_left3A_693 = arith.shli %shift_right_arithmetic3A_690, %shift_left3A_692 : vector<16xi32>
        %shift_right_arithmetic3A_694 = arith.constant 7 : i32
        %shift_right_arithmetic3A_695 = vector.broadcast %shift_right_arithmetic3A_694 : i32 to vector<16xi32>
        %shift_right_arithmetic3A_696 = arith.shrsi %get3A_687, %shift_right_arithmetic3A_695 : vector<16xi32>
        %shift_left3A_697 = arith.constant 10 : i32
        %shift_left3A_698 = vector.broadcast %shift_left3A_697 : i32 to vector<16xi32>
        %shift_left3A_699 = arith.shli %shift_right_arithmetic3A_696, %shift_left3A_698 : vector<16xi32>
        %add3A_700 = arith.addi %shift_left3A_693, %shift_left3A_699 : vector<16xi32>
        %and3A_701 = arith.constant 7 : i32
        %and3A_702 = vector.broadcast %and3A_701 : i32 to vector<16xi32>
        %and3A_703 = arith.andi %get3A_684, %and3A_702 : vector<16xi32>
        %shift_left3A_704 = arith.constant 7 : i32
        %shift_left3A_705 = vector.broadcast %shift_left3A_704 : i32 to vector<16xi32>
        %shift_left3A_706 = arith.shli %and3A_703, %shift_left3A_705 : vector<16xi32>
        %add3A_707 = arith.addi %add3A_700, %shift_left3A_706 : vector<16xi32>
        %and3A_708 = arith.constant 127 : i32
        %and3A_709 = vector.broadcast %and3A_708 : i32 to vector<16xi32>
        %and3A_710 = arith.andi %get3A_687, %and3A_709 : vector<16xi32>
        %add3A_711 = arith.addi %add3A_707, %and3A_710 : vector<16xi32>
        %dma_start3A_712 = arith.constant 80 : i32
        %dma_start3A_713 = tpu.memref_slice %arg11[%dma_start3A_712] : memref<128xi32, #tpu.memory_space<vmem>> -> memref<16xi32, #tpu.memory_space<vmem>>
        %dma_start3A_714 = arith.constant 0 : i32
        %dma_start3A_715 = tpu.memref_slice %arg2[%dma_start3A_714] : memref<16777216xi32, #tpu.memory_space<hbm>> -> memref<16777216xi32, #tpu.memory_space<hbm>>
        tpu.enqueue_indirect_dma source(%dma_start3A_715 : memref<16777216xi32, #tpu.memory_space<hbm>>) target(%dma_start3A_713 : memref<16xi32, #tpu.memory_space<vmem>>) offsets(%add3A_711 : vector<16xi32>) semaphore(%arg20 : memref<!tpu.dma_semaphore, #tpu.memory_space<semaphore_mem>>)
        %swap3A_716 = arith.index_cast %mul3A_89 : i32 to index
        %swap3A_717 = arith.constant 80 : index
        %swap3A_718 = tpu.vector_load %arg13[%swap3A_716, %swap3A_717] {strides = array<i32>} : memref<40x128xi32, #tpu.memory_space<vmem>>, vector<16xi32>,
        tpu.vector_store %arg13[%swap3A_716, %swap3A_717], %get3A_684 {strides = array<i32>} : memref<40x128xi32, #tpu.memory_space<vmem>>, vector<16xi32>,
        %get3A_719 = arith.constant 80 : index
        %get3A_720 = tpu.vector_load %arg10[%get3A_719] {strides = array<i32>} : memref<128xi32, #tpu.memory_space<vmem>>, vector<16xi32>,
        %mul3A_721 = arith.constant 8 : i32
        %mul3A_722 = vector.broadcast %mul3A_721 : i32 to vector<16xi32>
        %mul3A_723 = arith.muli %get3A_720, %mul3A_722 : vector<16xi32>
        %add3A_724 = arith.constant 0 : i32
        %add3A_725 = vector.broadcast %add3A_724 : i32 to vector<16xi32>
        %add3A_726 = arith.addi %mul3A_723, %add3A_725 : vector<16xi32>
        %gather3A_727 = tpu.vector_load_idx %arg9[%add3A_726] : memref<32776xi32, #tpu.memory_space<vmem>>[vector<16xi32>], vector<16xi32>,
        %swap3A_728 = arith.constant 0 : i32
        %swap3A_729 = arith.index_cast %mul3A_89 : i32 to index
        %swap3A_730 = arith.index_cast %swap3A_728 : i32 to index
        %swap3A_731 = arith.constant 80 : index
        %swap3A_732 = tpu.vector_load %arg14[%swap3A_729, %swap3A_730, %swap3A_731] {strides = array<i32>} : memref<40x8x128xi32, #tpu.memory_space<vmem>>, vector<16xi32>,
        tpu.vector_store %arg14[%swap3A_729, %swap3A_730, %swap3A_731], %gather3A_727 {strides = array<i32>} : memref<40x8x128xi32, #tpu.memory_space<vmem>>, vector<16xi32>,
        %add3A_733 = arith.constant 1 : i32
        %add3A_734 = vector.broadcast %add3A_733 : i32 to vector<16xi32>
        %add3A_735 = arith.addi %mul3A_723, %add3A_734 : vector<16xi32>
        %gather3A_736 = tpu.vector_load_idx %arg9[%add3A_735] : memref<32776xi32, #tpu.memory_space<vmem>>[vector<16xi32>], vector<16xi32>,
        %swap3A_737 = arith.constant 1 : i32
        %swap3A_738 = arith.index_cast %mul3A_89 : i32 to index
        %swap3A_739 = arith.index_cast %swap3A_737 : i32 to index
        %swap3A_740 = arith.constant 80 : index
        %swap3A_741 = tpu.vector_load %arg14[%swap3A_738, %swap3A_739, %swap3A_740] {strides = array<i32>} : memref<40x8x128xi32, #tpu.memory_space<vmem>>, vector<16xi32>,
        tpu.vector_store %arg14[%swap3A_738, %swap3A_739, %swap3A_740], %gather3A_736 {strides = array<i32>} : memref<40x8x128xi32, #tpu.memory_space<vmem>>, vector<16xi32>,
        %add3A_742 = arith.constant 2 : i32
        %add3A_743 = vector.broadcast %add3A_742 : i32 to vector<16xi32>
        %add3A_744 = arith.addi %mul3A_723, %add3A_743 : vector<16xi32>
        %gather3A_745 = tpu.vector_load_idx %arg9[%add3A_744] : memref<32776xi32, #tpu.memory_space<vmem>>[vector<16xi32>], vector<16xi32>,
        %swap3A_746 = arith.constant 2 : i32
        %swap3A_747 = arith.index_cast %mul3A_89 : i32 to index
        %swap3A_748 = arith.index_cast %swap3A_746 : i32 to index
        %swap3A_749 = arith.constant 80 : index
        %swap3A_750 = tpu.vector_load %arg14[%swap3A_747, %swap3A_748, %swap3A_749] {strides = array<i32>} : memref<40x8x128xi32, #tpu.memory_space<vmem>>, vector<16xi32>,
        tpu.vector_store %arg14[%swap3A_747, %swap3A_748, %swap3A_749], %gather3A_745 {strides = array<i32>} : memref<40x8x128xi32, #tpu.memory_space<vmem>>, vector<16xi32>,
        %add3A_751 = arith.constant 3 : i32
        %add3A_752 = vector.broadcast %add3A_751 : i32 to vector<16xi32>
        %add3A_753 = arith.addi %mul3A_723, %add3A_752 : vector<16xi32>
        %gather3A_754 = tpu.vector_load_idx %arg9[%add3A_753] : memref<32776xi32, #tpu.memory_space<vmem>>[vector<16xi32>], vector<16xi32>,
        %swap3A_755 = arith.constant 3 : i32
        %swap3A_756 = arith.index_cast %mul3A_89 : i32 to index
        %swap3A_757 = arith.index_cast %swap3A_755 : i32 to index
        %swap3A_758 = arith.constant 80 : index
        %swap3A_759 = tpu.vector_load %arg14[%swap3A_756, %swap3A_757, %swap3A_758] {strides = array<i32>} : memref<40x8x128xi32, #tpu.memory_space<vmem>>, vector<16xi32>,
        tpu.vector_store %arg14[%swap3A_756, %swap3A_757, %swap3A_758], %gather3A_754 {strides = array<i32>} : memref<40x8x128xi32, #tpu.memory_space<vmem>>, vector<16xi32>,
        %add3A_760 = arith.constant 4 : i32
        %add3A_761 = vector.broadcast %add3A_760 : i32 to vector<16xi32>
        %add3A_762 = arith.addi %mul3A_723, %add3A_761 : vector<16xi32>
        %gather3A_763 = tpu.vector_load_idx %arg9[%add3A_762] : memref<32776xi32, #tpu.memory_space<vmem>>[vector<16xi32>], vector<16xi32>,
        %swap3A_764 = arith.constant 4 : i32
        %swap3A_765 = arith.index_cast %mul3A_89 : i32 to index
        %swap3A_766 = arith.index_cast %swap3A_764 : i32 to index
        %swap3A_767 = arith.constant 80 : index
        %swap3A_768 = tpu.vector_load %arg14[%swap3A_765, %swap3A_766, %swap3A_767] {strides = array<i32>} : memref<40x8x128xi32, #tpu.memory_space<vmem>>, vector<16xi32>,
        tpu.vector_store %arg14[%swap3A_765, %swap3A_766, %swap3A_767], %gather3A_763 {strides = array<i32>} : memref<40x8x128xi32, #tpu.memory_space<vmem>>, vector<16xi32>,
        %add3A_769 = arith.constant 5 : i32
        %add3A_770 = vector.broadcast %add3A_769 : i32 to vector<16xi32>
        %add3A_771 = arith.addi %mul3A_723, %add3A_770 : vector<16xi32>
        %gather3A_772 = tpu.vector_load_idx %arg9[%add3A_771] : memref<32776xi32, #tpu.memory_space<vmem>>[vector<16xi32>], vector<16xi32>,
        %swap3A_773 = arith.constant 5 : i32
        %swap3A_774 = arith.index_cast %mul3A_89 : i32 to index
        %swap3A_775 = arith.index_cast %swap3A_773 : i32 to index
        %swap3A_776 = arith.constant 80 : index
        %swap3A_777 = tpu.vector_load %arg14[%swap3A_774, %swap3A_775, %swap3A_776] {strides = array<i32>} : memref<40x8x128xi32, #tpu.memory_space<vmem>>, vector<16xi32>,
        tpu.vector_store %arg14[%swap3A_774, %swap3A_775, %swap3A_776], %gather3A_772 {strides = array<i32>} : memref<40x8x128xi32, #tpu.memory_space<vmem>>, vector<16xi32>,
        %add3A_778 = arith.constant 6 : i32
        %add3A_779 = vector.broadcast %add3A_778 : i32 to vector<16xi32>
        %add3A_780 = arith.addi %mul3A_723, %add3A_779 : vector<16xi32>
        %gather3A_781 = tpu.vector_load_idx %arg9[%add3A_780] : memref<32776xi32, #tpu.memory_space<vmem>>[vector<16xi32>], vector<16xi32>,
        %swap3A_782 = arith.constant 6 : i32
        %swap3A_783 = arith.index_cast %mul3A_89 : i32 to index
        %swap3A_784 = arith.index_cast %swap3A_782 : i32 to index
        %swap3A_785 = arith.constant 80 : index
        %swap3A_786 = tpu.vector_load %arg14[%swap3A_783, %swap3A_784, %swap3A_785] {strides = array<i32>} : memref<40x8x128xi32, #tpu.memory_space<vmem>>, vector<16xi32>,
        tpu.vector_store %arg14[%swap3A_783, %swap3A_784, %swap3A_785], %gather3A_781 {strides = array<i32>} : memref<40x8x128xi32, #tpu.memory_space<vmem>>, vector<16xi32>,
        %add3A_787 = arith.constant 7 : i32
        %add3A_788 = vector.broadcast %add3A_787 : i32 to vector<16xi32>
        %add3A_789 = arith.addi %mul3A_723, %add3A_788 : vector<16xi32>
        %gather3A_790 = tpu.vector_load_idx %arg9[%add3A_789] : memref<32776xi32, #tpu.memory_space<vmem>>[vector<16xi32>], vector<16xi32>,
        %swap3A_791 = arith.constant 7 : i32
        %swap3A_792 = arith.index_cast %mul3A_89 : i32 to index
        %swap3A_793 = arith.index_cast %swap3A_791 : i32 to index
        %swap3A_794 = arith.constant 80 : index
        %swap3A_795 = tpu.vector_load %arg14[%swap3A_792, %swap3A_793, %swap3A_794] {strides = array<i32>} : memref<40x8x128xi32, #tpu.memory_space<vmem>>, vector<16xi32>,
        tpu.vector_store %arg14[%swap3A_792, %swap3A_793, %swap3A_794], %gather3A_790 {strides = array<i32>} : memref<40x8x128xi32, #tpu.memory_space<vmem>>, vector<16xi32>,
        %not3A_796 = arith.constant true
        %not3A_797 = arith.xori %and3A, %not3A_796 : i1
        %convert_element_type3A_798 = arith.extui %not3A_797 : i1 to i32
        %cond3A_799 = arith.constant 0 : i32
        %cond3A_800 = arith.cmpi ne, %convert_element_type3A_798, %cond3A_799 : i32
        scf.if %cond3A_800 {
          %dma_wait3A_1988 = arith.constant 96 : i32
          %dma_wait3A_1989 = tpu.memref_slice %arg10[%dma_wait3A_1988] : memref<128xi32, #tpu.memory_space<vmem>> -> memref<16xi32, #tpu.memory_space<vmem>>
          %dma_wait3A_1990 = arith.constant 96 : i32
          %dma_wait3A_1991 = tpu.memref_slice %arg12[%dma_wait3A_1990] : memref<128xi32, #tpu.memory_space<vmem>> -> memref<16xi32, #tpu.memory_space<vmem>>
          %dma_wait3A_1992 = arith.constant 0 : i32
          %dma_wait3A_1993 = tpu.memref_slice %arg2[%dma_wait3A_1992] : memref<16777216xi32, #tpu.memory_space<hbm>> -> memref<16777216xi32, #tpu.memory_space<hbm>>
          tpu.wait_indirect_dma semaphore(%arg21 : memref<!tpu.dma_semaphore, #tpu.memory_space<semaphore_mem>>) src(%dma_wait3A_1993 : memref<16777216xi32, #tpu.memory_space<hbm>>) dst(%dma_wait3A_1989 : memref<16xi32, #tpu.memory_space<vmem>>)
        } else {
        }
        %get3A_801 = arith.constant 96 : index
        %get3A_802 = tpu.vector_load %arg10[%get3A_801] {strides = array<i32>} : memref<128xi32, #tpu.memory_space<vmem>>, vector<16xi32>,
        %get3A_803 = arith.index_cast %add3A_92 : i32 to index
        %get3A_804 = arith.constant 96 : index
        %get3A_805 = tpu.vector_load %arg8[%get3A_803, %get3A_804] {strides = array<i32>} : memref<200x128xi32, #tpu.memory_space<vmem>>, vector<16xi32>,
        %shift_right_arithmetic3A_806 = arith.constant 3 : i32
        %shift_right_arithmetic3A_807 = vector.broadcast %shift_right_arithmetic3A_806 : i32 to vector<16xi32>
        %shift_right_arithmetic3A_808 = arith.shrsi %get3A_802, %shift_right_arithmetic3A_807 : vector<16xi32>
        %shift_left3A_809 = arith.constant 15 : i32
        %shift_left3A_810 = vector.broadcast %shift_left3A_809 : i32 to vector<16xi32>
        %shift_left3A_811 = arith.shli %shift_right_arithmetic3A_808, %shift_left3A_810 : vector<16xi32>
        %shift_right_arithmetic3A_812 = arith.constant 7 : i32
        %shift_right_arithmetic3A_813 = vector.broadcast %shift_right_arithmetic3A_812 : i32 to vector<16xi32>
        %shift_right_arithmetic3A_814 = arith.shrsi %get3A_805, %shift_right_arithmetic3A_813 : vector<16xi32>
        %shift_left3A_815 = arith.constant 10 : i32
        %shift_left3A_816 = vector.broadcast %shift_left3A_815 : i32 to vector<16xi32>
        %shift_left3A_817 = arith.shli %shift_right_arithmetic3A_814, %shift_left3A_816 : vector<16xi32>
        %add3A_818 = arith.addi %shift_left3A_811, %shift_left3A_817 : vector<16xi32>
        %and3A_819 = arith.constant 7 : i32
        %and3A_820 = vector.broadcast %and3A_819 : i32 to vector<16xi32>
        %and3A_821 = arith.andi %get3A_802, %and3A_820 : vector<16xi32>
        %shift_left3A_822 = arith.constant 7 : i32
        %shift_left3A_823 = vector.broadcast %shift_left3A_822 : i32 to vector<16xi32>
        %shift_left3A_824 = arith.shli %and3A_821, %shift_left3A_823 : vector<16xi32>
        %add3A_825 = arith.addi %add3A_818, %shift_left3A_824 : vector<16xi32>
        %and3A_826 = arith.constant 127 : i32
        %and3A_827 = vector.broadcast %and3A_826 : i32 to vector<16xi32>
        %and3A_828 = arith.andi %get3A_805, %and3A_827 : vector<16xi32>
        %add3A_829 = arith.addi %add3A_825, %and3A_828 : vector<16xi32>
        %dma_start3A_830 = arith.constant 96 : i32
        %dma_start3A_831 = tpu.memref_slice %arg11[%dma_start3A_830] : memref<128xi32, #tpu.memory_space<vmem>> -> memref<16xi32, #tpu.memory_space<vmem>>
        %dma_start3A_832 = arith.constant 0 : i32
        %dma_start3A_833 = tpu.memref_slice %arg2[%dma_start3A_832] : memref<16777216xi32, #tpu.memory_space<hbm>> -> memref<16777216xi32, #tpu.memory_space<hbm>>
        tpu.enqueue_indirect_dma source(%dma_start3A_833 : memref<16777216xi32, #tpu.memory_space<hbm>>) target(%dma_start3A_831 : memref<16xi32, #tpu.memory_space<vmem>>) offsets(%add3A_829 : vector<16xi32>) semaphore(%arg21 : memref<!tpu.dma_semaphore, #tpu.memory_space<semaphore_mem>>)
        %swap3A_834 = arith.index_cast %mul3A_89 : i32 to index
        %swap3A_835 = arith.constant 96 : index
        %swap3A_836 = tpu.vector_load %arg13[%swap3A_834, %swap3A_835] {strides = array<i32>} : memref<40x128xi32, #tpu.memory_space<vmem>>, vector<16xi32>,
        tpu.vector_store %arg13[%swap3A_834, %swap3A_835], %get3A_802 {strides = array<i32>} : memref<40x128xi32, #tpu.memory_space<vmem>>, vector<16xi32>,
        %get3A_837 = arith.constant 96 : index
        %get3A_838 = tpu.vector_load %arg10[%get3A_837] {strides = array<i32>} : memref<128xi32, #tpu.memory_space<vmem>>, vector<16xi32>,
        %mul3A_839 = arith.constant 8 : i32
        %mul3A_840 = vector.broadcast %mul3A_839 : i32 to vector<16xi32>
        %mul3A_841 = arith.muli %get3A_838, %mul3A_840 : vector<16xi32>
        %add3A_842 = arith.constant 0 : i32
        %add3A_843 = vector.broadcast %add3A_842 : i32 to vector<16xi32>
        %add3A_844 = arith.addi %mul3A_841, %add3A_843 : vector<16xi32>
        %gather3A_845 = tpu.vector_load_idx %arg9[%add3A_844] : memref<32776xi32, #tpu.memory_space<vmem>>[vector<16xi32>], vector<16xi32>,
        %swap3A_846 = arith.constant 0 : i32
        %swap3A_847 = arith.index_cast %mul3A_89 : i32 to index
        %swap3A_848 = arith.index_cast %swap3A_846 : i32 to index
        %swap3A_849 = arith.constant 96 : index
        %swap3A_850 = tpu.vector_load %arg14[%swap3A_847, %swap3A_848, %swap3A_849] {strides = array<i32>} : memref<40x8x128xi32, #tpu.memory_space<vmem>>, vector<16xi32>,
        tpu.vector_store %arg14[%swap3A_847, %swap3A_848, %swap3A_849], %gather3A_845 {strides = array<i32>} : memref<40x8x128xi32, #tpu.memory_space<vmem>>, vector<16xi32>,
        %add3A_851 = arith.constant 1 : i32
        %add3A_852 = vector.broadcast %add3A_851 : i32 to vector<16xi32>
        %add3A_853 = arith.addi %mul3A_841, %add3A_852 : vector<16xi32>
        %gather3A_854 = tpu.vector_load_idx %arg9[%add3A_853] : memref<32776xi32, #tpu.memory_space<vmem>>[vector<16xi32>], vector<16xi32>,
        %swap3A_855 = arith.constant 1 : i32
        %swap3A_856 = arith.index_cast %mul3A_89 : i32 to index
        %swap3A_857 = arith.index_cast %swap3A_855 : i32 to index
        %swap3A_858 = arith.constant 96 : index
        %swap3A_859 = tpu.vector_load %arg14[%swap3A_856, %swap3A_857, %swap3A_858] {strides = array<i32>} : memref<40x8x128xi32, #tpu.memory_space<vmem>>, vector<16xi32>,
        tpu.vector_store %arg14[%swap3A_856, %swap3A_857, %swap3A_858], %gather3A_854 {strides = array<i32>} : memref<40x8x128xi32, #tpu.memory_space<vmem>>, vector<16xi32>,
        %add3A_860 = arith.constant 2 : i32
        %add3A_861 = vector.broadcast %add3A_860 : i32 to vector<16xi32>
        %add3A_862 = arith.addi %mul3A_841, %add3A_861 : vector<16xi32>
        %gather3A_863 = tpu.vector_load_idx %arg9[%add3A_862] : memref<32776xi32, #tpu.memory_space<vmem>>[vector<16xi32>], vector<16xi32>,
        %swap3A_864 = arith.constant 2 : i32
        %swap3A_865 = arith.index_cast %mul3A_89 : i32 to index
        %swap3A_866 = arith.index_cast %swap3A_864 : i32 to index
        %swap3A_867 = arith.constant 96 : index
        %swap3A_868 = tpu.vector_load %arg14[%swap3A_865, %swap3A_866, %swap3A_867] {strides = array<i32>} : memref<40x8x128xi32, #tpu.memory_space<vmem>>, vector<16xi32>,
        tpu.vector_store %arg14[%swap3A_865, %swap3A_866, %swap3A_867], %gather3A_863 {strides = array<i32>} : memref<40x8x128xi32, #tpu.memory_space<vmem>>, vector<16xi32>,
        %add3A_869 = arith.constant 3 : i32
        %add3A_870 = vector.broadcast %add3A_869 : i32 to vector<16xi32>
        %add3A_871 = arith.addi %mul3A_841, %add3A_870 : vector<16xi32>
        %gather3A_872 = tpu.vector_load_idx %arg9[%add3A_871] : memref<32776xi32, #tpu.memory_space<vmem>>[vector<16xi32>], vector<16xi32>,
        %swap3A_873 = arith.constant 3 : i32
        %swap3A_874 = arith.index_cast %mul3A_89 : i32 to index
        %swap3A_875 = arith.index_cast %swap3A_873 : i32 to index
        %swap3A_876 = arith.constant 96 : index
        %swap3A_877 = tpu.vector_load %arg14[%swap3A_874, %swap3A_875, %swap3A_876] {strides = array<i32>} : memref<40x8x128xi32, #tpu.memory_space<vmem>>, vector<16xi32>,
        tpu.vector_store %arg14[%swap3A_874, %swap3A_875, %swap3A_876], %gather3A_872 {strides = array<i32>} : memref<40x8x128xi32, #tpu.memory_space<vmem>>, vector<16xi32>,
        %add3A_878 = arith.constant 4 : i32
        %add3A_879 = vector.broadcast %add3A_878 : i32 to vector<16xi32>
        %add3A_880 = arith.addi %mul3A_841, %add3A_879 : vector<16xi32>
        %gather3A_881 = tpu.vector_load_idx %arg9[%add3A_880] : memref<32776xi32, #tpu.memory_space<vmem>>[vector<16xi32>], vector<16xi32>,
        %swap3A_882 = arith.constant 4 : i32
        %swap3A_883 = arith.index_cast %mul3A_89 : i32 to index
        %swap3A_884 = arith.index_cast %swap3A_882 : i32 to index
        %swap3A_885 = arith.constant 96 : index
        %swap3A_886 = tpu.vector_load %arg14[%swap3A_883, %swap3A_884, %swap3A_885] {strides = array<i32>} : memref<40x8x128xi32, #tpu.memory_space<vmem>>, vector<16xi32>,
        tpu.vector_store %arg14[%swap3A_883, %swap3A_884, %swap3A_885], %gather3A_881 {strides = array<i32>} : memref<40x8x128xi32, #tpu.memory_space<vmem>>, vector<16xi32>,
        %add3A_887 = arith.constant 5 : i32
        %add3A_888 = vector.broadcast %add3A_887 : i32 to vector<16xi32>
        %add3A_889 = arith.addi %mul3A_841, %add3A_888 : vector<16xi32>
        %gather3A_890 = tpu.vector_load_idx %arg9[%add3A_889] : memref<32776xi32, #tpu.memory_space<vmem>>[vector<16xi32>], vector<16xi32>,
        %swap3A_891 = arith.constant 5 : i32
        %swap3A_892 = arith.index_cast %mul3A_89 : i32 to index
        %swap3A_893 = arith.index_cast %swap3A_891 : i32 to index
        %swap3A_894 = arith.constant 96 : index
        %swap3A_895 = tpu.vector_load %arg14[%swap3A_892, %swap3A_893, %swap3A_894] {strides = array<i32>} : memref<40x8x128xi32, #tpu.memory_space<vmem>>, vector<16xi32>,
        tpu.vector_store %arg14[%swap3A_892, %swap3A_893, %swap3A_894], %gather3A_890 {strides = array<i32>} : memref<40x8x128xi32, #tpu.memory_space<vmem>>, vector<16xi32>,
        %add3A_896 = arith.constant 6 : i32
        %add3A_897 = vector.broadcast %add3A_896 : i32 to vector<16xi32>
        %add3A_898 = arith.addi %mul3A_841, %add3A_897 : vector<16xi32>
        %gather3A_899 = tpu.vector_load_idx %arg9[%add3A_898] : memref<32776xi32, #tpu.memory_space<vmem>>[vector<16xi32>], vector<16xi32>,
        %swap3A_900 = arith.constant 6 : i32
        %swap3A_901 = arith.index_cast %mul3A_89 : i32 to index
        %swap3A_902 = arith.index_cast %swap3A_900 : i32 to index
        %swap3A_903 = arith.constant 96 : index
        %swap3A_904 = tpu.vector_load %arg14[%swap3A_901, %swap3A_902, %swap3A_903] {strides = array<i32>} : memref<40x8x128xi32, #tpu.memory_space<vmem>>, vector<16xi32>,
        tpu.vector_store %arg14[%swap3A_901, %swap3A_902, %swap3A_903], %gather3A_899 {strides = array<i32>} : memref<40x8x128xi32, #tpu.memory_space<vmem>>, vector<16xi32>,
        %add3A_905 = arith.constant 7 : i32
        %add3A_906 = vector.broadcast %add3A_905 : i32 to vector<16xi32>
        %add3A_907 = arith.addi %mul3A_841, %add3A_906 : vector<16xi32>
        %gather3A_908 = tpu.vector_load_idx %arg9[%add3A_907] : memref<32776xi32, #tpu.memory_space<vmem>>[vector<16xi32>], vector<16xi32>,
        %swap3A_909 = arith.constant 7 : i32
        %swap3A_910 = arith.index_cast %mul3A_89 : i32 to index
        %swap3A_911 = arith.index_cast %swap3A_909 : i32 to index
        %swap3A_912 = arith.constant 96 : index
        %swap3A_913 = tpu.vector_load %arg14[%swap3A_910, %swap3A_911, %swap3A_912] {strides = array<i32>} : memref<40x8x128xi32, #tpu.memory_space<vmem>>, vector<16xi32>,
        tpu.vector_store %arg14[%swap3A_910, %swap3A_911, %swap3A_912], %gather3A_908 {strides = array<i32>} : memref<40x8x128xi32, #tpu.memory_space<vmem>>, vector<16xi32>,
        %not3A_914 = arith.constant true
        %not3A_915 = arith.xori %and3A, %not3A_914 : i1
        %convert_element_type3A_916 = arith.extui %not3A_915 : i1 to i32
        %cond3A_917 = arith.constant 0 : i32
        %cond3A_918 = arith.cmpi ne, %convert_element_type3A_916, %cond3A_917 : i32
        scf.if %cond3A_918 {
          %dma_wait3A_1988 = arith.constant 112 : i32
          %dma_wait3A_1989 = tpu.memref_slice %arg10[%dma_wait3A_1988] : memref<128xi32, #tpu.memory_space<vmem>> -> memref<16xi32, #tpu.memory_space<vmem>>
          %dma_wait3A_1990 = arith.constant 112 : i32
          %dma_wait3A_1991 = tpu.memref_slice %arg12[%dma_wait3A_1990] : memref<128xi32, #tpu.memory_space<vmem>> -> memref<16xi32, #tpu.memory_space<vmem>>
          %dma_wait3A_1992 = arith.constant 0 : i32
          %dma_wait3A_1993 = tpu.memref_slice %arg2[%dma_wait3A_1992] : memref<16777216xi32, #tpu.memory_space<hbm>> -> memref<16777216xi32, #tpu.memory_space<hbm>>
          tpu.wait_indirect_dma semaphore(%arg22 : memref<!tpu.dma_semaphore, #tpu.memory_space<semaphore_mem>>) src(%dma_wait3A_1993 : memref<16777216xi32, #tpu.memory_space<hbm>>) dst(%dma_wait3A_1989 : memref<16xi32, #tpu.memory_space<vmem>>)
        } else {
        }
        %get3A_919 = arith.constant 112 : index
        %get3A_920 = tpu.vector_load %arg10[%get3A_919] {strides = array<i32>} : memref<128xi32, #tpu.memory_space<vmem>>, vector<16xi32>,
        %get3A_921 = arith.index_cast %add3A_92 : i32 to index
        %get3A_922 = arith.constant 112 : index
        %get3A_923 = tpu.vector_load %arg8[%get3A_921, %get3A_922] {strides = array<i32>} : memref<200x128xi32, #tpu.memory_space<vmem>>, vector<16xi32>,
        %shift_right_arithmetic3A_924 = arith.constant 3 : i32
        %shift_right_arithmetic3A_925 = vector.broadcast %shift_right_arithmetic3A_924 : i32 to vector<16xi32>
        %shift_right_arithmetic3A_926 = arith.shrsi %get3A_920, %shift_right_arithmetic3A_925 : vector<16xi32>
        %shift_left3A_927 = arith.constant 15 : i32
        %shift_left3A_928 = vector.broadcast %shift_left3A_927 : i32 to vector<16xi32>
        %shift_left3A_929 = arith.shli %shift_right_arithmetic3A_926, %shift_left3A_928 : vector<16xi32>
        %shift_right_arithmetic3A_930 = arith.constant 7 : i32
        %shift_right_arithmetic3A_931 = vector.broadcast %shift_right_arithmetic3A_930 : i32 to vector<16xi32>
        %shift_right_arithmetic3A_932 = arith.shrsi %get3A_923, %shift_right_arithmetic3A_931 : vector<16xi32>
        %shift_left3A_933 = arith.constant 10 : i32
        %shift_left3A_934 = vector.broadcast %shift_left3A_933 : i32 to vector<16xi32>
        %shift_left3A_935 = arith.shli %shift_right_arithmetic3A_932, %shift_left3A_934 : vector<16xi32>
        %add3A_936 = arith.addi %shift_left3A_929, %shift_left3A_935 : vector<16xi32>
        %and3A_937 = arith.constant 7 : i32
        %and3A_938 = vector.broadcast %and3A_937 : i32 to vector<16xi32>
        %and3A_939 = arith.andi %get3A_920, %and3A_938 : vector<16xi32>
        %shift_left3A_940 = arith.constant 7 : i32
        %shift_left3A_941 = vector.broadcast %shift_left3A_940 : i32 to vector<16xi32>
        %shift_left3A_942 = arith.shli %and3A_939, %shift_left3A_941 : vector<16xi32>
        %add3A_943 = arith.addi %add3A_936, %shift_left3A_942 : vector<16xi32>
        %and3A_944 = arith.constant 127 : i32
        %and3A_945 = vector.broadcast %and3A_944 : i32 to vector<16xi32>
        %and3A_946 = arith.andi %get3A_923, %and3A_945 : vector<16xi32>
        %add3A_947 = arith.addi %add3A_943, %and3A_946 : vector<16xi32>
        %dma_start3A_948 = arith.constant 112 : i32
        %dma_start3A_949 = tpu.memref_slice %arg11[%dma_start3A_948] : memref<128xi32, #tpu.memory_space<vmem>> -> memref<16xi32, #tpu.memory_space<vmem>>
        %dma_start3A_950 = arith.constant 0 : i32
        %dma_start3A_951 = tpu.memref_slice %arg2[%dma_start3A_950] : memref<16777216xi32, #tpu.memory_space<hbm>> -> memref<16777216xi32, #tpu.memory_space<hbm>>
        tpu.enqueue_indirect_dma source(%dma_start3A_951 : memref<16777216xi32, #tpu.memory_space<hbm>>) target(%dma_start3A_949 : memref<16xi32, #tpu.memory_space<vmem>>) offsets(%add3A_947 : vector<16xi32>) semaphore(%arg22 : memref<!tpu.dma_semaphore, #tpu.memory_space<semaphore_mem>>)
        %swap3A_952 = arith.index_cast %mul3A_89 : i32 to index
        %swap3A_953 = arith.constant 112 : index
        %swap3A_954 = tpu.vector_load %arg13[%swap3A_952, %swap3A_953] {strides = array<i32>} : memref<40x128xi32, #tpu.memory_space<vmem>>, vector<16xi32>,
        tpu.vector_store %arg13[%swap3A_952, %swap3A_953], %get3A_920 {strides = array<i32>} : memref<40x128xi32, #tpu.memory_space<vmem>>, vector<16xi32>,
        %get3A_955 = arith.constant 112 : index
        %get3A_956 = tpu.vector_load %arg10[%get3A_955] {strides = array<i32>} : memref<128xi32, #tpu.memory_space<vmem>>, vector<16xi32>,
        %mul3A_957 = arith.constant 8 : i32
        %mul3A_958 = vector.broadcast %mul3A_957 : i32 to vector<16xi32>
        %mul3A_959 = arith.muli %get3A_956, %mul3A_958 : vector<16xi32>
        %add3A_960 = arith.constant 0 : i32
        %add3A_961 = vector.broadcast %add3A_960 : i32 to vector<16xi32>
        %add3A_962 = arith.addi %mul3A_959, %add3A_961 : vector<16xi32>
        %gather3A_963 = tpu.vector_load_idx %arg9[%add3A_962] : memref<32776xi32, #tpu.memory_space<vmem>>[vector<16xi32>], vector<16xi32>,
        %swap3A_964 = arith.constant 0 : i32
        %swap3A_965 = arith.index_cast %mul3A_89 : i32 to index
        %swap3A_966 = arith.index_cast %swap3A_964 : i32 to index
        %swap3A_967 = arith.constant 112 : index
        %swap3A_968 = tpu.vector_load %arg14[%swap3A_965, %swap3A_966, %swap3A_967] {strides = array<i32>} : memref<40x8x128xi32, #tpu.memory_space<vmem>>, vector<16xi32>,
        tpu.vector_store %arg14[%swap3A_965, %swap3A_966, %swap3A_967], %gather3A_963 {strides = array<i32>} : memref<40x8x128xi32, #tpu.memory_space<vmem>>, vector<16xi32>,
        %add3A_969 = arith.constant 1 : i32
        %add3A_970 = vector.broadcast %add3A_969 : i32 to vector<16xi32>
        %add3A_971 = arith.addi %mul3A_959, %add3A_970 : vector<16xi32>
        %gather3A_972 = tpu.vector_load_idx %arg9[%add3A_971] : memref<32776xi32, #tpu.memory_space<vmem>>[vector<16xi32>], vector<16xi32>,
        %swap3A_973 = arith.constant 1 : i32
        %swap3A_974 = arith.index_cast %mul3A_89 : i32 to index
        %swap3A_975 = arith.index_cast %swap3A_973 : i32 to index
        %swap3A_976 = arith.constant 112 : index
        %swap3A_977 = tpu.vector_load %arg14[%swap3A_974, %swap3A_975, %swap3A_976] {strides = array<i32>} : memref<40x8x128xi32, #tpu.memory_space<vmem>>, vector<16xi32>,
        tpu.vector_store %arg14[%swap3A_974, %swap3A_975, %swap3A_976], %gather3A_972 {strides = array<i32>} : memref<40x8x128xi32, #tpu.memory_space<vmem>>, vector<16xi32>,
        %add3A_978 = arith.constant 2 : i32
        %add3A_979 = vector.broadcast %add3A_978 : i32 to vector<16xi32>
        %add3A_980 = arith.addi %mul3A_959, %add3A_979 : vector<16xi32>
        %gather3A_981 = tpu.vector_load_idx %arg9[%add3A_980] : memref<32776xi32, #tpu.memory_space<vmem>>[vector<16xi32>], vector<16xi32>,
        %swap3A_982 = arith.constant 2 : i32
        %swap3A_983 = arith.index_cast %mul3A_89 : i32 to index
        %swap3A_984 = arith.index_cast %swap3A_982 : i32 to index
        %swap3A_985 = arith.constant 112 : index
        %swap3A_986 = tpu.vector_load %arg14[%swap3A_983, %swap3A_984, %swap3A_985] {strides = array<i32>} : memref<40x8x128xi32, #tpu.memory_space<vmem>>, vector<16xi32>,
        tpu.vector_store %arg14[%swap3A_983, %swap3A_984, %swap3A_985], %gather3A_981 {strides = array<i32>} : memref<40x8x128xi32, #tpu.memory_space<vmem>>, vector<16xi32>,
        %add3A_987 = arith.constant 3 : i32
        %add3A_988 = vector.broadcast %add3A_987 : i32 to vector<16xi32>
        %add3A_989 = arith.addi %mul3A_959, %add3A_988 : vector<16xi32>
        %gather3A_990 = tpu.vector_load_idx %arg9[%add3A_989] : memref<32776xi32, #tpu.memory_space<vmem>>[vector<16xi32>], vector<16xi32>,
        %swap3A_991 = arith.constant 3 : i32
        %swap3A_992 = arith.index_cast %mul3A_89 : i32 to index
        %swap3A_993 = arith.index_cast %swap3A_991 : i32 to index
        %swap3A_994 = arith.constant 112 : index
        %swap3A_995 = tpu.vector_load %arg14[%swap3A_992, %swap3A_993, %swap3A_994] {strides = array<i32>} : memref<40x8x128xi32, #tpu.memory_space<vmem>>, vector<16xi32>,
        tpu.vector_store %arg14[%swap3A_992, %swap3A_993, %swap3A_994], %gather3A_990 {strides = array<i32>} : memref<40x8x128xi32, #tpu.memory_space<vmem>>, vector<16xi32>,
        %add3A_996 = arith.constant 4 : i32
        %add3A_997 = vector.broadcast %add3A_996 : i32 to vector<16xi32>
        %add3A_998 = arith.addi %mul3A_959, %add3A_997 : vector<16xi32>
        %gather3A_999 = tpu.vector_load_idx %arg9[%add3A_998] : memref<32776xi32, #tpu.memory_space<vmem>>[vector<16xi32>], vector<16xi32>,
        %swap3A_1000 = arith.constant 4 : i32
        %swap3A_1001 = arith.index_cast %mul3A_89 : i32 to index
        %swap3A_1002 = arith.index_cast %swap3A_1000 : i32 to index
        %swap3A_1003 = arith.constant 112 : index
        %swap3A_1004 = tpu.vector_load %arg14[%swap3A_1001, %swap3A_1002, %swap3A_1003] {strides = array<i32>} : memref<40x8x128xi32, #tpu.memory_space<vmem>>, vector<16xi32>,
        tpu.vector_store %arg14[%swap3A_1001, %swap3A_1002, %swap3A_1003], %gather3A_999 {strides = array<i32>} : memref<40x8x128xi32, #tpu.memory_space<vmem>>, vector<16xi32>,
        %add3A_1005 = arith.constant 5 : i32
        %add3A_1006 = vector.broadcast %add3A_1005 : i32 to vector<16xi32>
        %add3A_1007 = arith.addi %mul3A_959, %add3A_1006 : vector<16xi32>
        %gather3A_1008 = tpu.vector_load_idx %arg9[%add3A_1007] : memref<32776xi32, #tpu.memory_space<vmem>>[vector<16xi32>], vector<16xi32>,
        %swap3A_1009 = arith.constant 5 : i32
        %swap3A_1010 = arith.index_cast %mul3A_89 : i32 to index
        %swap3A_1011 = arith.index_cast %swap3A_1009 : i32 to index
        %swap3A_1012 = arith.constant 112 : index
        %swap3A_1013 = tpu.vector_load %arg14[%swap3A_1010, %swap3A_1011, %swap3A_1012] {strides = array<i32>} : memref<40x8x128xi32, #tpu.memory_space<vmem>>, vector<16xi32>,
        tpu.vector_store %arg14[%swap3A_1010, %swap3A_1011, %swap3A_1012], %gather3A_1008 {strides = array<i32>} : memref<40x8x128xi32, #tpu.memory_space<vmem>>, vector<16xi32>,
        %add3A_1014 = arith.constant 6 : i32
        %add3A_1015 = vector.broadcast %add3A_1014 : i32 to vector<16xi32>
        %add3A_1016 = arith.addi %mul3A_959, %add3A_1015 : vector<16xi32>
        %gather3A_1017 = tpu.vector_load_idx %arg9[%add3A_1016] : memref<32776xi32, #tpu.memory_space<vmem>>[vector<16xi32>], vector<16xi32>,
        %swap3A_1018 = arith.constant 6 : i32
        %swap3A_1019 = arith.index_cast %mul3A_89 : i32 to index
        %swap3A_1020 = arith.index_cast %swap3A_1018 : i32 to index
        %swap3A_1021 = arith.constant 112 : index
        %swap3A_1022 = tpu.vector_load %arg14[%swap3A_1019, %swap3A_1020, %swap3A_1021] {strides = array<i32>} : memref<40x8x128xi32, #tpu.memory_space<vmem>>, vector<16xi32>,
        tpu.vector_store %arg14[%swap3A_1019, %swap3A_1020, %swap3A_1021], %gather3A_1017 {strides = array<i32>} : memref<40x8x128xi32, #tpu.memory_space<vmem>>, vector<16xi32>,
        %add3A_1023 = arith.constant 7 : i32
        %add3A_1024 = vector.broadcast %add3A_1023 : i32 to vector<16xi32>
        %add3A_1025 = arith.addi %mul3A_959, %add3A_1024 : vector<16xi32>
        %gather3A_1026 = tpu.vector_load_idx %arg9[%add3A_1025] : memref<32776xi32, #tpu.memory_space<vmem>>[vector<16xi32>], vector<16xi32>,
        %swap3A_1027 = arith.constant 7 : i32
        %swap3A_1028 = arith.index_cast %mul3A_89 : i32 to index
        %swap3A_1029 = arith.index_cast %swap3A_1027 : i32 to index
        %swap3A_1030 = arith.constant 112 : index
        %swap3A_1031 = tpu.vector_load %arg14[%swap3A_1028, %swap3A_1029, %swap3A_1030] {strides = array<i32>} : memref<40x8x128xi32, #tpu.memory_space<vmem>>, vector<16xi32>,
        tpu.vector_store %arg14[%swap3A_1028, %swap3A_1029, %swap3A_1030], %gather3A_1026 {strides = array<i32>} : memref<40x8x128xi32, #tpu.memory_space<vmem>>, vector<16xi32>,
        %add3A_1032 = arith.constant 1 : i32
        %add3A_1033 = arith.addi %add3A_92, %add3A_1032 : i32
        %add3A_1034 = arith.constant 1 : i32
        %add3A_1035 = arith.addi %mul3A_89, %add3A_1034 : i32
        %not3A_1036 = arith.constant false
        %not3A_1037 = arith.constant true
        %not3A_1038 = arith.xori %not3A_1036, %not3A_1037 : i1
        %convert_element_type3A_1039 = arith.extui %not3A_1038 : i1 to i32
        %cond3A_1040 = arith.constant 0 : i32
        %cond3A_1041 = arith.cmpi ne, %convert_element_type3A_1039, %cond3A_1040 : i32
        scf.if %cond3A_1041 {
          %dma_wait3A_1988 = arith.constant 0 : i32
          %dma_wait3A_1989 = tpu.memref_slice %arg11[%dma_wait3A_1988] : memref<128xi32, #tpu.memory_space<vmem>> -> memref<16xi32, #tpu.memory_space<vmem>>
          %dma_wait3A_1990 = arith.constant 0 : i32
          %dma_wait3A_1991 = tpu.memref_slice %arg12[%dma_wait3A_1990] : memref<128xi32, #tpu.memory_space<vmem>> -> memref<16xi32, #tpu.memory_space<vmem>>
          %dma_wait3A_1992 = arith.constant 0 : i32
          %dma_wait3A_1993 = tpu.memref_slice %arg2[%dma_wait3A_1992] : memref<16777216xi32, #tpu.memory_space<hbm>> -> memref<16777216xi32, #tpu.memory_space<hbm>>
          tpu.wait_indirect_dma semaphore(%arg15 : memref<!tpu.dma_semaphore, #tpu.memory_space<semaphore_mem>>) src(%dma_wait3A_1993 : memref<16777216xi32, #tpu.memory_space<hbm>>) dst(%dma_wait3A_1989 : memref<16xi32, #tpu.memory_space<vmem>>)
        } else {
        }
        %get3A_1042 = arith.constant 0 : index
        %get3A_1043 = tpu.vector_load %arg11[%get3A_1042] {strides = array<i32>} : memref<128xi32, #tpu.memory_space<vmem>>, vector<16xi32>,
        %get3A_1044 = arith.index_cast %add3A_1033 : i32 to index
        %get3A_1045 = arith.constant 0 : index
        %get3A_1046 = tpu.vector_load %arg8[%get3A_1044, %get3A_1045] {strides = array<i32>} : memref<200x128xi32, #tpu.memory_space<vmem>>, vector<16xi32>,
        %shift_right_arithmetic3A_1047 = arith.constant 3 : i32
        %shift_right_arithmetic3A_1048 = vector.broadcast %shift_right_arithmetic3A_1047 : i32 to vector<16xi32>
        %shift_right_arithmetic3A_1049 = arith.shrsi %get3A_1043, %shift_right_arithmetic3A_1048 : vector<16xi32>
        %shift_left3A_1050 = arith.constant 15 : i32
        %shift_left3A_1051 = vector.broadcast %shift_left3A_1050 : i32 to vector<16xi32>
        %shift_left3A_1052 = arith.shli %shift_right_arithmetic3A_1049, %shift_left3A_1051 : vector<16xi32>
        %shift_right_arithmetic3A_1053 = arith.constant 7 : i32
        %shift_right_arithmetic3A_1054 = vector.broadcast %shift_right_arithmetic3A_1053 : i32 to vector<16xi32>
        %shift_right_arithmetic3A_1055 = arith.shrsi %get3A_1046, %shift_right_arithmetic3A_1054 : vector<16xi32>
        %shift_left3A_1056 = arith.constant 10 : i32
        %shift_left3A_1057 = vector.broadcast %shift_left3A_1056 : i32 to vector<16xi32>
        %shift_left3A_1058 = arith.shli %shift_right_arithmetic3A_1055, %shift_left3A_1057 : vector<16xi32>
        %add3A_1059 = arith.addi %shift_left3A_1052, %shift_left3A_1058 : vector<16xi32>
        %and3A_1060 = arith.constant 7 : i32
        %and3A_1061 = vector.broadcast %and3A_1060 : i32 to vector<16xi32>
        %and3A_1062 = arith.andi %get3A_1043, %and3A_1061 : vector<16xi32>
        %shift_left3A_1063 = arith.constant 7 : i32
        %shift_left3A_1064 = vector.broadcast %shift_left3A_1063 : i32 to vector<16xi32>
        %shift_left3A_1065 = arith.shli %and3A_1062, %shift_left3A_1064 : vector<16xi32>
        %add3A_1066 = arith.addi %add3A_1059, %shift_left3A_1065 : vector<16xi32>
        %and3A_1067 = arith.constant 127 : i32
        %and3A_1068 = vector.broadcast %and3A_1067 : i32 to vector<16xi32>
        %and3A_1069 = arith.andi %get3A_1046, %and3A_1068 : vector<16xi32>
        %add3A_1070 = arith.addi %add3A_1066, %and3A_1069 : vector<16xi32>
        %dma_start3A_1071 = arith.constant 0 : i32
        %dma_start3A_1072 = tpu.memref_slice %arg10[%dma_start3A_1071] : memref<128xi32, #tpu.memory_space<vmem>> -> memref<16xi32, #tpu.memory_space<vmem>>
        %dma_start3A_1073 = arith.constant 0 : i32
        %dma_start3A_1074 = tpu.memref_slice %arg2[%dma_start3A_1073] : memref<16777216xi32, #tpu.memory_space<hbm>> -> memref<16777216xi32, #tpu.memory_space<hbm>>
        tpu.enqueue_indirect_dma source(%dma_start3A_1074 : memref<16777216xi32, #tpu.memory_space<hbm>>) target(%dma_start3A_1072 : memref<16xi32, #tpu.memory_space<vmem>>) offsets(%add3A_1070 : vector<16xi32>) semaphore(%arg15 : memref<!tpu.dma_semaphore, #tpu.memory_space<semaphore_mem>>)
        %swap3A_1075 = arith.index_cast %add3A_1035 : i32 to index
        %swap3A_1076 = arith.constant 0 : index
        %swap3A_1077 = tpu.vector_load %arg13[%swap3A_1075, %swap3A_1076] {strides = array<i32>} : memref<40x128xi32, #tpu.memory_space<vmem>>, vector<16xi32>,
        tpu.vector_store %arg13[%swap3A_1075, %swap3A_1076], %get3A_1043 {strides = array<i32>} : memref<40x128xi32, #tpu.memory_space<vmem>>, vector<16xi32>,
        %get3A_1078 = arith.constant 0 : index
        %get3A_1079 = tpu.vector_load %arg11[%get3A_1078] {strides = array<i32>} : memref<128xi32, #tpu.memory_space<vmem>>, vector<16xi32>,
        %mul3A_1080 = arith.constant 8 : i32
        %mul3A_1081 = vector.broadcast %mul3A_1080 : i32 to vector<16xi32>
        %mul3A_1082 = arith.muli %get3A_1079, %mul3A_1081 : vector<16xi32>
        %add3A_1083 = arith.constant 0 : i32
        %add3A_1084 = vector.broadcast %add3A_1083 : i32 to vector<16xi32>
        %add3A_1085 = arith.addi %mul3A_1082, %add3A_1084 : vector<16xi32>
        %gather3A_1086 = tpu.vector_load_idx %arg9[%add3A_1085] : memref<32776xi32, #tpu.memory_space<vmem>>[vector<16xi32>], vector<16xi32>,
        %swap3A_1087 = arith.constant 0 : i32
        %swap3A_1088 = arith.index_cast %add3A_1035 : i32 to index
        %swap3A_1089 = arith.index_cast %swap3A_1087 : i32 to index
        %swap3A_1090 = arith.constant 0 : index
        %swap3A_1091 = tpu.vector_load %arg14[%swap3A_1088, %swap3A_1089, %swap3A_1090] {strides = array<i32>} : memref<40x8x128xi32, #tpu.memory_space<vmem>>, vector<16xi32>,
        tpu.vector_store %arg14[%swap3A_1088, %swap3A_1089, %swap3A_1090], %gather3A_1086 {strides = array<i32>} : memref<40x8x128xi32, #tpu.memory_space<vmem>>, vector<16xi32>,
        %add3A_1092 = arith.constant 1 : i32
        %add3A_1093 = vector.broadcast %add3A_1092 : i32 to vector<16xi32>
        %add3A_1094 = arith.addi %mul3A_1082, %add3A_1093 : vector<16xi32>
        %gather3A_1095 = tpu.vector_load_idx %arg9[%add3A_1094] : memref<32776xi32, #tpu.memory_space<vmem>>[vector<16xi32>], vector<16xi32>,
        %swap3A_1096 = arith.constant 1 : i32
        %swap3A_1097 = arith.index_cast %add3A_1035 : i32 to index
        %swap3A_1098 = arith.index_cast %swap3A_1096 : i32 to index
        %swap3A_1099 = arith.constant 0 : index
        %swap3A_1100 = tpu.vector_load %arg14[%swap3A_1097, %swap3A_1098, %swap3A_1099] {strides = array<i32>} : memref<40x8x128xi32, #tpu.memory_space<vmem>>, vector<16xi32>,
        tpu.vector_store %arg14[%swap3A_1097, %swap3A_1098, %swap3A_1099], %gather3A_1095 {strides = array<i32>} : memref<40x8x128xi32, #tpu.memory_space<vmem>>, vector<16xi32>,
        %add3A_1101 = arith.constant 2 : i32
        %add3A_1102 = vector.broadcast %add3A_1101 : i32 to vector<16xi32>
        %add3A_1103 = arith.addi %mul3A_1082, %add3A_1102 : vector<16xi32>
        %gather3A_1104 = tpu.vector_load_idx %arg9[%add3A_1103] : memref<32776xi32, #tpu.memory_space<vmem>>[vector<16xi32>], vector<16xi32>,
        %swap3A_1105 = arith.constant 2 : i32
        %swap3A_1106 = arith.index_cast %add3A_1035 : i32 to index
        %swap3A_1107 = arith.index_cast %swap3A_1105 : i32 to index
        %swap3A_1108 = arith.constant 0 : index
        %swap3A_1109 = tpu.vector_load %arg14[%swap3A_1106, %swap3A_1107, %swap3A_1108] {strides = array<i32>} : memref<40x8x128xi32, #tpu.memory_space<vmem>>, vector<16xi32>,
        tpu.vector_store %arg14[%swap3A_1106, %swap3A_1107, %swap3A_1108], %gather3A_1104 {strides = array<i32>} : memref<40x8x128xi32, #tpu.memory_space<vmem>>, vector<16xi32>,
        %add3A_1110 = arith.constant 3 : i32
        %add3A_1111 = vector.broadcast %add3A_1110 : i32 to vector<16xi32>
        %add3A_1112 = arith.addi %mul3A_1082, %add3A_1111 : vector<16xi32>
        %gather3A_1113 = tpu.vector_load_idx %arg9[%add3A_1112] : memref<32776xi32, #tpu.memory_space<vmem>>[vector<16xi32>], vector<16xi32>,
        %swap3A_1114 = arith.constant 3 : i32
        %swap3A_1115 = arith.index_cast %add3A_1035 : i32 to index
        %swap3A_1116 = arith.index_cast %swap3A_1114 : i32 to index
        %swap3A_1117 = arith.constant 0 : index
        %swap3A_1118 = tpu.vector_load %arg14[%swap3A_1115, %swap3A_1116, %swap3A_1117] {strides = array<i32>} : memref<40x8x128xi32, #tpu.memory_space<vmem>>, vector<16xi32>,
        tpu.vector_store %arg14[%swap3A_1115, %swap3A_1116, %swap3A_1117], %gather3A_1113 {strides = array<i32>} : memref<40x8x128xi32, #tpu.memory_space<vmem>>, vector<16xi32>,
        %add3A_1119 = arith.constant 4 : i32
        %add3A_1120 = vector.broadcast %add3A_1119 : i32 to vector<16xi32>
        %add3A_1121 = arith.addi %mul3A_1082, %add3A_1120 : vector<16xi32>
        %gather3A_1122 = tpu.vector_load_idx %arg9[%add3A_1121] : memref<32776xi32, #tpu.memory_space<vmem>>[vector<16xi32>], vector<16xi32>,
        %swap3A_1123 = arith.constant 4 : i32
        %swap3A_1124 = arith.index_cast %add3A_1035 : i32 to index
        %swap3A_1125 = arith.index_cast %swap3A_1123 : i32 to index
        %swap3A_1126 = arith.constant 0 : index
        %swap3A_1127 = tpu.vector_load %arg14[%swap3A_1124, %swap3A_1125, %swap3A_1126] {strides = array<i32>} : memref<40x8x128xi32, #tpu.memory_space<vmem>>, vector<16xi32>,
        tpu.vector_store %arg14[%swap3A_1124, %swap3A_1125, %swap3A_1126], %gather3A_1122 {strides = array<i32>} : memref<40x8x128xi32, #tpu.memory_space<vmem>>, vector<16xi32>,
        %add3A_1128 = arith.constant 5 : i32
        %add3A_1129 = vector.broadcast %add3A_1128 : i32 to vector<16xi32>
        %add3A_1130 = arith.addi %mul3A_1082, %add3A_1129 : vector<16xi32>
        %gather3A_1131 = tpu.vector_load_idx %arg9[%add3A_1130] : memref<32776xi32, #tpu.memory_space<vmem>>[vector<16xi32>], vector<16xi32>,
        %swap3A_1132 = arith.constant 5 : i32
        %swap3A_1133 = arith.index_cast %add3A_1035 : i32 to index
        %swap3A_1134 = arith.index_cast %swap3A_1132 : i32 to index
        %swap3A_1135 = arith.constant 0 : index
        %swap3A_1136 = tpu.vector_load %arg14[%swap3A_1133, %swap3A_1134, %swap3A_1135] {strides = array<i32>} : memref<40x8x128xi32, #tpu.memory_space<vmem>>, vector<16xi32>,
        tpu.vector_store %arg14[%swap3A_1133, %swap3A_1134, %swap3A_1135], %gather3A_1131 {strides = array<i32>} : memref<40x8x128xi32, #tpu.memory_space<vmem>>, vector<16xi32>,
        %add3A_1137 = arith.constant 6 : i32
        %add3A_1138 = vector.broadcast %add3A_1137 : i32 to vector<16xi32>
        %add3A_1139 = arith.addi %mul3A_1082, %add3A_1138 : vector<16xi32>
        %gather3A_1140 = tpu.vector_load_idx %arg9[%add3A_1139] : memref<32776xi32, #tpu.memory_space<vmem>>[vector<16xi32>], vector<16xi32>,
        %swap3A_1141 = arith.constant 6 : i32
        %swap3A_1142 = arith.index_cast %add3A_1035 : i32 to index
        %swap3A_1143 = arith.index_cast %swap3A_1141 : i32 to index
        %swap3A_1144 = arith.constant 0 : index
        %swap3A_1145 = tpu.vector_load %arg14[%swap3A_1142, %swap3A_1143, %swap3A_1144] {strides = array<i32>} : memref<40x8x128xi32, #tpu.memory_space<vmem>>, vector<16xi32>,
        tpu.vector_store %arg14[%swap3A_1142, %swap3A_1143, %swap3A_1144], %gather3A_1140 {strides = array<i32>} : memref<40x8x128xi32, #tpu.memory_space<vmem>>, vector<16xi32>,
        %add3A_1146 = arith.constant 7 : i32
        %add3A_1147 = vector.broadcast %add3A_1146 : i32 to vector<16xi32>
        %add3A_1148 = arith.addi %mul3A_1082, %add3A_1147 : vector<16xi32>
        %gather3A_1149 = tpu.vector_load_idx %arg9[%add3A_1148] : memref<32776xi32, #tpu.memory_space<vmem>>[vector<16xi32>], vector<16xi32>,
        %swap3A_1150 = arith.constant 7 : i32
        %swap3A_1151 = arith.index_cast %add3A_1035 : i32 to index
        %swap3A_1152 = arith.index_cast %swap3A_1150 : i32 to index
        %swap3A_1153 = arith.constant 0 : index
        %swap3A_1154 = tpu.vector_load %arg14[%swap3A_1151, %swap3A_1152, %swap3A_1153] {strides = array<i32>} : memref<40x8x128xi32, #tpu.memory_space<vmem>>, vector<16xi32>,
        tpu.vector_store %arg14[%swap3A_1151, %swap3A_1152, %swap3A_1153], %gather3A_1149 {strides = array<i32>} : memref<40x8x128xi32, #tpu.memory_space<vmem>>, vector<16xi32>,
        %not3A_1155 = arith.constant false
        %not3A_1156 = arith.constant true
        %not3A_1157 = arith.xori %not3A_1155, %not3A_1156 : i1
        %convert_element_type3A_1158 = arith.extui %not3A_1157 : i1 to i32
        %cond3A_1159 = arith.constant 0 : i32
        %cond3A_1160 = arith.cmpi ne, %convert_element_type3A_1158, %cond3A_1159 : i32
        scf.if %cond3A_1160 {
          %dma_wait3A_1988 = arith.constant 16 : i32
          %dma_wait3A_1989 = tpu.memref_slice %arg11[%dma_wait3A_1988] : memref<128xi32, #tpu.memory_space<vmem>> -> memref<16xi32, #tpu.memory_space<vmem>>
          %dma_wait3A_1990 = arith.constant 16 : i32
          %dma_wait3A_1991 = tpu.memref_slice %arg12[%dma_wait3A_1990] : memref<128xi32, #tpu.memory_space<vmem>> -> memref<16xi32, #tpu.memory_space<vmem>>
          %dma_wait3A_1992 = arith.constant 0 : i32
          %dma_wait3A_1993 = tpu.memref_slice %arg2[%dma_wait3A_1992] : memref<16777216xi32, #tpu.memory_space<hbm>> -> memref<16777216xi32, #tpu.memory_space<hbm>>
          tpu.wait_indirect_dma semaphore(%arg16 : memref<!tpu.dma_semaphore, #tpu.memory_space<semaphore_mem>>) src(%dma_wait3A_1993 : memref<16777216xi32, #tpu.memory_space<hbm>>) dst(%dma_wait3A_1989 : memref<16xi32, #tpu.memory_space<vmem>>)
        } else {
        }
        %get3A_1161 = arith.constant 16 : index
        %get3A_1162 = tpu.vector_load %arg11[%get3A_1161] {strides = array<i32>} : memref<128xi32, #tpu.memory_space<vmem>>, vector<16xi32>,
        %get3A_1163 = arith.index_cast %add3A_1033 : i32 to index
        %get3A_1164 = arith.constant 16 : index
        %get3A_1165 = tpu.vector_load %arg8[%get3A_1163, %get3A_1164] {strides = array<i32>} : memref<200x128xi32, #tpu.memory_space<vmem>>, vector<16xi32>,
        %shift_right_arithmetic3A_1166 = arith.constant 3 : i32
        %shift_right_arithmetic3A_1167 = vector.broadcast %shift_right_arithmetic3A_1166 : i32 to vector<16xi32>
        %shift_right_arithmetic3A_1168 = arith.shrsi %get3A_1162, %shift_right_arithmetic3A_1167 : vector<16xi32>
        %shift_left3A_1169 = arith.constant 15 : i32
        %shift_left3A_1170 = vector.broadcast %shift_left3A_1169 : i32 to vector<16xi32>
        %shift_left3A_1171 = arith.shli %shift_right_arithmetic3A_1168, %shift_left3A_1170 : vector<16xi32>
        %shift_right_arithmetic3A_1172 = arith.constant 7 : i32
        %shift_right_arithmetic3A_1173 = vector.broadcast %shift_right_arithmetic3A_1172 : i32 to vector<16xi32>
        %shift_right_arithmetic3A_1174 = arith.shrsi %get3A_1165, %shift_right_arithmetic3A_1173 : vector<16xi32>
        %shift_left3A_1175 = arith.constant 10 : i32
        %shift_left3A_1176 = vector.broadcast %shift_left3A_1175 : i32 to vector<16xi32>
        %shift_left3A_1177 = arith.shli %shift_right_arithmetic3A_1174, %shift_left3A_1176 : vector<16xi32>
        %add3A_1178 = arith.addi %shift_left3A_1171, %shift_left3A_1177 : vector<16xi32>
        %and3A_1179 = arith.constant 7 : i32
        %and3A_1180 = vector.broadcast %and3A_1179 : i32 to vector<16xi32>
        %and3A_1181 = arith.andi %get3A_1162, %and3A_1180 : vector<16xi32>
        %shift_left3A_1182 = arith.constant 7 : i32
        %shift_left3A_1183 = vector.broadcast %shift_left3A_1182 : i32 to vector<16xi32>
        %shift_left3A_1184 = arith.shli %and3A_1181, %shift_left3A_1183 : vector<16xi32>
        %add3A_1185 = arith.addi %add3A_1178, %shift_left3A_1184 : vector<16xi32>
        %and3A_1186 = arith.constant 127 : i32
        %and3A_1187 = vector.broadcast %and3A_1186 : i32 to vector<16xi32>
        %and3A_1188 = arith.andi %get3A_1165, %and3A_1187 : vector<16xi32>
        %add3A_1189 = arith.addi %add3A_1185, %and3A_1188 : vector<16xi32>
        %dma_start3A_1190 = arith.constant 16 : i32
        %dma_start3A_1191 = tpu.memref_slice %arg10[%dma_start3A_1190] : memref<128xi32, #tpu.memory_space<vmem>> -> memref<16xi32, #tpu.memory_space<vmem>>
        %dma_start3A_1192 = arith.constant 0 : i32
        %dma_start3A_1193 = tpu.memref_slice %arg2[%dma_start3A_1192] : memref<16777216xi32, #tpu.memory_space<hbm>> -> memref<16777216xi32, #tpu.memory_space<hbm>>
        tpu.enqueue_indirect_dma source(%dma_start3A_1193 : memref<16777216xi32, #tpu.memory_space<hbm>>) target(%dma_start3A_1191 : memref<16xi32, #tpu.memory_space<vmem>>) offsets(%add3A_1189 : vector<16xi32>) semaphore(%arg16 : memref<!tpu.dma_semaphore, #tpu.memory_space<semaphore_mem>>)
        %swap3A_1194 = arith.index_cast %add3A_1035 : i32 to index
        %swap3A_1195 = arith.constant 16 : index
        %swap3A_1196 = tpu.vector_load %arg13[%swap3A_1194, %swap3A_1195] {strides = array<i32>} : memref<40x128xi32, #tpu.memory_space<vmem>>, vector<16xi32>,
        tpu.vector_store %arg13[%swap3A_1194, %swap3A_1195], %get3A_1162 {strides = array<i32>} : memref<40x128xi32, #tpu.memory_space<vmem>>, vector<16xi32>,
        %get3A_1197 = arith.constant 16 : index
        %get3A_1198 = tpu.vector_load %arg11[%get3A_1197] {strides = array<i32>} : memref<128xi32, #tpu.memory_space<vmem>>, vector<16xi32>,
        %mul3A_1199 = arith.constant 8 : i32
        %mul3A_1200 = vector.broadcast %mul3A_1199 : i32 to vector<16xi32>
        %mul3A_1201 = arith.muli %get3A_1198, %mul3A_1200 : vector<16xi32>
        %add3A_1202 = arith.constant 0 : i32
        %add3A_1203 = vector.broadcast %add3A_1202 : i32 to vector<16xi32>
        %add3A_1204 = arith.addi %mul3A_1201, %add3A_1203 : vector<16xi32>
        %gather3A_1205 = tpu.vector_load_idx %arg9[%add3A_1204] : memref<32776xi32, #tpu.memory_space<vmem>>[vector<16xi32>], vector<16xi32>,
        %swap3A_1206 = arith.constant 0 : i32
        %swap3A_1207 = arith.index_cast %add3A_1035 : i32 to index
        %swap3A_1208 = arith.index_cast %swap3A_1206 : i32 to index
        %swap3A_1209 = arith.constant 16 : index
        %swap3A_1210 = tpu.vector_load %arg14[%swap3A_1207, %swap3A_1208, %swap3A_1209] {strides = array<i32>} : memref<40x8x128xi32, #tpu.memory_space<vmem>>, vector<16xi32>,
        tpu.vector_store %arg14[%swap3A_1207, %swap3A_1208, %swap3A_1209], %gather3A_1205 {strides = array<i32>} : memref<40x8x128xi32, #tpu.memory_space<vmem>>, vector<16xi32>,
        %add3A_1211 = arith.constant 1 : i32
        %add3A_1212 = vector.broadcast %add3A_1211 : i32 to vector<16xi32>
        %add3A_1213 = arith.addi %mul3A_1201, %add3A_1212 : vector<16xi32>
        %gather3A_1214 = tpu.vector_load_idx %arg9[%add3A_1213] : memref<32776xi32, #tpu.memory_space<vmem>>[vector<16xi32>], vector<16xi32>,
        %swap3A_1215 = arith.constant 1 : i32
        %swap3A_1216 = arith.index_cast %add3A_1035 : i32 to index
        %swap3A_1217 = arith.index_cast %swap3A_1215 : i32 to index
        %swap3A_1218 = arith.constant 16 : index
        %swap3A_1219 = tpu.vector_load %arg14[%swap3A_1216, %swap3A_1217, %swap3A_1218] {strides = array<i32>} : memref<40x8x128xi32, #tpu.memory_space<vmem>>, vector<16xi32>,
        tpu.vector_store %arg14[%swap3A_1216, %swap3A_1217, %swap3A_1218], %gather3A_1214 {strides = array<i32>} : memref<40x8x128xi32, #tpu.memory_space<vmem>>, vector<16xi32>,
        %add3A_1220 = arith.constant 2 : i32
        %add3A_1221 = vector.broadcast %add3A_1220 : i32 to vector<16xi32>
        %add3A_1222 = arith.addi %mul3A_1201, %add3A_1221 : vector<16xi32>
        %gather3A_1223 = tpu.vector_load_idx %arg9[%add3A_1222] : memref<32776xi32, #tpu.memory_space<vmem>>[vector<16xi32>], vector<16xi32>,
        %swap3A_1224 = arith.constant 2 : i32
        %swap3A_1225 = arith.index_cast %add3A_1035 : i32 to index
        %swap3A_1226 = arith.index_cast %swap3A_1224 : i32 to index
        %swap3A_1227 = arith.constant 16 : index
        %swap3A_1228 = tpu.vector_load %arg14[%swap3A_1225, %swap3A_1226, %swap3A_1227] {strides = array<i32>} : memref<40x8x128xi32, #tpu.memory_space<vmem>>, vector<16xi32>,
        tpu.vector_store %arg14[%swap3A_1225, %swap3A_1226, %swap3A_1227], %gather3A_1223 {strides = array<i32>} : memref<40x8x128xi32, #tpu.memory_space<vmem>>, vector<16xi32>,
        %add3A_1229 = arith.constant 3 : i32
        %add3A_1230 = vector.broadcast %add3A_1229 : i32 to vector<16xi32>
        %add3A_1231 = arith.addi %mul3A_1201, %add3A_1230 : vector<16xi32>
        %gather3A_1232 = tpu.vector_load_idx %arg9[%add3A_1231] : memref<32776xi32, #tpu.memory_space<vmem>>[vector<16xi32>], vector<16xi32>,
        %swap3A_1233 = arith.constant 3 : i32
        %swap3A_1234 = arith.index_cast %add3A_1035 : i32 to index
        %swap3A_1235 = arith.index_cast %swap3A_1233 : i32 to index
        %swap3A_1236 = arith.constant 16 : index
        %swap3A_1237 = tpu.vector_load %arg14[%swap3A_1234, %swap3A_1235, %swap3A_1236] {strides = array<i32>} : memref<40x8x128xi32, #tpu.memory_space<vmem>>, vector<16xi32>,
        tpu.vector_store %arg14[%swap3A_1234, %swap3A_1235, %swap3A_1236], %gather3A_1232 {strides = array<i32>} : memref<40x8x128xi32, #tpu.memory_space<vmem>>, vector<16xi32>,
        %add3A_1238 = arith.constant 4 : i32
        %add3A_1239 = vector.broadcast %add3A_1238 : i32 to vector<16xi32>
        %add3A_1240 = arith.addi %mul3A_1201, %add3A_1239 : vector<16xi32>
        %gather3A_1241 = tpu.vector_load_idx %arg9[%add3A_1240] : memref<32776xi32, #tpu.memory_space<vmem>>[vector<16xi32>], vector<16xi32>,
        %swap3A_1242 = arith.constant 4 : i32
        %swap3A_1243 = arith.index_cast %add3A_1035 : i32 to index
        %swap3A_1244 = arith.index_cast %swap3A_1242 : i32 to index
        %swap3A_1245 = arith.constant 16 : index
        %swap3A_1246 = tpu.vector_load %arg14[%swap3A_1243, %swap3A_1244, %swap3A_1245] {strides = array<i32>} : memref<40x8x128xi32, #tpu.memory_space<vmem>>, vector<16xi32>,
        tpu.vector_store %arg14[%swap3A_1243, %swap3A_1244, %swap3A_1245], %gather3A_1241 {strides = array<i32>} : memref<40x8x128xi32, #tpu.memory_space<vmem>>, vector<16xi32>,
        %add3A_1247 = arith.constant 5 : i32
        %add3A_1248 = vector.broadcast %add3A_1247 : i32 to vector<16xi32>
        %add3A_1249 = arith.addi %mul3A_1201, %add3A_1248 : vector<16xi32>
        %gather3A_1250 = tpu.vector_load_idx %arg9[%add3A_1249] : memref<32776xi32, #tpu.memory_space<vmem>>[vector<16xi32>], vector<16xi32>,
        %swap3A_1251 = arith.constant 5 : i32
        %swap3A_1252 = arith.index_cast %add3A_1035 : i32 to index
        %swap3A_1253 = arith.index_cast %swap3A_1251 : i32 to index
        %swap3A_1254 = arith.constant 16 : index
        %swap3A_1255 = tpu.vector_load %arg14[%swap3A_1252, %swap3A_1253, %swap3A_1254] {strides = array<i32>} : memref<40x8x128xi32, #tpu.memory_space<vmem>>, vector<16xi32>,
        tpu.vector_store %arg14[%swap3A_1252, %swap3A_1253, %swap3A_1254], %gather3A_1250 {strides = array<i32>} : memref<40x8x128xi32, #tpu.memory_space<vmem>>, vector<16xi32>,
        %add3A_1256 = arith.constant 6 : i32
        %add3A_1257 = vector.broadcast %add3A_1256 : i32 to vector<16xi32>
        %add3A_1258 = arith.addi %mul3A_1201, %add3A_1257 : vector<16xi32>
        %gather3A_1259 = tpu.vector_load_idx %arg9[%add3A_1258] : memref<32776xi32, #tpu.memory_space<vmem>>[vector<16xi32>], vector<16xi32>,
        %swap3A_1260 = arith.constant 6 : i32
        %swap3A_1261 = arith.index_cast %add3A_1035 : i32 to index
        %swap3A_1262 = arith.index_cast %swap3A_1260 : i32 to index
        %swap3A_1263 = arith.constant 16 : index
        %swap3A_1264 = tpu.vector_load %arg14[%swap3A_1261, %swap3A_1262, %swap3A_1263] {strides = array<i32>} : memref<40x8x128xi32, #tpu.memory_space<vmem>>, vector<16xi32>,
        tpu.vector_store %arg14[%swap3A_1261, %swap3A_1262, %swap3A_1263], %gather3A_1259 {strides = array<i32>} : memref<40x8x128xi32, #tpu.memory_space<vmem>>, vector<16xi32>,
        %add3A_1265 = arith.constant 7 : i32
        %add3A_1266 = vector.broadcast %add3A_1265 : i32 to vector<16xi32>
        %add3A_1267 = arith.addi %mul3A_1201, %add3A_1266 : vector<16xi32>
        %gather3A_1268 = tpu.vector_load_idx %arg9[%add3A_1267] : memref<32776xi32, #tpu.memory_space<vmem>>[vector<16xi32>], vector<16xi32>,
        %swap3A_1269 = arith.constant 7 : i32
        %swap3A_1270 = arith.index_cast %add3A_1035 : i32 to index
        %swap3A_1271 = arith.index_cast %swap3A_1269 : i32 to index
        %swap3A_1272 = arith.constant 16 : index
        %swap3A_1273 = tpu.vector_load %arg14[%swap3A_1270, %swap3A_1271, %swap3A_1272] {strides = array<i32>} : memref<40x8x128xi32, #tpu.memory_space<vmem>>, vector<16xi32>,
        tpu.vector_store %arg14[%swap3A_1270, %swap3A_1271, %swap3A_1272], %gather3A_1268 {strides = array<i32>} : memref<40x8x128xi32, #tpu.memory_space<vmem>>, vector<16xi32>,
        %not3A_1274 = arith.constant false
        %not3A_1275 = arith.constant true
        %not3A_1276 = arith.xori %not3A_1274, %not3A_1275 : i1
        %convert_element_type3A_1277 = arith.extui %not3A_1276 : i1 to i32
        %cond3A_1278 = arith.constant 0 : i32
        %cond3A_1279 = arith.cmpi ne, %convert_element_type3A_1277, %cond3A_1278 : i32
        scf.if %cond3A_1279 {
          %dma_wait3A_1988 = arith.constant 32 : i32
          %dma_wait3A_1989 = tpu.memref_slice %arg11[%dma_wait3A_1988] : memref<128xi32, #tpu.memory_space<vmem>> -> memref<16xi32, #tpu.memory_space<vmem>>
          %dma_wait3A_1990 = arith.constant 32 : i32
          %dma_wait3A_1991 = tpu.memref_slice %arg12[%dma_wait3A_1990] : memref<128xi32, #tpu.memory_space<vmem>> -> memref<16xi32, #tpu.memory_space<vmem>>
          %dma_wait3A_1992 = arith.constant 0 : i32
          %dma_wait3A_1993 = tpu.memref_slice %arg2[%dma_wait3A_1992] : memref<16777216xi32, #tpu.memory_space<hbm>> -> memref<16777216xi32, #tpu.memory_space<hbm>>
          tpu.wait_indirect_dma semaphore(%arg17 : memref<!tpu.dma_semaphore, #tpu.memory_space<semaphore_mem>>) src(%dma_wait3A_1993 : memref<16777216xi32, #tpu.memory_space<hbm>>) dst(%dma_wait3A_1989 : memref<16xi32, #tpu.memory_space<vmem>>)
        } else {
        }
        %get3A_1280 = arith.constant 32 : index
        %get3A_1281 = tpu.vector_load %arg11[%get3A_1280] {strides = array<i32>} : memref<128xi32, #tpu.memory_space<vmem>>, vector<16xi32>,
        %get3A_1282 = arith.index_cast %add3A_1033 : i32 to index
        %get3A_1283 = arith.constant 32 : index
        %get3A_1284 = tpu.vector_load %arg8[%get3A_1282, %get3A_1283] {strides = array<i32>} : memref<200x128xi32, #tpu.memory_space<vmem>>, vector<16xi32>,
        %shift_right_arithmetic3A_1285 = arith.constant 3 : i32
        %shift_right_arithmetic3A_1286 = vector.broadcast %shift_right_arithmetic3A_1285 : i32 to vector<16xi32>
        %shift_right_arithmetic3A_1287 = arith.shrsi %get3A_1281, %shift_right_arithmetic3A_1286 : vector<16xi32>
        %shift_left3A_1288 = arith.constant 15 : i32
        %shift_left3A_1289 = vector.broadcast %shift_left3A_1288 : i32 to vector<16xi32>
        %shift_left3A_1290 = arith.shli %shift_right_arithmetic3A_1287, %shift_left3A_1289 : vector<16xi32>
        %shift_right_arithmetic3A_1291 = arith.constant 7 : i32
        %shift_right_arithmetic3A_1292 = vector.broadcast %shift_right_arithmetic3A_1291 : i32 to vector<16xi32>
        %shift_right_arithmetic3A_1293 = arith.shrsi %get3A_1284, %shift_right_arithmetic3A_1292 : vector<16xi32>
        %shift_left3A_1294 = arith.constant 10 : i32
        %shift_left3A_1295 = vector.broadcast %shift_left3A_1294 : i32 to vector<16xi32>
        %shift_left3A_1296 = arith.shli %shift_right_arithmetic3A_1293, %shift_left3A_1295 : vector<16xi32>
        %add3A_1297 = arith.addi %shift_left3A_1290, %shift_left3A_1296 : vector<16xi32>
        %and3A_1298 = arith.constant 7 : i32
        %and3A_1299 = vector.broadcast %and3A_1298 : i32 to vector<16xi32>
        %and3A_1300 = arith.andi %get3A_1281, %and3A_1299 : vector<16xi32>
        %shift_left3A_1301 = arith.constant 7 : i32
        %shift_left3A_1302 = vector.broadcast %shift_left3A_1301 : i32 to vector<16xi32>
        %shift_left3A_1303 = arith.shli %and3A_1300, %shift_left3A_1302 : vector<16xi32>
        %add3A_1304 = arith.addi %add3A_1297, %shift_left3A_1303 : vector<16xi32>
        %and3A_1305 = arith.constant 127 : i32
        %and3A_1306 = vector.broadcast %and3A_1305 : i32 to vector<16xi32>
        %and3A_1307 = arith.andi %get3A_1284, %and3A_1306 : vector<16xi32>
        %add3A_1308 = arith.addi %add3A_1304, %and3A_1307 : vector<16xi32>
        %dma_start3A_1309 = arith.constant 32 : i32
        %dma_start3A_1310 = tpu.memref_slice %arg10[%dma_start3A_1309] : memref<128xi32, #tpu.memory_space<vmem>> -> memref<16xi32, #tpu.memory_space<vmem>>
        %dma_start3A_1311 = arith.constant 0 : i32
        %dma_start3A_1312 = tpu.memref_slice %arg2[%dma_start3A_1311] : memref<16777216xi32, #tpu.memory_space<hbm>> -> memref<16777216xi32, #tpu.memory_space<hbm>>
        tpu.enqueue_indirect_dma source(%dma_start3A_1312 : memref<16777216xi32, #tpu.memory_space<hbm>>) target(%dma_start3A_1310 : memref<16xi32, #tpu.memory_space<vmem>>) offsets(%add3A_1308 : vector<16xi32>) semaphore(%arg17 : memref<!tpu.dma_semaphore, #tpu.memory_space<semaphore_mem>>)
        %swap3A_1313 = arith.index_cast %add3A_1035 : i32 to index
        %swap3A_1314 = arith.constant 32 : index
        %swap3A_1315 = tpu.vector_load %arg13[%swap3A_1313, %swap3A_1314] {strides = array<i32>} : memref<40x128xi32, #tpu.memory_space<vmem>>, vector<16xi32>,
        tpu.vector_store %arg13[%swap3A_1313, %swap3A_1314], %get3A_1281 {strides = array<i32>} : memref<40x128xi32, #tpu.memory_space<vmem>>, vector<16xi32>,
        %get3A_1316 = arith.constant 32 : index
        %get3A_1317 = tpu.vector_load %arg11[%get3A_1316] {strides = array<i32>} : memref<128xi32, #tpu.memory_space<vmem>>, vector<16xi32>,
        %mul3A_1318 = arith.constant 8 : i32
        %mul3A_1319 = vector.broadcast %mul3A_1318 : i32 to vector<16xi32>
        %mul3A_1320 = arith.muli %get3A_1317, %mul3A_1319 : vector<16xi32>
        %add3A_1321 = arith.constant 0 : i32
        %add3A_1322 = vector.broadcast %add3A_1321 : i32 to vector<16xi32>
        %add3A_1323 = arith.addi %mul3A_1320, %add3A_1322 : vector<16xi32>
        %gather3A_1324 = tpu.vector_load_idx %arg9[%add3A_1323] : memref<32776xi32, #tpu.memory_space<vmem>>[vector<16xi32>], vector<16xi32>,
        %swap3A_1325 = arith.constant 0 : i32
        %swap3A_1326 = arith.index_cast %add3A_1035 : i32 to index
        %swap3A_1327 = arith.index_cast %swap3A_1325 : i32 to index
        %swap3A_1328 = arith.constant 32 : index
        %swap3A_1329 = tpu.vector_load %arg14[%swap3A_1326, %swap3A_1327, %swap3A_1328] {strides = array<i32>} : memref<40x8x128xi32, #tpu.memory_space<vmem>>, vector<16xi32>,
        tpu.vector_store %arg14[%swap3A_1326, %swap3A_1327, %swap3A_1328], %gather3A_1324 {strides = array<i32>} : memref<40x8x128xi32, #tpu.memory_space<vmem>>, vector<16xi32>,
        %add3A_1330 = arith.constant 1 : i32
        %add3A_1331 = vector.broadcast %add3A_1330 : i32 to vector<16xi32>
        %add3A_1332 = arith.addi %mul3A_1320, %add3A_1331 : vector<16xi32>
        %gather3A_1333 = tpu.vector_load_idx %arg9[%add3A_1332] : memref<32776xi32, #tpu.memory_space<vmem>>[vector<16xi32>], vector<16xi32>,
        %swap3A_1334 = arith.constant 1 : i32
        %swap3A_1335 = arith.index_cast %add3A_1035 : i32 to index
        %swap3A_1336 = arith.index_cast %swap3A_1334 : i32 to index
        %swap3A_1337 = arith.constant 32 : index
        %swap3A_1338 = tpu.vector_load %arg14[%swap3A_1335, %swap3A_1336, %swap3A_1337] {strides = array<i32>} : memref<40x8x128xi32, #tpu.memory_space<vmem>>, vector<16xi32>,
        tpu.vector_store %arg14[%swap3A_1335, %swap3A_1336, %swap3A_1337], %gather3A_1333 {strides = array<i32>} : memref<40x8x128xi32, #tpu.memory_space<vmem>>, vector<16xi32>,
        %add3A_1339 = arith.constant 2 : i32
        %add3A_1340 = vector.broadcast %add3A_1339 : i32 to vector<16xi32>
        %add3A_1341 = arith.addi %mul3A_1320, %add3A_1340 : vector<16xi32>
        %gather3A_1342 = tpu.vector_load_idx %arg9[%add3A_1341] : memref<32776xi32, #tpu.memory_space<vmem>>[vector<16xi32>], vector<16xi32>,
        %swap3A_1343 = arith.constant 2 : i32
        %swap3A_1344 = arith.index_cast %add3A_1035 : i32 to index
        %swap3A_1345 = arith.index_cast %swap3A_1343 : i32 to index
        %swap3A_1346 = arith.constant 32 : index
        %swap3A_1347 = tpu.vector_load %arg14[%swap3A_1344, %swap3A_1345, %swap3A_1346] {strides = array<i32>} : memref<40x8x128xi32, #tpu.memory_space<vmem>>, vector<16xi32>,
        tpu.vector_store %arg14[%swap3A_1344, %swap3A_1345, %swap3A_1346], %gather3A_1342 {strides = array<i32>} : memref<40x8x128xi32, #tpu.memory_space<vmem>>, vector<16xi32>,
        %add3A_1348 = arith.constant 3 : i32
        %add3A_1349 = vector.broadcast %add3A_1348 : i32 to vector<16xi32>
        %add3A_1350 = arith.addi %mul3A_1320, %add3A_1349 : vector<16xi32>
        %gather3A_1351 = tpu.vector_load_idx %arg9[%add3A_1350] : memref<32776xi32, #tpu.memory_space<vmem>>[vector<16xi32>], vector<16xi32>,
        %swap3A_1352 = arith.constant 3 : i32
        %swap3A_1353 = arith.index_cast %add3A_1035 : i32 to index
        %swap3A_1354 = arith.index_cast %swap3A_1352 : i32 to index
        %swap3A_1355 = arith.constant 32 : index
        %swap3A_1356 = tpu.vector_load %arg14[%swap3A_1353, %swap3A_1354, %swap3A_1355] {strides = array<i32>} : memref<40x8x128xi32, #tpu.memory_space<vmem>>, vector<16xi32>,
        tpu.vector_store %arg14[%swap3A_1353, %swap3A_1354, %swap3A_1355], %gather3A_1351 {strides = array<i32>} : memref<40x8x128xi32, #tpu.memory_space<vmem>>, vector<16xi32>,
        %add3A_1357 = arith.constant 4 : i32
        %add3A_1358 = vector.broadcast %add3A_1357 : i32 to vector<16xi32>
        %add3A_1359 = arith.addi %mul3A_1320, %add3A_1358 : vector<16xi32>
        %gather3A_1360 = tpu.vector_load_idx %arg9[%add3A_1359] : memref<32776xi32, #tpu.memory_space<vmem>>[vector<16xi32>], vector<16xi32>,
        %swap3A_1361 = arith.constant 4 : i32
        %swap3A_1362 = arith.index_cast %add3A_1035 : i32 to index
        %swap3A_1363 = arith.index_cast %swap3A_1361 : i32 to index
        %swap3A_1364 = arith.constant 32 : index
        %swap3A_1365 = tpu.vector_load %arg14[%swap3A_1362, %swap3A_1363, %swap3A_1364] {strides = array<i32>} : memref<40x8x128xi32, #tpu.memory_space<vmem>>, vector<16xi32>,
        tpu.vector_store %arg14[%swap3A_1362, %swap3A_1363, %swap3A_1364], %gather3A_1360 {strides = array<i32>} : memref<40x8x128xi32, #tpu.memory_space<vmem>>, vector<16xi32>,
        %add3A_1366 = arith.constant 5 : i32
        %add3A_1367 = vector.broadcast %add3A_1366 : i32 to vector<16xi32>
        %add3A_1368 = arith.addi %mul3A_1320, %add3A_1367 : vector<16xi32>
        %gather3A_1369 = tpu.vector_load_idx %arg9[%add3A_1368] : memref<32776xi32, #tpu.memory_space<vmem>>[vector<16xi32>], vector<16xi32>,
        %swap3A_1370 = arith.constant 5 : i32
        %swap3A_1371 = arith.index_cast %add3A_1035 : i32 to index
        %swap3A_1372 = arith.index_cast %swap3A_1370 : i32 to index
        %swap3A_1373 = arith.constant 32 : index
        %swap3A_1374 = tpu.vector_load %arg14[%swap3A_1371, %swap3A_1372, %swap3A_1373] {strides = array<i32>} : memref<40x8x128xi32, #tpu.memory_space<vmem>>, vector<16xi32>,
        tpu.vector_store %arg14[%swap3A_1371, %swap3A_1372, %swap3A_1373], %gather3A_1369 {strides = array<i32>} : memref<40x8x128xi32, #tpu.memory_space<vmem>>, vector<16xi32>,
        %add3A_1375 = arith.constant 6 : i32
        %add3A_1376 = vector.broadcast %add3A_1375 : i32 to vector<16xi32>
        %add3A_1377 = arith.addi %mul3A_1320, %add3A_1376 : vector<16xi32>
        %gather3A_1378 = tpu.vector_load_idx %arg9[%add3A_1377] : memref<32776xi32, #tpu.memory_space<vmem>>[vector<16xi32>], vector<16xi32>,
        %swap3A_1379 = arith.constant 6 : i32
        %swap3A_1380 = arith.index_cast %add3A_1035 : i32 to index
        %swap3A_1381 = arith.index_cast %swap3A_1379 : i32 to index
        %swap3A_1382 = arith.constant 32 : index
        %swap3A_1383 = tpu.vector_load %arg14[%swap3A_1380, %swap3A_1381, %swap3A_1382] {strides = array<i32>} : memref<40x8x128xi32, #tpu.memory_space<vmem>>, vector<16xi32>,
        tpu.vector_store %arg14[%swap3A_1380, %swap3A_1381, %swap3A_1382], %gather3A_1378 {strides = array<i32>} : memref<40x8x128xi32, #tpu.memory_space<vmem>>, vector<16xi32>,
        %add3A_1384 = arith.constant 7 : i32
        %add3A_1385 = vector.broadcast %add3A_1384 : i32 to vector<16xi32>
        %add3A_1386 = arith.addi %mul3A_1320, %add3A_1385 : vector<16xi32>
        %gather3A_1387 = tpu.vector_load_idx %arg9[%add3A_1386] : memref<32776xi32, #tpu.memory_space<vmem>>[vector<16xi32>], vector<16xi32>,
        %swap3A_1388 = arith.constant 7 : i32
        %swap3A_1389 = arith.index_cast %add3A_1035 : i32 to index
        %swap3A_1390 = arith.index_cast %swap3A_1388 : i32 to index
        %swap3A_1391 = arith.constant 32 : index
        %swap3A_1392 = tpu.vector_load %arg14[%swap3A_1389, %swap3A_1390, %swap3A_1391] {strides = array<i32>} : memref<40x8x128xi32, #tpu.memory_space<vmem>>, vector<16xi32>,
        tpu.vector_store %arg14[%swap3A_1389, %swap3A_1390, %swap3A_1391], %gather3A_1387 {strides = array<i32>} : memref<40x8x128xi32, #tpu.memory_space<vmem>>, vector<16xi32>,
        %not3A_1393 = arith.constant false
        %not3A_1394 = arith.constant true
        %not3A_1395 = arith.xori %not3A_1393, %not3A_1394 : i1
        %convert_element_type3A_1396 = arith.extui %not3A_1395 : i1 to i32
        %cond3A_1397 = arith.constant 0 : i32
        %cond3A_1398 = arith.cmpi ne, %convert_element_type3A_1396, %cond3A_1397 : i32
        scf.if %cond3A_1398 {
          %dma_wait3A_1988 = arith.constant 48 : i32
          %dma_wait3A_1989 = tpu.memref_slice %arg11[%dma_wait3A_1988] : memref<128xi32, #tpu.memory_space<vmem>> -> memref<16xi32, #tpu.memory_space<vmem>>
          %dma_wait3A_1990 = arith.constant 48 : i32
          %dma_wait3A_1991 = tpu.memref_slice %arg12[%dma_wait3A_1990] : memref<128xi32, #tpu.memory_space<vmem>> -> memref<16xi32, #tpu.memory_space<vmem>>
          %dma_wait3A_1992 = arith.constant 0 : i32
          %dma_wait3A_1993 = tpu.memref_slice %arg2[%dma_wait3A_1992] : memref<16777216xi32, #tpu.memory_space<hbm>> -> memref<16777216xi32, #tpu.memory_space<hbm>>
          tpu.wait_indirect_dma semaphore(%arg18 : memref<!tpu.dma_semaphore, #tpu.memory_space<semaphore_mem>>) src(%dma_wait3A_1993 : memref<16777216xi32, #tpu.memory_space<hbm>>) dst(%dma_wait3A_1989 : memref<16xi32, #tpu.memory_space<vmem>>)
        } else {
        }
        %get3A_1399 = arith.constant 48 : index
        %get3A_1400 = tpu.vector_load %arg11[%get3A_1399] {strides = array<i32>} : memref<128xi32, #tpu.memory_space<vmem>>, vector<16xi32>,
        %get3A_1401 = arith.index_cast %add3A_1033 : i32 to index
        %get3A_1402 = arith.constant 48 : index
        %get3A_1403 = tpu.vector_load %arg8[%get3A_1401, %get3A_1402] {strides = array<i32>} : memref<200x128xi32, #tpu.memory_space<vmem>>, vector<16xi32>,
        %shift_right_arithmetic3A_1404 = arith.constant 3 : i32
        %shift_right_arithmetic3A_1405 = vector.broadcast %shift_right_arithmetic3A_1404 : i32 to vector<16xi32>
        %shift_right_arithmetic3A_1406 = arith.shrsi %get3A_1400, %shift_right_arithmetic3A_1405 : vector<16xi32>
        %shift_left3A_1407 = arith.constant 15 : i32
        %shift_left3A_1408 = vector.broadcast %shift_left3A_1407 : i32 to vector<16xi32>
        %shift_left3A_1409 = arith.shli %shift_right_arithmetic3A_1406, %shift_left3A_1408 : vector<16xi32>
        %shift_right_arithmetic3A_1410 = arith.constant 7 : i32
        %shift_right_arithmetic3A_1411 = vector.broadcast %shift_right_arithmetic3A_1410 : i32 to vector<16xi32>
        %shift_right_arithmetic3A_1412 = arith.shrsi %get3A_1403, %shift_right_arithmetic3A_1411 : vector<16xi32>
        %shift_left3A_1413 = arith.constant 10 : i32
        %shift_left3A_1414 = vector.broadcast %shift_left3A_1413 : i32 to vector<16xi32>
        %shift_left3A_1415 = arith.shli %shift_right_arithmetic3A_1412, %shift_left3A_1414 : vector<16xi32>
        %add3A_1416 = arith.addi %shift_left3A_1409, %shift_left3A_1415 : vector<16xi32>
        %and3A_1417 = arith.constant 7 : i32
        %and3A_1418 = vector.broadcast %and3A_1417 : i32 to vector<16xi32>
        %and3A_1419 = arith.andi %get3A_1400, %and3A_1418 : vector<16xi32>
        %shift_left3A_1420 = arith.constant 7 : i32
        %shift_left3A_1421 = vector.broadcast %shift_left3A_1420 : i32 to vector<16xi32>
        %shift_left3A_1422 = arith.shli %and3A_1419, %shift_left3A_1421 : vector<16xi32>
        %add3A_1423 = arith.addi %add3A_1416, %shift_left3A_1422 : vector<16xi32>
        %and3A_1424 = arith.constant 127 : i32
        %and3A_1425 = vector.broadcast %and3A_1424 : i32 to vector<16xi32>
        %and3A_1426 = arith.andi %get3A_1403, %and3A_1425 : vector<16xi32>
        %add3A_1427 = arith.addi %add3A_1423, %and3A_1426 : vector<16xi32>
        %dma_start3A_1428 = arith.constant 48 : i32
        %dma_start3A_1429 = tpu.memref_slice %arg10[%dma_start3A_1428] : memref<128xi32, #tpu.memory_space<vmem>> -> memref<16xi32, #tpu.memory_space<vmem>>
        %dma_start3A_1430 = arith.constant 0 : i32
        %dma_start3A_1431 = tpu.memref_slice %arg2[%dma_start3A_1430] : memref<16777216xi32, #tpu.memory_space<hbm>> -> memref<16777216xi32, #tpu.memory_space<hbm>>
        tpu.enqueue_indirect_dma source(%dma_start3A_1431 : memref<16777216xi32, #tpu.memory_space<hbm>>) target(%dma_start3A_1429 : memref<16xi32, #tpu.memory_space<vmem>>) offsets(%add3A_1427 : vector<16xi32>) semaphore(%arg18 : memref<!tpu.dma_semaphore, #tpu.memory_space<semaphore_mem>>)
        %swap3A_1432 = arith.index_cast %add3A_1035 : i32 to index
        %swap3A_1433 = arith.constant 48 : index
        %swap3A_1434 = tpu.vector_load %arg13[%swap3A_1432, %swap3A_1433] {strides = array<i32>} : memref<40x128xi32, #tpu.memory_space<vmem>>, vector<16xi32>,
        tpu.vector_store %arg13[%swap3A_1432, %swap3A_1433], %get3A_1400 {strides = array<i32>} : memref<40x128xi32, #tpu.memory_space<vmem>>, vector<16xi32>,
        %get3A_1435 = arith.constant 48 : index
        %get3A_1436 = tpu.vector_load %arg11[%get3A_1435] {strides = array<i32>} : memref<128xi32, #tpu.memory_space<vmem>>, vector<16xi32>,
        %mul3A_1437 = arith.constant 8 : i32
        %mul3A_1438 = vector.broadcast %mul3A_1437 : i32 to vector<16xi32>
        %mul3A_1439 = arith.muli %get3A_1436, %mul3A_1438 : vector<16xi32>
        %add3A_1440 = arith.constant 0 : i32
        %add3A_1441 = vector.broadcast %add3A_1440 : i32 to vector<16xi32>
        %add3A_1442 = arith.addi %mul3A_1439, %add3A_1441 : vector<16xi32>
        %gather3A_1443 = tpu.vector_load_idx %arg9[%add3A_1442] : memref<32776xi32, #tpu.memory_space<vmem>>[vector<16xi32>], vector<16xi32>,
        %swap3A_1444 = arith.constant 0 : i32
        %swap3A_1445 = arith.index_cast %add3A_1035 : i32 to index
        %swap3A_1446 = arith.index_cast %swap3A_1444 : i32 to index
        %swap3A_1447 = arith.constant 48 : index
        %swap3A_1448 = tpu.vector_load %arg14[%swap3A_1445, %swap3A_1446, %swap3A_1447] {strides = array<i32>} : memref<40x8x128xi32, #tpu.memory_space<vmem>>, vector<16xi32>,
        tpu.vector_store %arg14[%swap3A_1445, %swap3A_1446, %swap3A_1447], %gather3A_1443 {strides = array<i32>} : memref<40x8x128xi32, #tpu.memory_space<vmem>>, vector<16xi32>,
        %add3A_1449 = arith.constant 1 : i32
        %add3A_1450 = vector.broadcast %add3A_1449 : i32 to vector<16xi32>
        %add3A_1451 = arith.addi %mul3A_1439, %add3A_1450 : vector<16xi32>
        %gather3A_1452 = tpu.vector_load_idx %arg9[%add3A_1451] : memref<32776xi32, #tpu.memory_space<vmem>>[vector<16xi32>], vector<16xi32>,
        %swap3A_1453 = arith.constant 1 : i32
        %swap3A_1454 = arith.index_cast %add3A_1035 : i32 to index
        %swap3A_1455 = arith.index_cast %swap3A_1453 : i32 to index
        %swap3A_1456 = arith.constant 48 : index
        %swap3A_1457 = tpu.vector_load %arg14[%swap3A_1454, %swap3A_1455, %swap3A_1456] {strides = array<i32>} : memref<40x8x128xi32, #tpu.memory_space<vmem>>, vector<16xi32>,
        tpu.vector_store %arg14[%swap3A_1454, %swap3A_1455, %swap3A_1456], %gather3A_1452 {strides = array<i32>} : memref<40x8x128xi32, #tpu.memory_space<vmem>>, vector<16xi32>,
        %add3A_1458 = arith.constant 2 : i32
        %add3A_1459 = vector.broadcast %add3A_1458 : i32 to vector<16xi32>
        %add3A_1460 = arith.addi %mul3A_1439, %add3A_1459 : vector<16xi32>
        %gather3A_1461 = tpu.vector_load_idx %arg9[%add3A_1460] : memref<32776xi32, #tpu.memory_space<vmem>>[vector<16xi32>], vector<16xi32>,
        %swap3A_1462 = arith.constant 2 : i32
        %swap3A_1463 = arith.index_cast %add3A_1035 : i32 to index
        %swap3A_1464 = arith.index_cast %swap3A_1462 : i32 to index
        %swap3A_1465 = arith.constant 48 : index
        %swap3A_1466 = tpu.vector_load %arg14[%swap3A_1463, %swap3A_1464, %swap3A_1465] {strides = array<i32>} : memref<40x8x128xi32, #tpu.memory_space<vmem>>, vector<16xi32>,
        tpu.vector_store %arg14[%swap3A_1463, %swap3A_1464, %swap3A_1465], %gather3A_1461 {strides = array<i32>} : memref<40x8x128xi32, #tpu.memory_space<vmem>>, vector<16xi32>,
        %add3A_1467 = arith.constant 3 : i32
        %add3A_1468 = vector.broadcast %add3A_1467 : i32 to vector<16xi32>
        %add3A_1469 = arith.addi %mul3A_1439, %add3A_1468 : vector<16xi32>
        %gather3A_1470 = tpu.vector_load_idx %arg9[%add3A_1469] : memref<32776xi32, #tpu.memory_space<vmem>>[vector<16xi32>], vector<16xi32>,
        %swap3A_1471 = arith.constant 3 : i32
        %swap3A_1472 = arith.index_cast %add3A_1035 : i32 to index
        %swap3A_1473 = arith.index_cast %swap3A_1471 : i32 to index
        %swap3A_1474 = arith.constant 48 : index
        %swap3A_1475 = tpu.vector_load %arg14[%swap3A_1472, %swap3A_1473, %swap3A_1474] {strides = array<i32>} : memref<40x8x128xi32, #tpu.memory_space<vmem>>, vector<16xi32>,
        tpu.vector_store %arg14[%swap3A_1472, %swap3A_1473, %swap3A_1474], %gather3A_1470 {strides = array<i32>} : memref<40x8x128xi32, #tpu.memory_space<vmem>>, vector<16xi32>,
        %add3A_1476 = arith.constant 4 : i32
        %add3A_1477 = vector.broadcast %add3A_1476 : i32 to vector<16xi32>
        %add3A_1478 = arith.addi %mul3A_1439, %add3A_1477 : vector<16xi32>
        %gather3A_1479 = tpu.vector_load_idx %arg9[%add3A_1478] : memref<32776xi32, #tpu.memory_space<vmem>>[vector<16xi32>], vector<16xi32>,
        %swap3A_1480 = arith.constant 4 : i32
        %swap3A_1481 = arith.index_cast %add3A_1035 : i32 to index
        %swap3A_1482 = arith.index_cast %swap3A_1480 : i32 to index
        %swap3A_1483 = arith.constant 48 : index
        %swap3A_1484 = tpu.vector_load %arg14[%swap3A_1481, %swap3A_1482, %swap3A_1483] {strides = array<i32>} : memref<40x8x128xi32, #tpu.memory_space<vmem>>, vector<16xi32>,
        tpu.vector_store %arg14[%swap3A_1481, %swap3A_1482, %swap3A_1483], %gather3A_1479 {strides = array<i32>} : memref<40x8x128xi32, #tpu.memory_space<vmem>>, vector<16xi32>,
        %add3A_1485 = arith.constant 5 : i32
        %add3A_1486 = vector.broadcast %add3A_1485 : i32 to vector<16xi32>
        %add3A_1487 = arith.addi %mul3A_1439, %add3A_1486 : vector<16xi32>
        %gather3A_1488 = tpu.vector_load_idx %arg9[%add3A_1487] : memref<32776xi32, #tpu.memory_space<vmem>>[vector<16xi32>], vector<16xi32>,
        %swap3A_1489 = arith.constant 5 : i32
        %swap3A_1490 = arith.index_cast %add3A_1035 : i32 to index
        %swap3A_1491 = arith.index_cast %swap3A_1489 : i32 to index
        %swap3A_1492 = arith.constant 48 : index
        %swap3A_1493 = tpu.vector_load %arg14[%swap3A_1490, %swap3A_1491, %swap3A_1492] {strides = array<i32>} : memref<40x8x128xi32, #tpu.memory_space<vmem>>, vector<16xi32>,
        tpu.vector_store %arg14[%swap3A_1490, %swap3A_1491, %swap3A_1492], %gather3A_1488 {strides = array<i32>} : memref<40x8x128xi32, #tpu.memory_space<vmem>>, vector<16xi32>,
        %add3A_1494 = arith.constant 6 : i32
        %add3A_1495 = vector.broadcast %add3A_1494 : i32 to vector<16xi32>
        %add3A_1496 = arith.addi %mul3A_1439, %add3A_1495 : vector<16xi32>
        %gather3A_1497 = tpu.vector_load_idx %arg9[%add3A_1496] : memref<32776xi32, #tpu.memory_space<vmem>>[vector<16xi32>], vector<16xi32>,
        %swap3A_1498 = arith.constant 6 : i32
        %swap3A_1499 = arith.index_cast %add3A_1035 : i32 to index
        %swap3A_1500 = arith.index_cast %swap3A_1498 : i32 to index
        %swap3A_1501 = arith.constant 48 : index
        %swap3A_1502 = tpu.vector_load %arg14[%swap3A_1499, %swap3A_1500, %swap3A_1501] {strides = array<i32>} : memref<40x8x128xi32, #tpu.memory_space<vmem>>, vector<16xi32>,
        tpu.vector_store %arg14[%swap3A_1499, %swap3A_1500, %swap3A_1501], %gather3A_1497 {strides = array<i32>} : memref<40x8x128xi32, #tpu.memory_space<vmem>>, vector<16xi32>,
        %add3A_1503 = arith.constant 7 : i32
        %add3A_1504 = vector.broadcast %add3A_1503 : i32 to vector<16xi32>
        %add3A_1505 = arith.addi %mul3A_1439, %add3A_1504 : vector<16xi32>
        %gather3A_1506 = tpu.vector_load_idx %arg9[%add3A_1505] : memref<32776xi32, #tpu.memory_space<vmem>>[vector<16xi32>], vector<16xi32>,
        %swap3A_1507 = arith.constant 7 : i32
        %swap3A_1508 = arith.index_cast %add3A_1035 : i32 to index
        %swap3A_1509 = arith.index_cast %swap3A_1507 : i32 to index
        %swap3A_1510 = arith.constant 48 : index
        %swap3A_1511 = tpu.vector_load %arg14[%swap3A_1508, %swap3A_1509, %swap3A_1510] {strides = array<i32>} : memref<40x8x128xi32, #tpu.memory_space<vmem>>, vector<16xi32>,
        tpu.vector_store %arg14[%swap3A_1508, %swap3A_1509, %swap3A_1510], %gather3A_1506 {strides = array<i32>} : memref<40x8x128xi32, #tpu.memory_space<vmem>>, vector<16xi32>,
        %not3A_1512 = arith.constant false
        %not3A_1513 = arith.constant true
        %not3A_1514 = arith.xori %not3A_1512, %not3A_1513 : i1
        %convert_element_type3A_1515 = arith.extui %not3A_1514 : i1 to i32
        %cond3A_1516 = arith.constant 0 : i32
        %cond3A_1517 = arith.cmpi ne, %convert_element_type3A_1515, %cond3A_1516 : i32
        scf.if %cond3A_1517 {
          %dma_wait3A_1988 = arith.constant 64 : i32
          %dma_wait3A_1989 = tpu.memref_slice %arg11[%dma_wait3A_1988] : memref<128xi32, #tpu.memory_space<vmem>> -> memref<16xi32, #tpu.memory_space<vmem>>
          %dma_wait3A_1990 = arith.constant 64 : i32
          %dma_wait3A_1991 = tpu.memref_slice %arg12[%dma_wait3A_1990] : memref<128xi32, #tpu.memory_space<vmem>> -> memref<16xi32, #tpu.memory_space<vmem>>
          %dma_wait3A_1992 = arith.constant 0 : i32
          %dma_wait3A_1993 = tpu.memref_slice %arg2[%dma_wait3A_1992] : memref<16777216xi32, #tpu.memory_space<hbm>> -> memref<16777216xi32, #tpu.memory_space<hbm>>
          tpu.wait_indirect_dma semaphore(%arg19 : memref<!tpu.dma_semaphore, #tpu.memory_space<semaphore_mem>>) src(%dma_wait3A_1993 : memref<16777216xi32, #tpu.memory_space<hbm>>) dst(%dma_wait3A_1989 : memref<16xi32, #tpu.memory_space<vmem>>)
        } else {
        }
        %get3A_1518 = arith.constant 64 : index
        %get3A_1519 = tpu.vector_load %arg11[%get3A_1518] {strides = array<i32>} : memref<128xi32, #tpu.memory_space<vmem>>, vector<16xi32>,
        %get3A_1520 = arith.index_cast %add3A_1033 : i32 to index
        %get3A_1521 = arith.constant 64 : index
        %get3A_1522 = tpu.vector_load %arg8[%get3A_1520, %get3A_1521] {strides = array<i32>} : memref<200x128xi32, #tpu.memory_space<vmem>>, vector<16xi32>,
        %shift_right_arithmetic3A_1523 = arith.constant 3 : i32
        %shift_right_arithmetic3A_1524 = vector.broadcast %shift_right_arithmetic3A_1523 : i32 to vector<16xi32>
        %shift_right_arithmetic3A_1525 = arith.shrsi %get3A_1519, %shift_right_arithmetic3A_1524 : vector<16xi32>
        %shift_left3A_1526 = arith.constant 15 : i32
        %shift_left3A_1527 = vector.broadcast %shift_left3A_1526 : i32 to vector<16xi32>
        %shift_left3A_1528 = arith.shli %shift_right_arithmetic3A_1525, %shift_left3A_1527 : vector<16xi32>
        %shift_right_arithmetic3A_1529 = arith.constant 7 : i32
        %shift_right_arithmetic3A_1530 = vector.broadcast %shift_right_arithmetic3A_1529 : i32 to vector<16xi32>
        %shift_right_arithmetic3A_1531 = arith.shrsi %get3A_1522, %shift_right_arithmetic3A_1530 : vector<16xi32>
        %shift_left3A_1532 = arith.constant 10 : i32
        %shift_left3A_1533 = vector.broadcast %shift_left3A_1532 : i32 to vector<16xi32>
        %shift_left3A_1534 = arith.shli %shift_right_arithmetic3A_1531, %shift_left3A_1533 : vector<16xi32>
        %add3A_1535 = arith.addi %shift_left3A_1528, %shift_left3A_1534 : vector<16xi32>
        %and3A_1536 = arith.constant 7 : i32
        %and3A_1537 = vector.broadcast %and3A_1536 : i32 to vector<16xi32>
        %and3A_1538 = arith.andi %get3A_1519, %and3A_1537 : vector<16xi32>
        %shift_left3A_1539 = arith.constant 7 : i32
        %shift_left3A_1540 = vector.broadcast %shift_left3A_1539 : i32 to vector<16xi32>
        %shift_left3A_1541 = arith.shli %and3A_1538, %shift_left3A_1540 : vector<16xi32>
        %add3A_1542 = arith.addi %add3A_1535, %shift_left3A_1541 : vector<16xi32>
        %and3A_1543 = arith.constant 127 : i32
        %and3A_1544 = vector.broadcast %and3A_1543 : i32 to vector<16xi32>
        %and3A_1545 = arith.andi %get3A_1522, %and3A_1544 : vector<16xi32>
        %add3A_1546 = arith.addi %add3A_1542, %and3A_1545 : vector<16xi32>
        %dma_start3A_1547 = arith.constant 64 : i32
        %dma_start3A_1548 = tpu.memref_slice %arg10[%dma_start3A_1547] : memref<128xi32, #tpu.memory_space<vmem>> -> memref<16xi32, #tpu.memory_space<vmem>>
        %dma_start3A_1549 = arith.constant 0 : i32
        %dma_start3A_1550 = tpu.memref_slice %arg2[%dma_start3A_1549] : memref<16777216xi32, #tpu.memory_space<hbm>> -> memref<16777216xi32, #tpu.memory_space<hbm>>
        tpu.enqueue_indirect_dma source(%dma_start3A_1550 : memref<16777216xi32, #tpu.memory_space<hbm>>) target(%dma_start3A_1548 : memref<16xi32, #tpu.memory_space<vmem>>) offsets(%add3A_1546 : vector<16xi32>) semaphore(%arg19 : memref<!tpu.dma_semaphore, #tpu.memory_space<semaphore_mem>>)
        %swap3A_1551 = arith.index_cast %add3A_1035 : i32 to index
        %swap3A_1552 = arith.constant 64 : index
        %swap3A_1553 = tpu.vector_load %arg13[%swap3A_1551, %swap3A_1552] {strides = array<i32>} : memref<40x128xi32, #tpu.memory_space<vmem>>, vector<16xi32>,
        tpu.vector_store %arg13[%swap3A_1551, %swap3A_1552], %get3A_1519 {strides = array<i32>} : memref<40x128xi32, #tpu.memory_space<vmem>>, vector<16xi32>,
        %get3A_1554 = arith.constant 64 : index
        %get3A_1555 = tpu.vector_load %arg11[%get3A_1554] {strides = array<i32>} : memref<128xi32, #tpu.memory_space<vmem>>, vector<16xi32>,
        %mul3A_1556 = arith.constant 8 : i32
        %mul3A_1557 = vector.broadcast %mul3A_1556 : i32 to vector<16xi32>
        %mul3A_1558 = arith.muli %get3A_1555, %mul3A_1557 : vector<16xi32>
        %add3A_1559 = arith.constant 0 : i32
        %add3A_1560 = vector.broadcast %add3A_1559 : i32 to vector<16xi32>
        %add3A_1561 = arith.addi %mul3A_1558, %add3A_1560 : vector<16xi32>
        %gather3A_1562 = tpu.vector_load_idx %arg9[%add3A_1561] : memref<32776xi32, #tpu.memory_space<vmem>>[vector<16xi32>], vector<16xi32>,
        %swap3A_1563 = arith.constant 0 : i32
        %swap3A_1564 = arith.index_cast %add3A_1035 : i32 to index
        %swap3A_1565 = arith.index_cast %swap3A_1563 : i32 to index
        %swap3A_1566 = arith.constant 64 : index
        %swap3A_1567 = tpu.vector_load %arg14[%swap3A_1564, %swap3A_1565, %swap3A_1566] {strides = array<i32>} : memref<40x8x128xi32, #tpu.memory_space<vmem>>, vector<16xi32>,
        tpu.vector_store %arg14[%swap3A_1564, %swap3A_1565, %swap3A_1566], %gather3A_1562 {strides = array<i32>} : memref<40x8x128xi32, #tpu.memory_space<vmem>>, vector<16xi32>,
        %add3A_1568 = arith.constant 1 : i32
        %add3A_1569 = vector.broadcast %add3A_1568 : i32 to vector<16xi32>
        %add3A_1570 = arith.addi %mul3A_1558, %add3A_1569 : vector<16xi32>
        %gather3A_1571 = tpu.vector_load_idx %arg9[%add3A_1570] : memref<32776xi32, #tpu.memory_space<vmem>>[vector<16xi32>], vector<16xi32>,
        %swap3A_1572 = arith.constant 1 : i32
        %swap3A_1573 = arith.index_cast %add3A_1035 : i32 to index
        %swap3A_1574 = arith.index_cast %swap3A_1572 : i32 to index
        %swap3A_1575 = arith.constant 64 : index
        %swap3A_1576 = tpu.vector_load %arg14[%swap3A_1573, %swap3A_1574, %swap3A_1575] {strides = array<i32>} : memref<40x8x128xi32, #tpu.memory_space<vmem>>, vector<16xi32>,
        tpu.vector_store %arg14[%swap3A_1573, %swap3A_1574, %swap3A_1575], %gather3A_1571 {strides = array<i32>} : memref<40x8x128xi32, #tpu.memory_space<vmem>>, vector<16xi32>,
        %add3A_1577 = arith.constant 2 : i32
        %add3A_1578 = vector.broadcast %add3A_1577 : i32 to vector<16xi32>
        %add3A_1579 = arith.addi %mul3A_1558, %add3A_1578 : vector<16xi32>
        %gather3A_1580 = tpu.vector_load_idx %arg9[%add3A_1579] : memref<32776xi32, #tpu.memory_space<vmem>>[vector<16xi32>], vector<16xi32>,
        %swap3A_1581 = arith.constant 2 : i32
        %swap3A_1582 = arith.index_cast %add3A_1035 : i32 to index
        %swap3A_1583 = arith.index_cast %swap3A_1581 : i32 to index
        %swap3A_1584 = arith.constant 64 : index
        %swap3A_1585 = tpu.vector_load %arg14[%swap3A_1582, %swap3A_1583, %swap3A_1584] {strides = array<i32>} : memref<40x8x128xi32, #tpu.memory_space<vmem>>, vector<16xi32>,
        tpu.vector_store %arg14[%swap3A_1582, %swap3A_1583, %swap3A_1584], %gather3A_1580 {strides = array<i32>} : memref<40x8x128xi32, #tpu.memory_space<vmem>>, vector<16xi32>,
        %add3A_1586 = arith.constant 3 : i32
        %add3A_1587 = vector.broadcast %add3A_1586 : i32 to vector<16xi32>
        %add3A_1588 = arith.addi %mul3A_1558, %add3A_1587 : vector<16xi32>
        %gather3A_1589 = tpu.vector_load_idx %arg9[%add3A_1588] : memref<32776xi32, #tpu.memory_space<vmem>>[vector<16xi32>], vector<16xi32>,
        %swap3A_1590 = arith.constant 3 : i32
        %swap3A_1591 = arith.index_cast %add3A_1035 : i32 to index
        %swap3A_1592 = arith.index_cast %swap3A_1590 : i32 to index
        %swap3A_1593 = arith.constant 64 : index
        %swap3A_1594 = tpu.vector_load %arg14[%swap3A_1591, %swap3A_1592, %swap3A_1593] {strides = array<i32>} : memref<40x8x128xi32, #tpu.memory_space<vmem>>, vector<16xi32>,
        tpu.vector_store %arg14[%swap3A_1591, %swap3A_1592, %swap3A_1593], %gather3A_1589 {strides = array<i32>} : memref<40x8x128xi32, #tpu.memory_space<vmem>>, vector<16xi32>,
        %add3A_1595 = arith.constant 4 : i32
        %add3A_1596 = vector.broadcast %add3A_1595 : i32 to vector<16xi32>
        %add3A_1597 = arith.addi %mul3A_1558, %add3A_1596 : vector<16xi32>
        %gather3A_1598 = tpu.vector_load_idx %arg9[%add3A_1597] : memref<32776xi32, #tpu.memory_space<vmem>>[vector<16xi32>], vector<16xi32>,
        %swap3A_1599 = arith.constant 4 : i32
        %swap3A_1600 = arith.index_cast %add3A_1035 : i32 to index
        %swap3A_1601 = arith.index_cast %swap3A_1599 : i32 to index
        %swap3A_1602 = arith.constant 64 : index
        %swap3A_1603 = tpu.vector_load %arg14[%swap3A_1600, %swap3A_1601, %swap3A_1602] {strides = array<i32>} : memref<40x8x128xi32, #tpu.memory_space<vmem>>, vector<16xi32>,
        tpu.vector_store %arg14[%swap3A_1600, %swap3A_1601, %swap3A_1602], %gather3A_1598 {strides = array<i32>} : memref<40x8x128xi32, #tpu.memory_space<vmem>>, vector<16xi32>,
        %add3A_1604 = arith.constant 5 : i32
        %add3A_1605 = vector.broadcast %add3A_1604 : i32 to vector<16xi32>
        %add3A_1606 = arith.addi %mul3A_1558, %add3A_1605 : vector<16xi32>
        %gather3A_1607 = tpu.vector_load_idx %arg9[%add3A_1606] : memref<32776xi32, #tpu.memory_space<vmem>>[vector<16xi32>], vector<16xi32>,
        %swap3A_1608 = arith.constant 5 : i32
        %swap3A_1609 = arith.index_cast %add3A_1035 : i32 to index
        %swap3A_1610 = arith.index_cast %swap3A_1608 : i32 to index
        %swap3A_1611 = arith.constant 64 : index
        %swap3A_1612 = tpu.vector_load %arg14[%swap3A_1609, %swap3A_1610, %swap3A_1611] {strides = array<i32>} : memref<40x8x128xi32, #tpu.memory_space<vmem>>, vector<16xi32>,
        tpu.vector_store %arg14[%swap3A_1609, %swap3A_1610, %swap3A_1611], %gather3A_1607 {strides = array<i32>} : memref<40x8x128xi32, #tpu.memory_space<vmem>>, vector<16xi32>,
        %add3A_1613 = arith.constant 6 : i32
        %add3A_1614 = vector.broadcast %add3A_1613 : i32 to vector<16xi32>
        %add3A_1615 = arith.addi %mul3A_1558, %add3A_1614 : vector<16xi32>
        %gather3A_1616 = tpu.vector_load_idx %arg9[%add3A_1615] : memref<32776xi32, #tpu.memory_space<vmem>>[vector<16xi32>], vector<16xi32>,
        %swap3A_1617 = arith.constant 6 : i32
        %swap3A_1618 = arith.index_cast %add3A_1035 : i32 to index
        %swap3A_1619 = arith.index_cast %swap3A_1617 : i32 to index
        %swap3A_1620 = arith.constant 64 : index
        %swap3A_1621 = tpu.vector_load %arg14[%swap3A_1618, %swap3A_1619, %swap3A_1620] {strides = array<i32>} : memref<40x8x128xi32, #tpu.memory_space<vmem>>, vector<16xi32>,
        tpu.vector_store %arg14[%swap3A_1618, %swap3A_1619, %swap3A_1620], %gather3A_1616 {strides = array<i32>} : memref<40x8x128xi32, #tpu.memory_space<vmem>>, vector<16xi32>,
        %add3A_1622 = arith.constant 7 : i32
        %add3A_1623 = vector.broadcast %add3A_1622 : i32 to vector<16xi32>
        %add3A_1624 = arith.addi %mul3A_1558, %add3A_1623 : vector<16xi32>
        %gather3A_1625 = tpu.vector_load_idx %arg9[%add3A_1624] : memref<32776xi32, #tpu.memory_space<vmem>>[vector<16xi32>], vector<16xi32>,
        %swap3A_1626 = arith.constant 7 : i32
        %swap3A_1627 = arith.index_cast %add3A_1035 : i32 to index
        %swap3A_1628 = arith.index_cast %swap3A_1626 : i32 to index
        %swap3A_1629 = arith.constant 64 : index
        %swap3A_1630 = tpu.vector_load %arg14[%swap3A_1627, %swap3A_1628, %swap3A_1629] {strides = array<i32>} : memref<40x8x128xi32, #tpu.memory_space<vmem>>, vector<16xi32>,
        tpu.vector_store %arg14[%swap3A_1627, %swap3A_1628, %swap3A_1629], %gather3A_1625 {strides = array<i32>} : memref<40x8x128xi32, #tpu.memory_space<vmem>>, vector<16xi32>,
        %not3A_1631 = arith.constant false
        %not3A_1632 = arith.constant true
        %not3A_1633 = arith.xori %not3A_1631, %not3A_1632 : i1
        %convert_element_type3A_1634 = arith.extui %not3A_1633 : i1 to i32
        %cond3A_1635 = arith.constant 0 : i32
        %cond3A_1636 = arith.cmpi ne, %convert_element_type3A_1634, %cond3A_1635 : i32
        scf.if %cond3A_1636 {
          %dma_wait3A_1988 = arith.constant 80 : i32
          %dma_wait3A_1989 = tpu.memref_slice %arg11[%dma_wait3A_1988] : memref<128xi32, #tpu.memory_space<vmem>> -> memref<16xi32, #tpu.memory_space<vmem>>
          %dma_wait3A_1990 = arith.constant 80 : i32
          %dma_wait3A_1991 = tpu.memref_slice %arg12[%dma_wait3A_1990] : memref<128xi32, #tpu.memory_space<vmem>> -> memref<16xi32, #tpu.memory_space<vmem>>
          %dma_wait3A_1992 = arith.constant 0 : i32
          %dma_wait3A_1993 = tpu.memref_slice %arg2[%dma_wait3A_1992] : memref<16777216xi32, #tpu.memory_space<hbm>> -> memref<16777216xi32, #tpu.memory_space<hbm>>
          tpu.wait_indirect_dma semaphore(%arg20 : memref<!tpu.dma_semaphore, #tpu.memory_space<semaphore_mem>>) src(%dma_wait3A_1993 : memref<16777216xi32, #tpu.memory_space<hbm>>) dst(%dma_wait3A_1989 : memref<16xi32, #tpu.memory_space<vmem>>)
        } else {
        }
        %get3A_1637 = arith.constant 80 : index
        %get3A_1638 = tpu.vector_load %arg11[%get3A_1637] {strides = array<i32>} : memref<128xi32, #tpu.memory_space<vmem>>, vector<16xi32>,
        %get3A_1639 = arith.index_cast %add3A_1033 : i32 to index
        %get3A_1640 = arith.constant 80 : index
        %get3A_1641 = tpu.vector_load %arg8[%get3A_1639, %get3A_1640] {strides = array<i32>} : memref<200x128xi32, #tpu.memory_space<vmem>>, vector<16xi32>,
        %shift_right_arithmetic3A_1642 = arith.constant 3 : i32
        %shift_right_arithmetic3A_1643 = vector.broadcast %shift_right_arithmetic3A_1642 : i32 to vector<16xi32>
        %shift_right_arithmetic3A_1644 = arith.shrsi %get3A_1638, %shift_right_arithmetic3A_1643 : vector<16xi32>
        %shift_left3A_1645 = arith.constant 15 : i32
        %shift_left3A_1646 = vector.broadcast %shift_left3A_1645 : i32 to vector<16xi32>
        %shift_left3A_1647 = arith.shli %shift_right_arithmetic3A_1644, %shift_left3A_1646 : vector<16xi32>
        %shift_right_arithmetic3A_1648 = arith.constant 7 : i32
        %shift_right_arithmetic3A_1649 = vector.broadcast %shift_right_arithmetic3A_1648 : i32 to vector<16xi32>
        %shift_right_arithmetic3A_1650 = arith.shrsi %get3A_1641, %shift_right_arithmetic3A_1649 : vector<16xi32>
        %shift_left3A_1651 = arith.constant 10 : i32
        %shift_left3A_1652 = vector.broadcast %shift_left3A_1651 : i32 to vector<16xi32>
        %shift_left3A_1653 = arith.shli %shift_right_arithmetic3A_1650, %shift_left3A_1652 : vector<16xi32>
        %add3A_1654 = arith.addi %shift_left3A_1647, %shift_left3A_1653 : vector<16xi32>
        %and3A_1655 = arith.constant 7 : i32
        %and3A_1656 = vector.broadcast %and3A_1655 : i32 to vector<16xi32>
        %and3A_1657 = arith.andi %get3A_1638, %and3A_1656 : vector<16xi32>
        %shift_left3A_1658 = arith.constant 7 : i32
        %shift_left3A_1659 = vector.broadcast %shift_left3A_1658 : i32 to vector<16xi32>
        %shift_left3A_1660 = arith.shli %and3A_1657, %shift_left3A_1659 : vector<16xi32>
        %add3A_1661 = arith.addi %add3A_1654, %shift_left3A_1660 : vector<16xi32>
        %and3A_1662 = arith.constant 127 : i32
        %and3A_1663 = vector.broadcast %and3A_1662 : i32 to vector<16xi32>
        %and3A_1664 = arith.andi %get3A_1641, %and3A_1663 : vector<16xi32>
        %add3A_1665 = arith.addi %add3A_1661, %and3A_1664 : vector<16xi32>
        %dma_start3A_1666 = arith.constant 80 : i32
        %dma_start3A_1667 = tpu.memref_slice %arg10[%dma_start3A_1666] : memref<128xi32, #tpu.memory_space<vmem>> -> memref<16xi32, #tpu.memory_space<vmem>>
        %dma_start3A_1668 = arith.constant 0 : i32
        %dma_start3A_1669 = tpu.memref_slice %arg2[%dma_start3A_1668] : memref<16777216xi32, #tpu.memory_space<hbm>> -> memref<16777216xi32, #tpu.memory_space<hbm>>
        tpu.enqueue_indirect_dma source(%dma_start3A_1669 : memref<16777216xi32, #tpu.memory_space<hbm>>) target(%dma_start3A_1667 : memref<16xi32, #tpu.memory_space<vmem>>) offsets(%add3A_1665 : vector<16xi32>) semaphore(%arg20 : memref<!tpu.dma_semaphore, #tpu.memory_space<semaphore_mem>>)
        %swap3A_1670 = arith.index_cast %add3A_1035 : i32 to index
        %swap3A_1671 = arith.constant 80 : index
        %swap3A_1672 = tpu.vector_load %arg13[%swap3A_1670, %swap3A_1671] {strides = array<i32>} : memref<40x128xi32, #tpu.memory_space<vmem>>, vector<16xi32>,
        tpu.vector_store %arg13[%swap3A_1670, %swap3A_1671], %get3A_1638 {strides = array<i32>} : memref<40x128xi32, #tpu.memory_space<vmem>>, vector<16xi32>,
        %get3A_1673 = arith.constant 80 : index
        %get3A_1674 = tpu.vector_load %arg11[%get3A_1673] {strides = array<i32>} : memref<128xi32, #tpu.memory_space<vmem>>, vector<16xi32>,
        %mul3A_1675 = arith.constant 8 : i32
        %mul3A_1676 = vector.broadcast %mul3A_1675 : i32 to vector<16xi32>
        %mul3A_1677 = arith.muli %get3A_1674, %mul3A_1676 : vector<16xi32>
        %add3A_1678 = arith.constant 0 : i32
        %add3A_1679 = vector.broadcast %add3A_1678 : i32 to vector<16xi32>
        %add3A_1680 = arith.addi %mul3A_1677, %add3A_1679 : vector<16xi32>
        %gather3A_1681 = tpu.vector_load_idx %arg9[%add3A_1680] : memref<32776xi32, #tpu.memory_space<vmem>>[vector<16xi32>], vector<16xi32>,
        %swap3A_1682 = arith.constant 0 : i32
        %swap3A_1683 = arith.index_cast %add3A_1035 : i32 to index
        %swap3A_1684 = arith.index_cast %swap3A_1682 : i32 to index
        %swap3A_1685 = arith.constant 80 : index
        %swap3A_1686 = tpu.vector_load %arg14[%swap3A_1683, %swap3A_1684, %swap3A_1685] {strides = array<i32>} : memref<40x8x128xi32, #tpu.memory_space<vmem>>, vector<16xi32>,
        tpu.vector_store %arg14[%swap3A_1683, %swap3A_1684, %swap3A_1685], %gather3A_1681 {strides = array<i32>} : memref<40x8x128xi32, #tpu.memory_space<vmem>>, vector<16xi32>,
        %add3A_1687 = arith.constant 1 : i32
        %add3A_1688 = vector.broadcast %add3A_1687 : i32 to vector<16xi32>
        %add3A_1689 = arith.addi %mul3A_1677, %add3A_1688 : vector<16xi32>
        %gather3A_1690 = tpu.vector_load_idx %arg9[%add3A_1689] : memref<32776xi32, #tpu.memory_space<vmem>>[vector<16xi32>], vector<16xi32>,
        %swap3A_1691 = arith.constant 1 : i32
        %swap3A_1692 = arith.index_cast %add3A_1035 : i32 to index
        %swap3A_1693 = arith.index_cast %swap3A_1691 : i32 to index
        %swap3A_1694 = arith.constant 80 : index
        %swap3A_1695 = tpu.vector_load %arg14[%swap3A_1692, %swap3A_1693, %swap3A_1694] {strides = array<i32>} : memref<40x8x128xi32, #tpu.memory_space<vmem>>, vector<16xi32>,
        tpu.vector_store %arg14[%swap3A_1692, %swap3A_1693, %swap3A_1694], %gather3A_1690 {strides = array<i32>} : memref<40x8x128xi32, #tpu.memory_space<vmem>>, vector<16xi32>,
        %add3A_1696 = arith.constant 2 : i32
        %add3A_1697 = vector.broadcast %add3A_1696 : i32 to vector<16xi32>
        %add3A_1698 = arith.addi %mul3A_1677, %add3A_1697 : vector<16xi32>
        %gather3A_1699 = tpu.vector_load_idx %arg9[%add3A_1698] : memref<32776xi32, #tpu.memory_space<vmem>>[vector<16xi32>], vector<16xi32>,
        %swap3A_1700 = arith.constant 2 : i32
        %swap3A_1701 = arith.index_cast %add3A_1035 : i32 to index
        %swap3A_1702 = arith.index_cast %swap3A_1700 : i32 to index
        %swap3A_1703 = arith.constant 80 : index
        %swap3A_1704 = tpu.vector_load %arg14[%swap3A_1701, %swap3A_1702, %swap3A_1703] {strides = array<i32>} : memref<40x8x128xi32, #tpu.memory_space<vmem>>, vector<16xi32>,
        tpu.vector_store %arg14[%swap3A_1701, %swap3A_1702, %swap3A_1703], %gather3A_1699 {strides = array<i32>} : memref<40x8x128xi32, #tpu.memory_space<vmem>>, vector<16xi32>,
        %add3A_1705 = arith.constant 3 : i32
        %add3A_1706 = vector.broadcast %add3A_1705 : i32 to vector<16xi32>
        %add3A_1707 = arith.addi %mul3A_1677, %add3A_1706 : vector<16xi32>
        %gather3A_1708 = tpu.vector_load_idx %arg9[%add3A_1707] : memref<32776xi32, #tpu.memory_space<vmem>>[vector<16xi32>], vector<16xi32>,
        %swap3A_1709 = arith.constant 3 : i32
        %swap3A_1710 = arith.index_cast %add3A_1035 : i32 to index
        %swap3A_1711 = arith.index_cast %swap3A_1709 : i32 to index
        %swap3A_1712 = arith.constant 80 : index
        %swap3A_1713 = tpu.vector_load %arg14[%swap3A_1710, %swap3A_1711, %swap3A_1712] {strides = array<i32>} : memref<40x8x128xi32, #tpu.memory_space<vmem>>, vector<16xi32>,
        tpu.vector_store %arg14[%swap3A_1710, %swap3A_1711, %swap3A_1712], %gather3A_1708 {strides = array<i32>} : memref<40x8x128xi32, #tpu.memory_space<vmem>>, vector<16xi32>,
        %add3A_1714 = arith.constant 4 : i32
        %add3A_1715 = vector.broadcast %add3A_1714 : i32 to vector<16xi32>
        %add3A_1716 = arith.addi %mul3A_1677, %add3A_1715 : vector<16xi32>
        %gather3A_1717 = tpu.vector_load_idx %arg9[%add3A_1716] : memref<32776xi32, #tpu.memory_space<vmem>>[vector<16xi32>], vector<16xi32>,
        %swap3A_1718 = arith.constant 4 : i32
        %swap3A_1719 = arith.index_cast %add3A_1035 : i32 to index
        %swap3A_1720 = arith.index_cast %swap3A_1718 : i32 to index
        %swap3A_1721 = arith.constant 80 : index
        %swap3A_1722 = tpu.vector_load %arg14[%swap3A_1719, %swap3A_1720, %swap3A_1721] {strides = array<i32>} : memref<40x8x128xi32, #tpu.memory_space<vmem>>, vector<16xi32>,
        tpu.vector_store %arg14[%swap3A_1719, %swap3A_1720, %swap3A_1721], %gather3A_1717 {strides = array<i32>} : memref<40x8x128xi32, #tpu.memory_space<vmem>>, vector<16xi32>,
        %add3A_1723 = arith.constant 5 : i32
        %add3A_1724 = vector.broadcast %add3A_1723 : i32 to vector<16xi32>
        %add3A_1725 = arith.addi %mul3A_1677, %add3A_1724 : vector<16xi32>
        %gather3A_1726 = tpu.vector_load_idx %arg9[%add3A_1725] : memref<32776xi32, #tpu.memory_space<vmem>>[vector<16xi32>], vector<16xi32>,
        %swap3A_1727 = arith.constant 5 : i32
        %swap3A_1728 = arith.index_cast %add3A_1035 : i32 to index
        %swap3A_1729 = arith.index_cast %swap3A_1727 : i32 to index
        %swap3A_1730 = arith.constant 80 : index
        %swap3A_1731 = tpu.vector_load %arg14[%swap3A_1728, %swap3A_1729, %swap3A_1730] {strides = array<i32>} : memref<40x8x128xi32, #tpu.memory_space<vmem>>, vector<16xi32>,
        tpu.vector_store %arg14[%swap3A_1728, %swap3A_1729, %swap3A_1730], %gather3A_1726 {strides = array<i32>} : memref<40x8x128xi32, #tpu.memory_space<vmem>>, vector<16xi32>,
        %add3A_1732 = arith.constant 6 : i32
        %add3A_1733 = vector.broadcast %add3A_1732 : i32 to vector<16xi32>
        %add3A_1734 = arith.addi %mul3A_1677, %add3A_1733 : vector<16xi32>
        %gather3A_1735 = tpu.vector_load_idx %arg9[%add3A_1734] : memref<32776xi32, #tpu.memory_space<vmem>>[vector<16xi32>], vector<16xi32>,
        %swap3A_1736 = arith.constant 6 : i32
        %swap3A_1737 = arith.index_cast %add3A_1035 : i32 to index
        %swap3A_1738 = arith.index_cast %swap3A_1736 : i32 to index
        %swap3A_1739 = arith.constant 80 : index
        %swap3A_1740 = tpu.vector_load %arg14[%swap3A_1737, %swap3A_1738, %swap3A_1739] {strides = array<i32>} : memref<40x8x128xi32, #tpu.memory_space<vmem>>, vector<16xi32>,
        tpu.vector_store %arg14[%swap3A_1737, %swap3A_1738, %swap3A_1739], %gather3A_1735 {strides = array<i32>} : memref<40x8x128xi32, #tpu.memory_space<vmem>>, vector<16xi32>,
        %add3A_1741 = arith.constant 7 : i32
        %add3A_1742 = vector.broadcast %add3A_1741 : i32 to vector<16xi32>
        %add3A_1743 = arith.addi %mul3A_1677, %add3A_1742 : vector<16xi32>
        %gather3A_1744 = tpu.vector_load_idx %arg9[%add3A_1743] : memref<32776xi32, #tpu.memory_space<vmem>>[vector<16xi32>], vector<16xi32>,
        %swap3A_1745 = arith.constant 7 : i32
        %swap3A_1746 = arith.index_cast %add3A_1035 : i32 to index
        %swap3A_1747 = arith.index_cast %swap3A_1745 : i32 to index
        %swap3A_1748 = arith.constant 80 : index
        %swap3A_1749 = tpu.vector_load %arg14[%swap3A_1746, %swap3A_1747, %swap3A_1748] {strides = array<i32>} : memref<40x8x128xi32, #tpu.memory_space<vmem>>, vector<16xi32>,
        tpu.vector_store %arg14[%swap3A_1746, %swap3A_1747, %swap3A_1748], %gather3A_1744 {strides = array<i32>} : memref<40x8x128xi32, #tpu.memory_space<vmem>>, vector<16xi32>,
        %not3A_1750 = arith.constant false
        %not3A_1751 = arith.constant true
        %not3A_1752 = arith.xori %not3A_1750, %not3A_1751 : i1
        %convert_element_type3A_1753 = arith.extui %not3A_1752 : i1 to i32
        %cond3A_1754 = arith.constant 0 : i32
        %cond3A_1755 = arith.cmpi ne, %convert_element_type3A_1753, %cond3A_1754 : i32
        scf.if %cond3A_1755 {
          %dma_wait3A_1988 = arith.constant 96 : i32
          %dma_wait3A_1989 = tpu.memref_slice %arg11[%dma_wait3A_1988] : memref<128xi32, #tpu.memory_space<vmem>> -> memref<16xi32, #tpu.memory_space<vmem>>
          %dma_wait3A_1990 = arith.constant 96 : i32
          %dma_wait3A_1991 = tpu.memref_slice %arg12[%dma_wait3A_1990] : memref<128xi32, #tpu.memory_space<vmem>> -> memref<16xi32, #tpu.memory_space<vmem>>
          %dma_wait3A_1992 = arith.constant 0 : i32
          %dma_wait3A_1993 = tpu.memref_slice %arg2[%dma_wait3A_1992] : memref<16777216xi32, #tpu.memory_space<hbm>> -> memref<16777216xi32, #tpu.memory_space<hbm>>
          tpu.wait_indirect_dma semaphore(%arg21 : memref<!tpu.dma_semaphore, #tpu.memory_space<semaphore_mem>>) src(%dma_wait3A_1993 : memref<16777216xi32, #tpu.memory_space<hbm>>) dst(%dma_wait3A_1989 : memref<16xi32, #tpu.memory_space<vmem>>)
        } else {
        }
        %get3A_1756 = arith.constant 96 : index
        %get3A_1757 = tpu.vector_load %arg11[%get3A_1756] {strides = array<i32>} : memref<128xi32, #tpu.memory_space<vmem>>, vector<16xi32>,
        %get3A_1758 = arith.index_cast %add3A_1033 : i32 to index
        %get3A_1759 = arith.constant 96 : index
        %get3A_1760 = tpu.vector_load %arg8[%get3A_1758, %get3A_1759] {strides = array<i32>} : memref<200x128xi32, #tpu.memory_space<vmem>>, vector<16xi32>,
        %shift_right_arithmetic3A_1761 = arith.constant 3 : i32
        %shift_right_arithmetic3A_1762 = vector.broadcast %shift_right_arithmetic3A_1761 : i32 to vector<16xi32>
        %shift_right_arithmetic3A_1763 = arith.shrsi %get3A_1757, %shift_right_arithmetic3A_1762 : vector<16xi32>
        %shift_left3A_1764 = arith.constant 15 : i32
        %shift_left3A_1765 = vector.broadcast %shift_left3A_1764 : i32 to vector<16xi32>
        %shift_left3A_1766 = arith.shli %shift_right_arithmetic3A_1763, %shift_left3A_1765 : vector<16xi32>
        %shift_right_arithmetic3A_1767 = arith.constant 7 : i32
        %shift_right_arithmetic3A_1768 = vector.broadcast %shift_right_arithmetic3A_1767 : i32 to vector<16xi32>
        %shift_right_arithmetic3A_1769 = arith.shrsi %get3A_1760, %shift_right_arithmetic3A_1768 : vector<16xi32>
        %shift_left3A_1770 = arith.constant 10 : i32
        %shift_left3A_1771 = vector.broadcast %shift_left3A_1770 : i32 to vector<16xi32>
        %shift_left3A_1772 = arith.shli %shift_right_arithmetic3A_1769, %shift_left3A_1771 : vector<16xi32>
        %add3A_1773 = arith.addi %shift_left3A_1766, %shift_left3A_1772 : vector<16xi32>
        %and3A_1774 = arith.constant 7 : i32
        %and3A_1775 = vector.broadcast %and3A_1774 : i32 to vector<16xi32>
        %and3A_1776 = arith.andi %get3A_1757, %and3A_1775 : vector<16xi32>
        %shift_left3A_1777 = arith.constant 7 : i32
        %shift_left3A_1778 = vector.broadcast %shift_left3A_1777 : i32 to vector<16xi32>
        %shift_left3A_1779 = arith.shli %and3A_1776, %shift_left3A_1778 : vector<16xi32>
        %add3A_1780 = arith.addi %add3A_1773, %shift_left3A_1779 : vector<16xi32>
        %and3A_1781 = arith.constant 127 : i32
        %and3A_1782 = vector.broadcast %and3A_1781 : i32 to vector<16xi32>
        %and3A_1783 = arith.andi %get3A_1760, %and3A_1782 : vector<16xi32>
        %add3A_1784 = arith.addi %add3A_1780, %and3A_1783 : vector<16xi32>
        %dma_start3A_1785 = arith.constant 96 : i32
        %dma_start3A_1786 = tpu.memref_slice %arg10[%dma_start3A_1785] : memref<128xi32, #tpu.memory_space<vmem>> -> memref<16xi32, #tpu.memory_space<vmem>>
        %dma_start3A_1787 = arith.constant 0 : i32
        %dma_start3A_1788 = tpu.memref_slice %arg2[%dma_start3A_1787] : memref<16777216xi32, #tpu.memory_space<hbm>> -> memref<16777216xi32, #tpu.memory_space<hbm>>
        tpu.enqueue_indirect_dma source(%dma_start3A_1788 : memref<16777216xi32, #tpu.memory_space<hbm>>) target(%dma_start3A_1786 : memref<16xi32, #tpu.memory_space<vmem>>) offsets(%add3A_1784 : vector<16xi32>) semaphore(%arg21 : memref<!tpu.dma_semaphore, #tpu.memory_space<semaphore_mem>>)
        %swap3A_1789 = arith.index_cast %add3A_1035 : i32 to index
        %swap3A_1790 = arith.constant 96 : index
        %swap3A_1791 = tpu.vector_load %arg13[%swap3A_1789, %swap3A_1790] {strides = array<i32>} : memref<40x128xi32, #tpu.memory_space<vmem>>, vector<16xi32>,
        tpu.vector_store %arg13[%swap3A_1789, %swap3A_1790], %get3A_1757 {strides = array<i32>} : memref<40x128xi32, #tpu.memory_space<vmem>>, vector<16xi32>,
        %get3A_1792 = arith.constant 96 : index
        %get3A_1793 = tpu.vector_load %arg11[%get3A_1792] {strides = array<i32>} : memref<128xi32, #tpu.memory_space<vmem>>, vector<16xi32>,
        %mul3A_1794 = arith.constant 8 : i32
        %mul3A_1795 = vector.broadcast %mul3A_1794 : i32 to vector<16xi32>
        %mul3A_1796 = arith.muli %get3A_1793, %mul3A_1795 : vector<16xi32>
        %add3A_1797 = arith.constant 0 : i32
        %add3A_1798 = vector.broadcast %add3A_1797 : i32 to vector<16xi32>
        %add3A_1799 = arith.addi %mul3A_1796, %add3A_1798 : vector<16xi32>
        %gather3A_1800 = tpu.vector_load_idx %arg9[%add3A_1799] : memref<32776xi32, #tpu.memory_space<vmem>>[vector<16xi32>], vector<16xi32>,
        %swap3A_1801 = arith.constant 0 : i32
        %swap3A_1802 = arith.index_cast %add3A_1035 : i32 to index
        %swap3A_1803 = arith.index_cast %swap3A_1801 : i32 to index
        %swap3A_1804 = arith.constant 96 : index
        %swap3A_1805 = tpu.vector_load %arg14[%swap3A_1802, %swap3A_1803, %swap3A_1804] {strides = array<i32>} : memref<40x8x128xi32, #tpu.memory_space<vmem>>, vector<16xi32>,
        tpu.vector_store %arg14[%swap3A_1802, %swap3A_1803, %swap3A_1804], %gather3A_1800 {strides = array<i32>} : memref<40x8x128xi32, #tpu.memory_space<vmem>>, vector<16xi32>,
        %add3A_1806 = arith.constant 1 : i32
        %add3A_1807 = vector.broadcast %add3A_1806 : i32 to vector<16xi32>
        %add3A_1808 = arith.addi %mul3A_1796, %add3A_1807 : vector<16xi32>
        %gather3A_1809 = tpu.vector_load_idx %arg9[%add3A_1808] : memref<32776xi32, #tpu.memory_space<vmem>>[vector<16xi32>], vector<16xi32>,
        %swap3A_1810 = arith.constant 1 : i32
        %swap3A_1811 = arith.index_cast %add3A_1035 : i32 to index
        %swap3A_1812 = arith.index_cast %swap3A_1810 : i32 to index
        %swap3A_1813 = arith.constant 96 : index
        %swap3A_1814 = tpu.vector_load %arg14[%swap3A_1811, %swap3A_1812, %swap3A_1813] {strides = array<i32>} : memref<40x8x128xi32, #tpu.memory_space<vmem>>, vector<16xi32>,
        tpu.vector_store %arg14[%swap3A_1811, %swap3A_1812, %swap3A_1813], %gather3A_1809 {strides = array<i32>} : memref<40x8x128xi32, #tpu.memory_space<vmem>>, vector<16xi32>,
        %add3A_1815 = arith.constant 2 : i32
        %add3A_1816 = vector.broadcast %add3A_1815 : i32 to vector<16xi32>
        %add3A_1817 = arith.addi %mul3A_1796, %add3A_1816 : vector<16xi32>
        %gather3A_1818 = tpu.vector_load_idx %arg9[%add3A_1817] : memref<32776xi32, #tpu.memory_space<vmem>>[vector<16xi32>], vector<16xi32>,
        %swap3A_1819 = arith.constant 2 : i32
        %swap3A_1820 = arith.index_cast %add3A_1035 : i32 to index
        %swap3A_1821 = arith.index_cast %swap3A_1819 : i32 to index
        %swap3A_1822 = arith.constant 96 : index
        %swap3A_1823 = tpu.vector_load %arg14[%swap3A_1820, %swap3A_1821, %swap3A_1822] {strides = array<i32>} : memref<40x8x128xi32, #tpu.memory_space<vmem>>, vector<16xi32>,
        tpu.vector_store %arg14[%swap3A_1820, %swap3A_1821, %swap3A_1822], %gather3A_1818 {strides = array<i32>} : memref<40x8x128xi32, #tpu.memory_space<vmem>>, vector<16xi32>,
        %add3A_1824 = arith.constant 3 : i32
        %add3A_1825 = vector.broadcast %add3A_1824 : i32 to vector<16xi32>
        %add3A_1826 = arith.addi %mul3A_1796, %add3A_1825 : vector<16xi32>
        %gather3A_1827 = tpu.vector_load_idx %arg9[%add3A_1826] : memref<32776xi32, #tpu.memory_space<vmem>>[vector<16xi32>], vector<16xi32>,
        %swap3A_1828 = arith.constant 3 : i32
        %swap3A_1829 = arith.index_cast %add3A_1035 : i32 to index
        %swap3A_1830 = arith.index_cast %swap3A_1828 : i32 to index
        %swap3A_1831 = arith.constant 96 : index
        %swap3A_1832 = tpu.vector_load %arg14[%swap3A_1829, %swap3A_1830, %swap3A_1831] {strides = array<i32>} : memref<40x8x128xi32, #tpu.memory_space<vmem>>, vector<16xi32>,
        tpu.vector_store %arg14[%swap3A_1829, %swap3A_1830, %swap3A_1831], %gather3A_1827 {strides = array<i32>} : memref<40x8x128xi32, #tpu.memory_space<vmem>>, vector<16xi32>,
        %add3A_1833 = arith.constant 4 : i32
        %add3A_1834 = vector.broadcast %add3A_1833 : i32 to vector<16xi32>
        %add3A_1835 = arith.addi %mul3A_1796, %add3A_1834 : vector<16xi32>
        %gather3A_1836 = tpu.vector_load_idx %arg9[%add3A_1835] : memref<32776xi32, #tpu.memory_space<vmem>>[vector<16xi32>], vector<16xi32>,
        %swap3A_1837 = arith.constant 4 : i32
        %swap3A_1838 = arith.index_cast %add3A_1035 : i32 to index
        %swap3A_1839 = arith.index_cast %swap3A_1837 : i32 to index
        %swap3A_1840 = arith.constant 96 : index
        %swap3A_1841 = tpu.vector_load %arg14[%swap3A_1838, %swap3A_1839, %swap3A_1840] {strides = array<i32>} : memref<40x8x128xi32, #tpu.memory_space<vmem>>, vector<16xi32>,
        tpu.vector_store %arg14[%swap3A_1838, %swap3A_1839, %swap3A_1840], %gather3A_1836 {strides = array<i32>} : memref<40x8x128xi32, #tpu.memory_space<vmem>>, vector<16xi32>,
        %add3A_1842 = arith.constant 5 : i32
        %add3A_1843 = vector.broadcast %add3A_1842 : i32 to vector<16xi32>
        %add3A_1844 = arith.addi %mul3A_1796, %add3A_1843 : vector<16xi32>
        %gather3A_1845 = tpu.vector_load_idx %arg9[%add3A_1844] : memref<32776xi32, #tpu.memory_space<vmem>>[vector<16xi32>], vector<16xi32>,
        %swap3A_1846 = arith.constant 5 : i32
        %swap3A_1847 = arith.index_cast %add3A_1035 : i32 to index
        %swap3A_1848 = arith.index_cast %swap3A_1846 : i32 to index
        %swap3A_1849 = arith.constant 96 : index
        %swap3A_1850 = tpu.vector_load %arg14[%swap3A_1847, %swap3A_1848, %swap3A_1849] {strides = array<i32>} : memref<40x8x128xi32, #tpu.memory_space<vmem>>, vector<16xi32>,
        tpu.vector_store %arg14[%swap3A_1847, %swap3A_1848, %swap3A_1849], %gather3A_1845 {strides = array<i32>} : memref<40x8x128xi32, #tpu.memory_space<vmem>>, vector<16xi32>,
        %add3A_1851 = arith.constant 6 : i32
        %add3A_1852 = vector.broadcast %add3A_1851 : i32 to vector<16xi32>
        %add3A_1853 = arith.addi %mul3A_1796, %add3A_1852 : vector<16xi32>
        %gather3A_1854 = tpu.vector_load_idx %arg9[%add3A_1853] : memref<32776xi32, #tpu.memory_space<vmem>>[vector<16xi32>], vector<16xi32>,
        %swap3A_1855 = arith.constant 6 : i32
        %swap3A_1856 = arith.index_cast %add3A_1035 : i32 to index
        %swap3A_1857 = arith.index_cast %swap3A_1855 : i32 to index
        %swap3A_1858 = arith.constant 96 : index
        %swap3A_1859 = tpu.vector_load %arg14[%swap3A_1856, %swap3A_1857, %swap3A_1858] {strides = array<i32>} : memref<40x8x128xi32, #tpu.memory_space<vmem>>, vector<16xi32>,
        tpu.vector_store %arg14[%swap3A_1856, %swap3A_1857, %swap3A_1858], %gather3A_1854 {strides = array<i32>} : memref<40x8x128xi32, #tpu.memory_space<vmem>>, vector<16xi32>,
        %add3A_1860 = arith.constant 7 : i32
        %add3A_1861 = vector.broadcast %add3A_1860 : i32 to vector<16xi32>
        %add3A_1862 = arith.addi %mul3A_1796, %add3A_1861 : vector<16xi32>
        %gather3A_1863 = tpu.vector_load_idx %arg9[%add3A_1862] : memref<32776xi32, #tpu.memory_space<vmem>>[vector<16xi32>], vector<16xi32>,
        %swap3A_1864 = arith.constant 7 : i32
        %swap3A_1865 = arith.index_cast %add3A_1035 : i32 to index
        %swap3A_1866 = arith.index_cast %swap3A_1864 : i32 to index
        %swap3A_1867 = arith.constant 96 : index
        %swap3A_1868 = tpu.vector_load %arg14[%swap3A_1865, %swap3A_1866, %swap3A_1867] {strides = array<i32>} : memref<40x8x128xi32, #tpu.memory_space<vmem>>, vector<16xi32>,
        tpu.vector_store %arg14[%swap3A_1865, %swap3A_1866, %swap3A_1867], %gather3A_1863 {strides = array<i32>} : memref<40x8x128xi32, #tpu.memory_space<vmem>>, vector<16xi32>,
        %not3A_1869 = arith.constant false
        %not3A_1870 = arith.constant true
        %not3A_1871 = arith.xori %not3A_1869, %not3A_1870 : i1
        %convert_element_type3A_1872 = arith.extui %not3A_1871 : i1 to i32
        %cond3A_1873 = arith.constant 0 : i32
        %cond3A_1874 = arith.cmpi ne, %convert_element_type3A_1872, %cond3A_1873 : i32
        scf.if %cond3A_1874 {
          %dma_wait3A_1988 = arith.constant 112 : i32
          %dma_wait3A_1989 = tpu.memref_slice %arg11[%dma_wait3A_1988] : memref<128xi32, #tpu.memory_space<vmem>> -> memref<16xi32, #tpu.memory_space<vmem>>
          %dma_wait3A_1990 = arith.constant 112 : i32
          %dma_wait3A_1991 = tpu.memref_slice %arg12[%dma_wait3A_1990] : memref<128xi32, #tpu.memory_space<vmem>> -> memref<16xi32, #tpu.memory_space<vmem>>
          %dma_wait3A_1992 = arith.constant 0 : i32
          %dma_wait3A_1993 = tpu.memref_slice %arg2[%dma_wait3A_1992] : memref<16777216xi32, #tpu.memory_space<hbm>> -> memref<16777216xi32, #tpu.memory_space<hbm>>
          tpu.wait_indirect_dma semaphore(%arg22 : memref<!tpu.dma_semaphore, #tpu.memory_space<semaphore_mem>>) src(%dma_wait3A_1993 : memref<16777216xi32, #tpu.memory_space<hbm>>) dst(%dma_wait3A_1989 : memref<16xi32, #tpu.memory_space<vmem>>)
        } else {
        }
        %get3A_1875 = arith.constant 112 : index
        %get3A_1876 = tpu.vector_load %arg11[%get3A_1875] {strides = array<i32>} : memref<128xi32, #tpu.memory_space<vmem>>, vector<16xi32>,
        %get3A_1877 = arith.index_cast %add3A_1033 : i32 to index
        %get3A_1878 = arith.constant 112 : index
        %get3A_1879 = tpu.vector_load %arg8[%get3A_1877, %get3A_1878] {strides = array<i32>} : memref<200x128xi32, #tpu.memory_space<vmem>>, vector<16xi32>,
        %shift_right_arithmetic3A_1880 = arith.constant 3 : i32
        %shift_right_arithmetic3A_1881 = vector.broadcast %shift_right_arithmetic3A_1880 : i32 to vector<16xi32>
        %shift_right_arithmetic3A_1882 = arith.shrsi %get3A_1876, %shift_right_arithmetic3A_1881 : vector<16xi32>
        %shift_left3A_1883 = arith.constant 15 : i32
        %shift_left3A_1884 = vector.broadcast %shift_left3A_1883 : i32 to vector<16xi32>
        %shift_left3A_1885 = arith.shli %shift_right_arithmetic3A_1882, %shift_left3A_1884 : vector<16xi32>
        %shift_right_arithmetic3A_1886 = arith.constant 7 : i32
        %shift_right_arithmetic3A_1887 = vector.broadcast %shift_right_arithmetic3A_1886 : i32 to vector<16xi32>
        %shift_right_arithmetic3A_1888 = arith.shrsi %get3A_1879, %shift_right_arithmetic3A_1887 : vector<16xi32>
        %shift_left3A_1889 = arith.constant 10 : i32
        %shift_left3A_1890 = vector.broadcast %shift_left3A_1889 : i32 to vector<16xi32>
        %shift_left3A_1891 = arith.shli %shift_right_arithmetic3A_1888, %shift_left3A_1890 : vector<16xi32>
        %add3A_1892 = arith.addi %shift_left3A_1885, %shift_left3A_1891 : vector<16xi32>
        %and3A_1893 = arith.constant 7 : i32
        %and3A_1894 = vector.broadcast %and3A_1893 : i32 to vector<16xi32>
        %and3A_1895 = arith.andi %get3A_1876, %and3A_1894 : vector<16xi32>
        %shift_left3A_1896 = arith.constant 7 : i32
        %shift_left3A_1897 = vector.broadcast %shift_left3A_1896 : i32 to vector<16xi32>
        %shift_left3A_1898 = arith.shli %and3A_1895, %shift_left3A_1897 : vector<16xi32>
        %add3A_1899 = arith.addi %add3A_1892, %shift_left3A_1898 : vector<16xi32>
        %and3A_1900 = arith.constant 127 : i32
        %and3A_1901 = vector.broadcast %and3A_1900 : i32 to vector<16xi32>
        %and3A_1902 = arith.andi %get3A_1879, %and3A_1901 : vector<16xi32>
        %add3A_1903 = arith.addi %add3A_1899, %and3A_1902 : vector<16xi32>
        %dma_start3A_1904 = arith.constant 112 : i32
        %dma_start3A_1905 = tpu.memref_slice %arg10[%dma_start3A_1904] : memref<128xi32, #tpu.memory_space<vmem>> -> memref<16xi32, #tpu.memory_space<vmem>>
        %dma_start3A_1906 = arith.constant 0 : i32
        %dma_start3A_1907 = tpu.memref_slice %arg2[%dma_start3A_1906] : memref<16777216xi32, #tpu.memory_space<hbm>> -> memref<16777216xi32, #tpu.memory_space<hbm>>
        tpu.enqueue_indirect_dma source(%dma_start3A_1907 : memref<16777216xi32, #tpu.memory_space<hbm>>) target(%dma_start3A_1905 : memref<16xi32, #tpu.memory_space<vmem>>) offsets(%add3A_1903 : vector<16xi32>) semaphore(%arg22 : memref<!tpu.dma_semaphore, #tpu.memory_space<semaphore_mem>>)
        %swap3A_1908 = arith.index_cast %add3A_1035 : i32 to index
        %swap3A_1909 = arith.constant 112 : index
        %swap3A_1910 = tpu.vector_load %arg13[%swap3A_1908, %swap3A_1909] {strides = array<i32>} : memref<40x128xi32, #tpu.memory_space<vmem>>, vector<16xi32>,
        tpu.vector_store %arg13[%swap3A_1908, %swap3A_1909], %get3A_1876 {strides = array<i32>} : memref<40x128xi32, #tpu.memory_space<vmem>>, vector<16xi32>,
        %get3A_1911 = arith.constant 112 : index
        %get3A_1912 = tpu.vector_load %arg11[%get3A_1911] {strides = array<i32>} : memref<128xi32, #tpu.memory_space<vmem>>, vector<16xi32>,
        %mul3A_1913 = arith.constant 8 : i32
        %mul3A_1914 = vector.broadcast %mul3A_1913 : i32 to vector<16xi32>
        %mul3A_1915 = arith.muli %get3A_1912, %mul3A_1914 : vector<16xi32>
        %add3A_1916 = arith.constant 0 : i32
        %add3A_1917 = vector.broadcast %add3A_1916 : i32 to vector<16xi32>
        %add3A_1918 = arith.addi %mul3A_1915, %add3A_1917 : vector<16xi32>
        %gather3A_1919 = tpu.vector_load_idx %arg9[%add3A_1918] : memref<32776xi32, #tpu.memory_space<vmem>>[vector<16xi32>], vector<16xi32>,
        %swap3A_1920 = arith.constant 0 : i32
        %swap3A_1921 = arith.index_cast %add3A_1035 : i32 to index
        %swap3A_1922 = arith.index_cast %swap3A_1920 : i32 to index
        %swap3A_1923 = arith.constant 112 : index
        %swap3A_1924 = tpu.vector_load %arg14[%swap3A_1921, %swap3A_1922, %swap3A_1923] {strides = array<i32>} : memref<40x8x128xi32, #tpu.memory_space<vmem>>, vector<16xi32>,
        tpu.vector_store %arg14[%swap3A_1921, %swap3A_1922, %swap3A_1923], %gather3A_1919 {strides = array<i32>} : memref<40x8x128xi32, #tpu.memory_space<vmem>>, vector<16xi32>,
        %add3A_1925 = arith.constant 1 : i32
        %add3A_1926 = vector.broadcast %add3A_1925 : i32 to vector<16xi32>
        %add3A_1927 = arith.addi %mul3A_1915, %add3A_1926 : vector<16xi32>
        %gather3A_1928 = tpu.vector_load_idx %arg9[%add3A_1927] : memref<32776xi32, #tpu.memory_space<vmem>>[vector<16xi32>], vector<16xi32>,
        %swap3A_1929 = arith.constant 1 : i32
        %swap3A_1930 = arith.index_cast %add3A_1035 : i32 to index
        %swap3A_1931 = arith.index_cast %swap3A_1929 : i32 to index
        %swap3A_1932 = arith.constant 112 : index
        %swap3A_1933 = tpu.vector_load %arg14[%swap3A_1930, %swap3A_1931, %swap3A_1932] {strides = array<i32>} : memref<40x8x128xi32, #tpu.memory_space<vmem>>, vector<16xi32>,
        tpu.vector_store %arg14[%swap3A_1930, %swap3A_1931, %swap3A_1932], %gather3A_1928 {strides = array<i32>} : memref<40x8x128xi32, #tpu.memory_space<vmem>>, vector<16xi32>,
        %add3A_1934 = arith.constant 2 : i32
        %add3A_1935 = vector.broadcast %add3A_1934 : i32 to vector<16xi32>
        %add3A_1936 = arith.addi %mul3A_1915, %add3A_1935 : vector<16xi32>
        %gather3A_1937 = tpu.vector_load_idx %arg9[%add3A_1936] : memref<32776xi32, #tpu.memory_space<vmem>>[vector<16xi32>], vector<16xi32>,
        %swap3A_1938 = arith.constant 2 : i32
        %swap3A_1939 = arith.index_cast %add3A_1035 : i32 to index
        %swap3A_1940 = arith.index_cast %swap3A_1938 : i32 to index
        %swap3A_1941 = arith.constant 112 : index
        %swap3A_1942 = tpu.vector_load %arg14[%swap3A_1939, %swap3A_1940, %swap3A_1941] {strides = array<i32>} : memref<40x8x128xi32, #tpu.memory_space<vmem>>, vector<16xi32>,
        tpu.vector_store %arg14[%swap3A_1939, %swap3A_1940, %swap3A_1941], %gather3A_1937 {strides = array<i32>} : memref<40x8x128xi32, #tpu.memory_space<vmem>>, vector<16xi32>,
        %add3A_1943 = arith.constant 3 : i32
        %add3A_1944 = vector.broadcast %add3A_1943 : i32 to vector<16xi32>
        %add3A_1945 = arith.addi %mul3A_1915, %add3A_1944 : vector<16xi32>
        %gather3A_1946 = tpu.vector_load_idx %arg9[%add3A_1945] : memref<32776xi32, #tpu.memory_space<vmem>>[vector<16xi32>], vector<16xi32>,
        %swap3A_1947 = arith.constant 3 : i32
        %swap3A_1948 = arith.index_cast %add3A_1035 : i32 to index
        %swap3A_1949 = arith.index_cast %swap3A_1947 : i32 to index
        %swap3A_1950 = arith.constant 112 : index
        %swap3A_1951 = tpu.vector_load %arg14[%swap3A_1948, %swap3A_1949, %swap3A_1950] {strides = array<i32>} : memref<40x8x128xi32, #tpu.memory_space<vmem>>, vector<16xi32>,
        tpu.vector_store %arg14[%swap3A_1948, %swap3A_1949, %swap3A_1950], %gather3A_1946 {strides = array<i32>} : memref<40x8x128xi32, #tpu.memory_space<vmem>>, vector<16xi32>,
        %add3A_1952 = arith.constant 4 : i32
        %add3A_1953 = vector.broadcast %add3A_1952 : i32 to vector<16xi32>
        %add3A_1954 = arith.addi %mul3A_1915, %add3A_1953 : vector<16xi32>
        %gather3A_1955 = tpu.vector_load_idx %arg9[%add3A_1954] : memref<32776xi32, #tpu.memory_space<vmem>>[vector<16xi32>], vector<16xi32>,
        %swap3A_1956 = arith.constant 4 : i32
        %swap3A_1957 = arith.index_cast %add3A_1035 : i32 to index
        %swap3A_1958 = arith.index_cast %swap3A_1956 : i32 to index
        %swap3A_1959 = arith.constant 112 : index
        %swap3A_1960 = tpu.vector_load %arg14[%swap3A_1957, %swap3A_1958, %swap3A_1959] {strides = array<i32>} : memref<40x8x128xi32, #tpu.memory_space<vmem>>, vector<16xi32>,
        tpu.vector_store %arg14[%swap3A_1957, %swap3A_1958, %swap3A_1959], %gather3A_1955 {strides = array<i32>} : memref<40x8x128xi32, #tpu.memory_space<vmem>>, vector<16xi32>,
        %add3A_1961 = arith.constant 5 : i32
        %add3A_1962 = vector.broadcast %add3A_1961 : i32 to vector<16xi32>
        %add3A_1963 = arith.addi %mul3A_1915, %add3A_1962 : vector<16xi32>
        %gather3A_1964 = tpu.vector_load_idx %arg9[%add3A_1963] : memref<32776xi32, #tpu.memory_space<vmem>>[vector<16xi32>], vector<16xi32>,
        %swap3A_1965 = arith.constant 5 : i32
        %swap3A_1966 = arith.index_cast %add3A_1035 : i32 to index
        %swap3A_1967 = arith.index_cast %swap3A_1965 : i32 to index
        %swap3A_1968 = arith.constant 112 : index
        %swap3A_1969 = tpu.vector_load %arg14[%swap3A_1966, %swap3A_1967, %swap3A_1968] {strides = array<i32>} : memref<40x8x128xi32, #tpu.memory_space<vmem>>, vector<16xi32>,
        tpu.vector_store %arg14[%swap3A_1966, %swap3A_1967, %swap3A_1968], %gather3A_1964 {strides = array<i32>} : memref<40x8x128xi32, #tpu.memory_space<vmem>>, vector<16xi32>,
        %add3A_1970 = arith.constant 6 : i32
        %add3A_1971 = vector.broadcast %add3A_1970 : i32 to vector<16xi32>
        %add3A_1972 = arith.addi %mul3A_1915, %add3A_1971 : vector<16xi32>
        %gather3A_1973 = tpu.vector_load_idx %arg9[%add3A_1972] : memref<32776xi32, #tpu.memory_space<vmem>>[vector<16xi32>], vector<16xi32>,
        %swap3A_1974 = arith.constant 6 : i32
        %swap3A_1975 = arith.index_cast %add3A_1035 : i32 to index
        %swap3A_1976 = arith.index_cast %swap3A_1974 : i32 to index
        %swap3A_1977 = arith.constant 112 : index
        %swap3A_1978 = tpu.vector_load %arg14[%swap3A_1975, %swap3A_1976, %swap3A_1977] {strides = array<i32>} : memref<40x8x128xi32, #tpu.memory_space<vmem>>, vector<16xi32>,
        tpu.vector_store %arg14[%swap3A_1975, %swap3A_1976, %swap3A_1977], %gather3A_1973 {strides = array<i32>} : memref<40x8x128xi32, #tpu.memory_space<vmem>>, vector<16xi32>,
        %add3A_1979 = arith.constant 7 : i32
        %add3A_1980 = vector.broadcast %add3A_1979 : i32 to vector<16xi32>
        %add3A_1981 = arith.addi %mul3A_1915, %add3A_1980 : vector<16xi32>
        %gather3A_1982 = tpu.vector_load_idx %arg9[%add3A_1981] : memref<32776xi32, #tpu.memory_space<vmem>>[vector<16xi32>], vector<16xi32>,
        %swap3A_1983 = arith.constant 7 : i32
        %swap3A_1984 = arith.index_cast %add3A_1035 : i32 to index
        %swap3A_1985 = arith.index_cast %swap3A_1983 : i32 to index
        %swap3A_1986 = arith.constant 112 : index
        %swap3A_1987 = tpu.vector_load %arg14[%swap3A_1984, %swap3A_1985, %swap3A_1986] {strides = array<i32>} : memref<40x8x128xi32, #tpu.memory_space<vmem>>, vector<16xi32>,
        tpu.vector_store %arg14[%swap3A_1984, %swap3A_1985, %swap3A_1986], %gather3A_1982 {strides = array<i32>} : memref<40x8x128xi32, #tpu.memory_space<vmem>>, vector<16xi32>,
      }
      %scan3A_72 = arith.constant 20 : i32
      %mul3A_73 = arith.constant 40 : i32
      %mul3A_74 = arith.muli %scan3A_66, %mul3A_73 : i32
      %dma_start3A_75 = tpu.memref_slice %arg6[%mul3A_74, %mul3A_2] : memref<200x4096xi32, #tpu.memory_space<hbm>> -> memref<40x128xi32, #tpu.memory_space<hbm>>
      %dma_start3A_76 = tpu.memref_slice %arg6[%mul3A_74, %mul3A_2] : memref<200x4096xi32, #tpu.memory_space<hbm>> -> memref<40x128xi32, #tpu.memory_space<hbm>>
      tpu.enqueue_dma source(%arg13 : memref<40x128xi32, #tpu.memory_space<vmem>>) target(%dma_start3A_76 : memref<40x128xi32, #tpu.memory_space<hbm>>) target_semaphore(%arg24 : memref<!tpu.dma_semaphore, #tpu.memory_space<semaphore_mem>>)
      %dma_start3A_77 = arith.constant 0 : i32
      %dma_start3A_78 = tpu.memref_slice %arg7[%mul3A_74, %dma_start3A_77, %mul3A_2] : memref<200x8x4096xi32, #tpu.memory_space<hbm>> -> memref<40x8x128xi32, #tpu.memory_space<hbm>>
      %dma_start3A_79 = arith.constant 0 : i32
      %dma_start3A_80 = tpu.memref_slice %arg7[%mul3A_74, %dma_start3A_79, %mul3A_2] : memref<200x8x4096xi32, #tpu.memory_space<hbm>> -> memref<40x8x128xi32, #tpu.memory_space<hbm>>
      tpu.enqueue_dma source(%arg14 : memref<40x8x128xi32, #tpu.memory_space<vmem>>) target(%dma_start3A_80 : memref<40x8x128xi32, #tpu.memory_space<hbm>>) target_semaphore(%arg24 : memref<!tpu.dma_semaphore, #tpu.memory_space<semaphore_mem>>)
      %dma_wait3A_81 = tpu.memref_slice %arg6[%mul3A_74, %mul3A_2] : memref<200x4096xi32, #tpu.memory_space<hbm>> -> memref<40x128xi32, #tpu.memory_space<hbm>>
      %dma_wait3A_82 = tpu.memref_slice %arg6[%mul3A_74, %mul3A_2] : memref<200x4096xi32, #tpu.memory_space<hbm>> -> memref<40x128xi32, #tpu.memory_space<hbm>>
      tpu.wait_dma2 semaphore(%arg24 : memref<!tpu.dma_semaphore, #tpu.memory_space<semaphore_mem>>) src(%arg13 : memref<40x128xi32, #tpu.memory_space<vmem>>) dst(%dma_wait3A_82 : memref<40x128xi32, #tpu.memory_space<hbm>>)
      %dma_wait3A_83 = arith.constant 0 : i32
      %dma_wait3A_84 = tpu.memref_slice %arg7[%mul3A_74, %dma_wait3A_83, %mul3A_2] : memref<200x8x4096xi32, #tpu.memory_space<hbm>> -> memref<40x8x128xi32, #tpu.memory_space<hbm>>
      %dma_wait3A_85 = arith.constant 0 : i32
      %dma_wait3A_86 = tpu.memref_slice %arg7[%mul3A_74, %dma_wait3A_85, %mul3A_2] : memref<200x8x4096xi32, #tpu.memory_space<hbm>> -> memref<40x8x128xi32, #tpu.memory_space<hbm>>
      tpu.wait_dma2 semaphore(%arg24 : memref<!tpu.dma_semaphore, #tpu.memory_space<semaphore_mem>>) src(%arg14 : memref<40x8x128xi32, #tpu.memory_space<vmem>>) dst(%dma_wait3A_86 : memref<40x8x128xi32, #tpu.memory_space<hbm>>)
    }
    %scan3A_17 = arith.constant 5 : i32
    %dma_wait3A_18 = arith.constant 0 : i32
    %dma_wait3A_19 = tpu.memref_slice %arg10[%dma_wait3A_18] : memref<128xi32, #tpu.memory_space<vmem>> -> memref<16xi32, #tpu.memory_space<vmem>>
    %dma_wait3A_20 = arith.constant 0 : i32
    %dma_wait3A_21 = tpu.memref_slice %arg12[%dma_wait3A_20] : memref<128xi32, #tpu.memory_space<vmem>> -> memref<16xi32, #tpu.memory_space<vmem>>
    %dma_wait3A_22 = arith.constant 0 : i32
    %dma_wait3A_23 = tpu.memref_slice %arg2[%dma_wait3A_22] : memref<16777216xi32, #tpu.memory_space<hbm>> -> memref<16777216xi32, #tpu.memory_space<hbm>>
    tpu.wait_indirect_dma semaphore(%arg15 : memref<!tpu.dma_semaphore, #tpu.memory_space<semaphore_mem>>) src(%dma_wait3A_23 : memref<16777216xi32, #tpu.memory_space<hbm>>) dst(%dma_wait3A_19 : memref<16xi32, #tpu.memory_space<vmem>>)
    %dma_wait3A_24 = arith.constant 16 : i32
    %dma_wait3A_25 = tpu.memref_slice %arg10[%dma_wait3A_24] : memref<128xi32, #tpu.memory_space<vmem>> -> memref<16xi32, #tpu.memory_space<vmem>>
    %dma_wait3A_26 = arith.constant 16 : i32
    %dma_wait3A_27 = tpu.memref_slice %arg12[%dma_wait3A_26] : memref<128xi32, #tpu.memory_space<vmem>> -> memref<16xi32, #tpu.memory_space<vmem>>
    %dma_wait3A_28 = arith.constant 0 : i32
    %dma_wait3A_29 = tpu.memref_slice %arg2[%dma_wait3A_28] : memref<16777216xi32, #tpu.memory_space<hbm>> -> memref<16777216xi32, #tpu.memory_space<hbm>>
    tpu.wait_indirect_dma semaphore(%arg16 : memref<!tpu.dma_semaphore, #tpu.memory_space<semaphore_mem>>) src(%dma_wait3A_29 : memref<16777216xi32, #tpu.memory_space<hbm>>) dst(%dma_wait3A_25 : memref<16xi32, #tpu.memory_space<vmem>>)
    %dma_wait3A_30 = arith.constant 32 : i32
    %dma_wait3A_31 = tpu.memref_slice %arg10[%dma_wait3A_30] : memref<128xi32, #tpu.memory_space<vmem>> -> memref<16xi32, #tpu.memory_space<vmem>>
    %dma_wait3A_32 = arith.constant 32 : i32
    %dma_wait3A_33 = tpu.memref_slice %arg12[%dma_wait3A_32] : memref<128xi32, #tpu.memory_space<vmem>> -> memref<16xi32, #tpu.memory_space<vmem>>
    %dma_wait3A_34 = arith.constant 0 : i32
    %dma_wait3A_35 = tpu.memref_slice %arg2[%dma_wait3A_34] : memref<16777216xi32, #tpu.memory_space<hbm>> -> memref<16777216xi32, #tpu.memory_space<hbm>>
    tpu.wait_indirect_dma semaphore(%arg17 : memref<!tpu.dma_semaphore, #tpu.memory_space<semaphore_mem>>) src(%dma_wait3A_35 : memref<16777216xi32, #tpu.memory_space<hbm>>) dst(%dma_wait3A_31 : memref<16xi32, #tpu.memory_space<vmem>>)
    %dma_wait3A_36 = arith.constant 48 : i32
    %dma_wait3A_37 = tpu.memref_slice %arg10[%dma_wait3A_36] : memref<128xi32, #tpu.memory_space<vmem>> -> memref<16xi32, #tpu.memory_space<vmem>>
    %dma_wait3A_38 = arith.constant 48 : i32
    %dma_wait3A_39 = tpu.memref_slice %arg12[%dma_wait3A_38] : memref<128xi32, #tpu.memory_space<vmem>> -> memref<16xi32, #tpu.memory_space<vmem>>
    %dma_wait3A_40 = arith.constant 0 : i32
    %dma_wait3A_41 = tpu.memref_slice %arg2[%dma_wait3A_40] : memref<16777216xi32, #tpu.memory_space<hbm>> -> memref<16777216xi32, #tpu.memory_space<hbm>>
    tpu.wait_indirect_dma semaphore(%arg18 : memref<!tpu.dma_semaphore, #tpu.memory_space<semaphore_mem>>) src(%dma_wait3A_41 : memref<16777216xi32, #tpu.memory_space<hbm>>) dst(%dma_wait3A_37 : memref<16xi32, #tpu.memory_space<vmem>>)
    %dma_wait3A_42 = arith.constant 64 : i32
    %dma_wait3A_43 = tpu.memref_slice %arg10[%dma_wait3A_42] : memref<128xi32, #tpu.memory_space<vmem>> -> memref<16xi32, #tpu.memory_space<vmem>>
    %dma_wait3A_44 = arith.constant 64 : i32
    %dma_wait3A_45 = tpu.memref_slice %arg12[%dma_wait3A_44] : memref<128xi32, #tpu.memory_space<vmem>> -> memref<16xi32, #tpu.memory_space<vmem>>
    %dma_wait3A_46 = arith.constant 0 : i32
    %dma_wait3A_47 = tpu.memref_slice %arg2[%dma_wait3A_46] : memref<16777216xi32, #tpu.memory_space<hbm>> -> memref<16777216xi32, #tpu.memory_space<hbm>>
    tpu.wait_indirect_dma semaphore(%arg19 : memref<!tpu.dma_semaphore, #tpu.memory_space<semaphore_mem>>) src(%dma_wait3A_47 : memref<16777216xi32, #tpu.memory_space<hbm>>) dst(%dma_wait3A_43 : memref<16xi32, #tpu.memory_space<vmem>>)
    %dma_wait3A_48 = arith.constant 80 : i32
    %dma_wait3A_49 = tpu.memref_slice %arg10[%dma_wait3A_48] : memref<128xi32, #tpu.memory_space<vmem>> -> memref<16xi32, #tpu.memory_space<vmem>>
    %dma_wait3A_50 = arith.constant 80 : i32
    %dma_wait3A_51 = tpu.memref_slice %arg12[%dma_wait3A_50] : memref<128xi32, #tpu.memory_space<vmem>> -> memref<16xi32, #tpu.memory_space<vmem>>
    %dma_wait3A_52 = arith.constant 0 : i32
    %dma_wait3A_53 = tpu.memref_slice %arg2[%dma_wait3A_52] : memref<16777216xi32, #tpu.memory_space<hbm>> -> memref<16777216xi32, #tpu.memory_space<hbm>>
    tpu.wait_indirect_dma semaphore(%arg20 : memref<!tpu.dma_semaphore, #tpu.memory_space<semaphore_mem>>) src(%dma_wait3A_53 : memref<16777216xi32, #tpu.memory_space<hbm>>) dst(%dma_wait3A_49 : memref<16xi32, #tpu.memory_space<vmem>>)
    %dma_wait3A_54 = arith.constant 96 : i32
    %dma_wait3A_55 = tpu.memref_slice %arg10[%dma_wait3A_54] : memref<128xi32, #tpu.memory_space<vmem>> -> memref<16xi32, #tpu.memory_space<vmem>>
    %dma_wait3A_56 = arith.constant 96 : i32
    %dma_wait3A_57 = tpu.memref_slice %arg12[%dma_wait3A_56] : memref<128xi32, #tpu.memory_space<vmem>> -> memref<16xi32, #tpu.memory_space<vmem>>
    %dma_wait3A_58 = arith.constant 0 : i32
    %dma_wait3A_59 = tpu.memref_slice %arg2[%dma_wait3A_58] : memref<16777216xi32, #tpu.memory_space<hbm>> -> memref<16777216xi32, #tpu.memory_space<hbm>>
    tpu.wait_indirect_dma semaphore(%arg21 : memref<!tpu.dma_semaphore, #tpu.memory_space<semaphore_mem>>) src(%dma_wait3A_59 : memref<16777216xi32, #tpu.memory_space<hbm>>) dst(%dma_wait3A_55 : memref<16xi32, #tpu.memory_space<vmem>>)
    %dma_wait3A_60 = arith.constant 112 : i32
    %dma_wait3A_61 = tpu.memref_slice %arg10[%dma_wait3A_60] : memref<128xi32, #tpu.memory_space<vmem>> -> memref<16xi32, #tpu.memory_space<vmem>>
    %dma_wait3A_62 = arith.constant 112 : i32
    %dma_wait3A_63 = tpu.memref_slice %arg12[%dma_wait3A_62] : memref<128xi32, #tpu.memory_space<vmem>> -> memref<16xi32, #tpu.memory_space<vmem>>
    %dma_wait3A_64 = arith.constant 0 : i32
    %dma_wait3A_65 = tpu.memref_slice %arg2[%dma_wait3A_64] : memref<16777216xi32, #tpu.memory_space<hbm>> -> memref<16777216xi32, #tpu.memory_space<hbm>>
    tpu.wait_indirect_dma semaphore(%arg22 : memref<!tpu.dma_semaphore, #tpu.memory_space<semaphore_mem>>) src(%dma_wait3A_65 : memref<16777216xi32, #tpu.memory_space<hbm>>) dst(%dma_wait3A_61 : memref<16xi32, #tpu.memory_space<vmem>>)
    return
  }
}

</mosaic_0001>

<sc_bundles>
// kernel: ques_seq_gen_sc.3.cloned.1.call-start
scs
__scs_entry_jumppad:
0x0: {  	(pc) =	sbr.rel $0x88, $3  }
0x1: {  	(tag) =	ssettag $0x0;
	lr =	simm.s32 $0x1  }
0x2: {  	[smem:$0x3F9D] =	sst lr;
	_ =	strace $0xD0000000  }
0x3: {  	_ = 	snop  }
0x4: {  	_ = 	snop  }
0x5: {  	_ = 	snop  }
0x6: {  	_ = 	snop  }
0x7: {  	_ = 	snop  }
__scs_overlays_trampoline_lowered:
0x8: {  	[smem:$0x3FAC] =	sst s0  }
0x9: {  	[smem:$0x3FAD] =	sst s1  }
0xa: {  	[smem:$0x3FAE] =	sst s2  }
0xb: {  	[smem:$0x3FAF] =	sst s3  }
0xc: {  	[smem:$0x3FB0] =	sst s4  }
0xd: {  	[smem:$0x3FB1] =	sst s5  }
0xe: {  	[smem:$0x3FB2] =	sst s6  }
0xf: {  	[smem:$0x3FB3] =	sst s7  }
0x10: {  	[smem:$0x3FB4] =	sst s8  }
0x11: {  	[smem:$0x3FB5] =	sst s9;
	s0 =	simm.s32 @!p0 $0x0  }
0x12: {  	s1 =	sld [smem:$0x3F9B];
	s0 =	simm.s32 @p0 $0x1  }
0x13: {  	[smem:$0x3FB6] =	sst s0;
	s0 =	simm.s32 @!p1 $0x0  }
0x14: {  	s2 =	sld [smem:$0x3F9A];
	s0 =	simm.s32 @p1 $0x1  }
0x15: {  	[smem:$0x3FB7] =	sst s0;
	s0 =	simm.s32 @!p2 $0x0  }
0x16: {  	s3 =	sld [smem:$0x3FDB];
	s0 =	simm.s32 @p2 $0x1  }
0x17: {  	s4 =	simm.s32 $0x1BF5;
	[smem:$0x3FB9] =	sst s0  }
0x18: {  	s0 =	sld [smem:$0x3F9C];
	_ =	swait.ge [sflag:s4], $0x0  }
0x19: {  	s7 =	sld [smem:$0x3F9D]  }
0x1a: {  	s8 =	sadd.s32 $0xFFFFE003, lr  }
0x1b: {  	s9 =	sadd.s32 $0xFFFFFEF7, lr;
	s5 =	simm.s32 $0xFFFFFFFF;
	p2 =	slt.u32 s8, $0xFFFFF086  }
0x1c: {  	p1 =	slt.u32 s9, $0xF7A;
	s5 =	simm.s32 @!p2 $0x0  }
0x1d: {  	s5 =	simm.s32 @p1 $0x1;
	p0 =	seq.s32 s7, s2  }
0x1e: {  	s7 =	smul.u32 @!p0 $0xF7A, s2;
	p2 =	seq.s32 @!p0 s5, $0x0  }
0x1f: {  	s9 =	smul.u32 $0xF7A, s1;
	s8 =	simm.s32 @!p0 $0x1BF5;
	p2 =	por !p2, p0  }
0x20: {  	[sflag:s8] =	ssyncset.s32 @!p0 $0xFFFFF086;
	s6 =	sadd.s32 @!p0 s3, s7;
	s7 =	simm.s32 @!p0 $0x108  }
0x21: {  	s3 =	sadd.s32 s3, s9;
	s6 =	sadd.s32 @!p0 $0x88, s6;
	s7 =	simm.s32 @p2 $0x1082  }
0x22: {  	[simem:s7], [sflag:s8] =	dma.local @!p0 [hbm:s6], $0xF7A  }
0x23: {  	s9 =	sor.u32 $0xD0000000, s2;
	s6 =	simm.s32 $0x108;
	_ =	swait.ge @!p0 [sflag:s8], $0x0  }
0x24: {  	s3 =	sadd.s32 $0x88, s3;
	s6 =	simm.s32 @!p1 $0x1082;
	[sflag:s4] =	ssyncset.s32 $0xFFFFF086  }
0x25: {  	[simem:s6], [sflag:s4] =	dma.local [hbm:s3], $0xF7A  }
0x26: {  	[smem:$0x3F9D] =	sst s1;
	(tag) =	ssettag s2;
	_ =	strace s9  }
0x27: {  	s1 =	sld [smem:$0x3FAD]  }
0x28: {  	s2 =	sld [smem:$0x3FAE]  }
0x29: {  	s4 =	sld [smem:$0x3FB0]  }
0x2a: {  	p0 =	seq.s32 s5, $0x0;
	s5 =	sld [smem:$0x3FB1]  }
0x2b: {  	s6 =	sld [smem:$0x3FB2]  }
0x2c: {  	s7 =	sld [smem:$0x3FB3]  }
0x2d: {  	s3 =	simm.s32 $0x108;
	s8 =	sld [smem:$0x3FB4]  }
0x2e: {  	s3 =	simm.s32 @!p0 $0x1082;
	s9 =	sld [smem:$0x3FB5]  }
0x2f: {  	lr =	sadd.s32 s0, s3;
	s0 =	sld [smem:$0x3FAC]  }
0x30: {  	s3 =	sld [smem:$0x3FAF]  }
0x31: {  	[smem:$0x3FB8] =	sst s10  }
0x32: {  	s10 =	sld [smem:$0x3FB6];
	_ =	sdelay $0x3  }
0x33: {  	p0 =	seq.s32 s10, $0x1;
	s10 =	sld [smem:$0x3FB8];
	_ =	sdelay $0x3  }
0x34: {  	[smem:$0x3FB8] =	sst s10  }
0x35: {  	s10 =	sld [smem:$0x3FB7];
	_ =	sdelay $0x3  }
0x36: {  	p1 =	seq.s32 s10, $0x1;
	s10 =	sld [smem:$0x3FB8];
	_ =	sdelay $0x3  }
0x37: {  	[smem:$0x3FB8] =	sst s10  }
0x38: {  	s10 =	sld [smem:$0x3FB9]  }
0x39: {  	_ = 	snop;
	(pc) =	sbr.ind lr, $3  }
0x3a: {  	_ = 	snop  }
0x3b: {  	_ = 	snop  }
0x3c: {  	p2 =	seq.s32 s10, $0x1;
	s10 =	sld [smem:$0x3FB8]  }
0x3d: {  	_ =	shalt  }
0x3e: {  	_ =	shalt  }
0x3f: {  	_ =	shalt  }
0x40: {  	_ =	shalt  }
0x41: {  	_ =	shalt  }
0x42: {  	_ =	shalt  }
0x43: {  	_ =	shalt  }
0x44: {  	_ =	shalt  }
0x45: {  	_ =	shalt  }
0x46: {  	_ =	shalt  }
0x47: {  	_ =	shalt  }
0x48: {  	_ =	shalt  }
0x49: {  	_ =	shalt  }
0x4a: {  	_ =	shalt  }
0x4b: {  	_ =	shalt  }
0x4c: {  	_ =	shalt  }
0x4d: {  	_ =	shalt  }
0x4e: {  	_ =	shalt  }
0x4f: {  	_ =	shalt  }
0x50: {  	_ =	shalt  }
0x51: {  	_ =	shalt  }
0x52: {  	_ =	shalt  }
0x53: {  	_ =	shalt  }
0x54: {  	_ =	shalt  }
0x55: {  	_ =	shalt  }
0x56: {  	_ =	shalt  }
0x57: {  	_ =	shalt  }
0x58: {  	_ =	shalt  }
0x59: {  	_ =	shalt  }
0x5a: {  	_ =	shalt  }
0x5b: {  	_ =	shalt  }
0x5c: {  	_ =	shalt  }
0x5d: {  	_ =	shalt  }
0x5e: {  	_ =	shalt  }
0x5f: {  	_ =	shalt  }
0x60: {  	_ =	shalt  }
0x61: {  	_ =	shalt  }
0x62: {  	_ =	shalt  }
0x63: {  	_ =	shalt  }
0x64: {  	_ =	shalt  }
0x65: {  	_ =	shalt  }
0x66: {  	_ =	shalt  }
0x67: {  	_ =	shalt  }
0x68: {  	_ =	shalt  }
0x69: {  	_ =	shalt  }
0x6a: {  	_ =	shalt  }
0x6b: {  	_ =	shalt  }
0x6c: {  	_ =	shalt  }
0x6d: {  	_ =	shalt  }
0x6e: {  	_ =	shalt  }
0x6f: {  	_ =	shalt  }
0x70: {  	_ =	shalt  }
0x71: {  	_ =	shalt  }
0x72: {  	_ =	shalt  }
0x73: {  	_ =	shalt  }
0x74: {  	_ =	shalt  }
0x75: {  	_ =	shalt  }
0x76: {  	_ =	shalt  }
0x77: {  	_ =	shalt  }
0x78: {  	_ =	shalt  }
0x79: {  	_ =	shalt  }
0x7a: {  	_ =	shalt  }
0x7b: {  	_ =	shalt  }
0x7c: {  	_ =	shalt  }
0x7d: {  	_ =	shalt  }
0x7e: {  	_ =	shalt  }
0x7f: {  	_ =	shalt  }
0x80: {  	_ =	shalt  }
0x81: {  	_ =	shalt  }
0x82: {  	_ =	shalt  }
0x83: {  	_ =	shalt  }
0x84: {  	_ =	shalt  }
0x85: {  	_ =	shalt  }
0x86: {  	_ =	shalt  }
0x87: {  	_ =	shalt  }
.Lfunc_end0:
.L_simem_size_0:
called_computation_lowered:
.L_overlay_start_0:
0x88: {  	s2 =	sld [smem:$0x3FD9]  }
0x89: {  	s3 =	sld [smem:$0x3FFE];
	_ =	sdelay $0x1  }
0x8a: {  	s1 =	srdreg.scid  }
0x8b: {  	s0 =	sand.u32 $0x1, s1  }
0x8c: {  	s14 =	sshll.u32 s0, $0xA;
	s2 =	sadd.s32 s3, s2  }
0x8d: {  	s2 =	sadd.s32 s2, s14  }
0x8e: {  	[smem:$0x3FC4] =	sst s2  }
0x8f: {  	_ = 	snop  }
0x90: {  	s2 =	sld [smem:$0x3FD0]  }
0x91: {  	s15 =	sld [smem:$0x3FC9]  }
0x92: {  	s4 =	sld [smem:$0x3FC8]  }
0x93: {  	s6 =	simm.s32 $0xA;
	s7 =	simm.s32 $0x10;
	s5 =	sld [smem:$0x3FC7]  }
0x94: {  	[smem:s7], [sflag:s6] =	dma.local [hbm:s2], $0x1  }
0x95: {  	_ =	swait.eq [sflag:s6], $0x1  }
0x96: {  	[sflag:s6] =	ssyncset.done $0x0  }
0x97: {  	s16 =	sld [smem:$0x10];
	[sflag:s6] =	ssyncadd.s32 $0xFFFFFFFF  }
0x98: {  	s17 =	sld [smem:$0x11];
	(tm) =	ssettm $0x1  }
0x99: {  	s18 =	sld [smem:$0x3FFB];
	_ =	sdelay $0x3  }
0x9a: {  	_ =	strace s18  }
0x9b: {  	s7 =	sld [smem:$0x3FFC];
	_ =	sdelay $0x3  }
0x9c: {  	_ =	strace s7  }
0x9d: {  	s7 =	sld [smem:$0x3FFD];
	_ =	sdelay $0x3  }
0x9e: {  	_ =	strace s7  }
0x9f: {  	_ =	strace $0x8FFFFFFF  }
0xa0: {  	s19 =	sld [smem:$0x3FDB];
	_ =	sdelay $0x1  }
0xa1: {  	s8 =	simm.s32 $_scs_section_size  }
0xa2: {  	s9 =	simm.s32 $_size__tile_overlayer_lowered;
	s10 =	simm.s32 $_tile_overlayer_lowered  }
0xa3: {  	s22 =	simm.s32 $0x1BFF;
	s21 =	sshll.u32 s10, $0x1;
	s7 =	sadd.s32 s8, s19  }
0xa4: {  	s11 =	simm.s32 $0x0;
	s20 =	sshll.u32 s9, $0x1;
	s9 =	sadd.s32 s21, s7  }
0xa5: {  	[timem:s11], [sflag:s22] =	dma.local [hbm:s9], s20  }
0xa6: {  	_ =	swait.ge [sflag:s22], s20  }
0xa7: {  	s8 =	ssub.s32 $0x0, s20;
	[sflag:s22] =	ssyncset.done $0x0  }
0xa8: {  	[sflag:s22] =	ssyncadd.s32 s8;
	_ =	sdelay $0x1  }
0xa9: {  	s23 =	simm.s32 $0x1B8B  }
0xaa: {  	_ =	swait.ge [sflag:s23], $0x1  }
0xab: {  	[sflag:s23] =	ssyncset.done $0x0  }
0xac: {  	s25 =	simm.s32 $0x1B8E;
	s24 =	sld [smem:$0x3FFE];
	[sflag:s23] =	ssyncadd.s32 $0xFFFFFFFF  }
0xad: {  	s26 =	simm.s32 $execute0_lowered;
	[smem:$0x3FD2] =	sst s25  }
0xae: {  	s9 =	sshll.u32 s26, $0x1;
	_ =	strace $0x80000046;
	[dreg:$0x1] =	wrdreg $0xFFFFFFFF  }
0xaf: {  	s28 =	simm.s32 $_size_execute0_lowered;
	s7 =	sadd.s32 s7, s9;
	[dreg:$0x0] =	wrdreg $0x0  }
0xb0: {  	s9 =	sshll.u32 s28, $0x1;
	[dreg:$0x2] =	wrdreg s7  }
0xb1: {  	[dreg:$0x3] =	wrdreg s9  }
0xb2: {  	[dreg:$0x4] =	wrdreg $0xC0  }
0xb3: {  	_ =	task [dreg:s11], $0x5FFFF  }
0xb4: {  	[dreg:$0x1] =	wrdreg $0xFFFFFFFF  }
0xb5: {  	[dreg:$0x0] =	wrdreg $0x60  }
0xb6: {  	[dreg:$0x2] =	wrdreg s15  }
0xb7: {  	[dreg:$0x3] =	wrdreg s4  }
0xb8: {  	[dreg:$0x4] =	wrdreg s5  }
0xb9: {  	[dreg:$0x5] =	wrdreg s16  }
0xba: {  	[dreg:$0x6] =	wrdreg s17  }
0xbb: {  	[dreg:$0x7] =	wrdreg s24  }
0xbc: {  	[dreg:$0x8] =	wrdreg $0x9  }
0xbd: {  	_ =	task.clear_ibuf [dreg:s11], $0x9FFFF;
	_ =	strace $0x90000046  }
0xbe: {  	s29 =	simm.s32 $0x9;
	_ =	strace $0x80000048  }
0xbf: {  	_ =	swait.ge [sflag:s29], $0x1  }
0xc0: {  	[sflag:s29] =	ssyncadd.s32 $0xFFFFFFFF  }
0xc1: {  	_ =	strace $0x90000048  }
0xc2: {  	_ =	sfence  }
0xc3: {  	s30 =	sld [smem:$0x0];
	_ =	sdelay $0x2  }
0xc4: {  	s31 =	sshll.u32 s1, $0xD;
	s1 =	sshrl.u32 s1, $0x2  }
0xc5: {  	s3 =	sand.u32 $0x4000, s31;
	s1 =	sadd.s32 s1, s30  }
0xc6: {  	s0 =	sor.u32 s3, s0;
	s1 =	sshll.u32 s1, $0x11  }
0xc7: {  	s0 =	sor.u32 s1, s0  }
0xc8: {  	s0 =	sadd.s32 $0x8F2B, s0  }
0xc9: {  	[sflag:s0] =	ssyncadd.remote.s32 $0x1  }
0xca: {  	_ =	sfence.sel $0xFFFF  }
0xcb: {  	[dreg:$0x0] =	wrdreg $0xFFFFFFFF;
	(pc) =	sbr.abs _section_cstart, $3  }
0xcc: {  	[dreg:$0x1] =	wrdreg $0xFFFFFFFF  }
0xcd: {  	_ =	task.clear_ibuf [dreg:s11], $0x2FFFF;
	_ =	strace $0x9FFFFFFF  }
0xce: {  	(tm) =	ssettm $0x7FFFFFFF  }
0xcf: {  	_ =	shalt  }
tec
execute0_lowered:
.L_overlay_start_1:
0x0: {  	(tag) =	ssettag $0x1  }
0x1: {  	s0 =	rddreg [dreg:$0x0]  }
0x2: {  	s1 =	rddreg [dreg:$0x2]  }
0x3: {  	s2 =	rddreg [dreg:$0x3]  }
0x4: {  	s3 =	rddreg [dreg:$0x4]  }
0x5: {  	s5 =	rddreg [dreg:$0x5]  }
0x6: {  	s6 =	srdreg.scid;
	s4 =	simm.s32 $0x0;
	s10 =	stileid.u32  }
0x7: {  	s13 =	simm.s32 $0xE488;
	s14 =	simm.s32 $0xE498;
	[smem:$0x7FF] =	sst s4  }
0x8: {  	s16 =	simm.s32 $0xE4A8;
	_ =	strace $0x80000047;
	[dreg:$0x7] =	wrdreg s13  }
0x9: {  	s17 =	simm.s32 $0xE4B8;
	s18 =	simm.s32 $0xE4C8;
	[dreg:$0x8] =	wrdreg s14  }
0xa: {  	s20 =	simm.s32 $0xE4D8;
	s21 =	simm.s32 $0xE4E8;
	[dreg:$0x9] =	wrdreg s16  }
0xb: {  	s22 =	simm.s32 $0xE4F8;
	s23 =	simm.s32 $0xE418;
	[dreg:$0xa] =	wrdreg s17  }
0xc: {  	s24 =	simm.s32 $0xE428;
	s25 =	simm.s32 $0xE438;
	[dreg:$0xb] =	wrdreg s18  }
0xd: {  	s26 =	simm.s32 $0xE448;
	s28 =	simm.s32 $0xE508;
	[dreg:$0xc] =	wrdreg s20  }
0xe: {  	s29 =	simm.s32 $0xF908;
	s30 =	simm.s32 $0xA;
	[dreg:$0xd] =	wrdreg s21  }
0xf: {  	s31 =	simm.s32 $0x0;
	s7 =	sand.u32 $0x1, s6;
	[dreg:$0xe] =	wrdreg s22  }
0x10: {  	s6 =	sadd.s32 $0x800, s5;
	s12 =	sshll.u32 s10, $0x8;
	[dreg:$0xf] =	wrdreg s23  }
0x11: {  	s8 =	ssub.s32 $0x2, s7;
	s7 =	sshll.u32 s7, $0x7;
	[dreg:$0x10] =	wrdreg s24  }
0x12: {  	s13 =	simm.s32 $0x6400;
	s16 =	simm.s32 $0x2;
	[dreg:$0x11] =	wrdreg s25  }
0x13: {  	s17 =	simm.s32 $0x3;
	s18 =	simm.s32 $0x4;
	[dreg:$0x12] =	wrdreg s26  }
0x14: {  	s20 =	simm.s32 $0x6;
	s21 =	simm.s32 $0xE458;
	s22 =	simm.s32 $0x7  }
0x15: {  	s23 =	simm.s32 $0xE468;
	s24 =	simm.s32 $0x8;
	s7 =	sor.u32 s7, s12  }
0x16: {  	s25 =	simm.s32 $0xE478;
	s26 =	simm.s32 $0x80;
	s15 =	sshrl.u32 s7, $0x3  }
0x17: {  	s9 =	sshrl.u32 s8, $0x1;
	s12 =	simm.s32 $0x1000;
	s1 =	sadd.s32 s1, s15  }
0x18: {  	s11 =	ssub.s32 s8, s9;
	s2 =	sadd.s32 s2, s15;
	[dreg:$0x13] =	wrdreg s1  }
0x19: {  	s19 =	smax.u32 s11, $0x1;
	s11 =	simm.s32 $0xE408;
	[dreg:$0x14] =	wrdreg s2  }
0x1a: {  	vm0 =	vmmov $0xffff;
	s15 =	simm.s32 $0x1;
	[dreg:$0x15] =	wrdreg s19;
	s19 =	simm.s32 $0x5  }
.LBB2_1:
0x1b: {  	s1 =	rddreg [dreg:$0x13]  }
0x1c: {  	[tilespmem:s11], [sflag:$0x9] =	stream.linear.gather [hbm4b:s1+s4], $0x80, $0x38;
	[tilespmem:$0x19908] =	vst v63  }
0x1d: {  	s9 =	rddreg [dreg:$0x14]  }
0x1e: {  	[tilespmem:s4], [sflag:$0x9] =	stream.strided.gather [hbm4b:s9+s26], $0x6400, s12, s26, $0x38;
	[tilespmem:$0x19908] =	vst v63  }
0x1f: {  	s10 =	rddreg [dreg:$0x1];
	s14 =	simm.s32 $0x9  }
0x20: {  	[tilespmem:s13], [sflag:$0x9] =	stream.linear.gather [hbm4b:s10+s4], $0x8008, $0x38;
	[tilespmem:$0x19908] =	vst v63  }
0x21: {  	_ =	swait.ge [sflag:s14], $0x80  }
0x22: {  	[sflag:s14] =	ssyncset.done $0x0  }
0x23: {  	[sflag:s14] =	ssyncadd.s32 $0xFFFFFF80  }
0x24: {  	_ =	swait.ge [sflag:s14], $0x6400  }
0x25: {  	[sflag:s14] =	ssyncset.done $0x0  }
0x26: {  	[sflag:s14] =	ssyncadd.s32 $0xFFFF9C00  }
0x27: {  	_ =	swait.ge [sflag:s14], $0x8008  }
0x28: {  	[sflag:s14] =	ssyncset.done $0x0  }
0x29: {  	s5 =	simm.s32 $0x0;
	s10 =	simm.s32 $0x80;
	[sflag:s14] =	ssyncadd.s32 $0xFFFF7FF8  }
.LBB2_2:
0x2a: {  	s2 =	simm.s32 $0x0  }
0x2b: {  	s8 =	simm.s32 $0xE588;
	s9 =	simm.s32 $0xFD08;
	s1 =	smov.u32 s10  }
.LBB2_3:
0x2c: {  	s14 =	sor.u32 s5, s2  }
0x2d: {  	p0 =	seq.s32 s14, $0x0  }
0x2e: {  	s14 =	simm.s32 @!p0 $0x1  }
0x2f: {  	_ =	swait.ge @!p0 [sflag:s14], $0x10  }
0x30: {  	[sflag:s14] =	ssyncset.done @!p0 $0x0  }
0x31: {  	[sflag:s14] =	ssyncadd.s32 @!p0 $0xFFFFFFF0  }
0x32: {  	v0 =	vld [tilespmem:$0xE408]  }
0x33: {  	v1 =	vld [tilespmem:s1+$0xFFFFFF80];
	_ =	sdelay $0x4  }
0x34: {  	v2 =	vshll.u32 v0, $0xC;
	v3 =	vshll.u32 v1, $0x3  }
0x35: {  	v4 =	vshll.u32 v0, $0x7;
	v2 =	vand.u32 $0xFFFF8000, v2;
	v3 =	vand.u32 $0xFFFFFC00, v3  }
0x36: {  	v51 =	vand.u32 $0x380, v4;
	v2 =	vadd.s32 v2, v3  }
0x37: {  	v1 =	vand.u32 $0x7F, v1;
	v2 =	vor.u32 v51, v2  }
0x38: {  	v1 =	vor.u32 v1, v2;
	_ =	sdelay $0x3  }
0x39: {  	s14 =	rddreg [dreg:$0x7]  }
0x3a: {  	[tilespmem:s14], [sflag:$0x1] =	stream.indirect_vreg.gather [hbm4b:s0+s4], $0x1, v1, vm0, $0xb8;
	[tilespmem:$0x19908] =	vst v63  }
0x3b: {  	[tilespmem:s8+$0xFFFFFF80] =	vst v0  }
0x3c: {  	v0 =	vld [tilespmem:$0xE408];
	_ =	sdelay $0x4  }
0x3d: {  	v0 =	vshll.u32 v0, $0x3;
	_ =	sdelay $0x4  }
0x3e: {  	v1 =	vld.idx.msk [tilespmem:v0+s13+$0x0], $0xffff  }
0x3f: {  	v52 =	vor.u32 $0x1, v0;
	_ =	sdelay $0x3  }
0x40: {  	[tilespmem:s9+$0xFFFFFC00] =	vst v1  }
0x41: {  	v1 =	vld.idx.msk [tilespmem:v52+s13+$0x0], $0xffff  }
0x42: {  	v53 =	vor.u32 $0x2, v0;
	_ =	sdelay $0x3  }
0x43: {  	[tilespmem:s9+$0xFFFFFC80] =	vst v1  }
0x44: {  	v1 =	vld.idx.msk [tilespmem:v53+s13+$0x0], $0xffff  }
0x45: {  	v54 =	vor.u32 $0x3, v0;
	_ =	sdelay $0x3  }
0x46: {  	[tilespmem:s9+$0xFFFFFD00] =	vst v1  }
0x47: {  	v1 =	vld.idx.msk [tilespmem:v54+s13+$0x0], $0xffff  }
0x48: {  	v55 =	vor.u32 $0x4, v0;
	_ =	sdelay $0x3  }
0x49: {  	[tilespmem:s9+$0xFFFFFD80] =	vst v1  }
0x4a: {  	v1 =	vld.idx.msk [tilespmem:v55+s13+$0x0], $0xffff  }
0x4b: {  	v56 =	vor.u32 $0x5, v0;
	_ =	sdelay $0x3  }
0x4c: {  	[tilespmem:s9+$0xFFFFFE00] =	vst v1  }
0x4d: {  	v1 =	vld.idx.msk [tilespmem:v56+s13+$0x0], $0xffff  }
0x4e: {  	v57 =	vor.u32 $0x6, v0;
	_ =	sdelay $0x3  }
0x4f: {  	[tilespmem:s9+$0xFFFFFE80] =	vst v1  }
0x50: {  	v1 =	vld.idx.msk [tilespmem:v57+s13+$0x0], $0xffff  }
0x51: {  	v0 =	vor.u32 $0x7, v0;
	_ =	sdelay $0x3  }
0x52: {  	[tilespmem:s9+$0xFFFFFF00] =	vst v1  }
0x53: {  	v0 =	vld.idx.msk [tilespmem:v0+s13+$0x0], $0xffff;
	_ =	sdelay $0x4  }
0x54: {  	s14 =	simm.s32 @!p0 $0x2;
	[tilespmem:s9+$0xFFFFFF80] =	vst v0  }
0x55: {  	_ =	swait.ge @!p0 [sflag:s14], $0x10  }
0x56: {  	[sflag:s14] =	ssyncset.done @!p0 $0x0  }
0x57: {  	[sflag:s14] =	ssyncadd.s32 @!p0 $0xFFFFFFF0  }
0x58: {  	v58 =	vld [tilespmem:$0xE418]  }
0x59: {  	v59 =	vld [tilespmem:s1+$0xFFFFFF90];
	_ =	sdelay $0x4  }
0x5a: {  	v60 =	vshll.u32 v58, $0xC;
	v61 =	vshll.u32 v59, $0x3  }
0x5b: {  	v62 =	vshll.u32 v58, $0x7;
	v2 =	vand.u32 $0xFFFF8000, v60;
	v3 =	vand.u32 $0xFFFFFC00, v61  }
0x5c: {  	v63 =	vand.u32 $0x380, v62;
	v2 =	vadd.s32 v2, v3  }
0x5d: {  	v1 =	vand.u32 $0x7F, v59;
	v2 =	vor.u32 v63, v2  }
0x5e: {  	v1 =	vor.u32 v1, v2;
	_ =	sdelay $0x3  }
0x5f: {  	s14 =	rddreg [dreg:$0x8]  }
0x60: {  	[tilespmem:s14], [sflag:$0x2] =	stream.indirect_vreg.gather [hbm4b:s0+s4], $0x1, v1, vm0, $0xb8;
	[tilespmem:$0x19908] =	vst v63  }
0x61: {  	[tilespmem:s8+$0xFFFFFF90] =	vst v58  }
0x62: {  	v0 =	vld [tilespmem:$0xE418];
	_ =	sdelay $0x4  }
0x63: {  	v0 =	vshll.u32 v0, $0x3;
	_ =	sdelay $0x4  }
0x64: {  	v1 =	vld.idx.msk [tilespmem:v0+s13+$0x0], $0xffff  }
0x65: {  	v5 =	vor.u32 $0x1, v0;
	_ =	sdelay $0x3  }
0x66: {  	[tilespmem:s9+$0xFFFFFC10] =	vst v1  }
0x67: {  	v1 =	vld.idx.msk [tilespmem:v5+s13+$0x0], $0xffff  }
0x68: {  	v6 =	vor.u32 $0x2, v0;
	_ =	sdelay $0x3  }
0x69: {  	[tilespmem:s9+$0xFFFFFC90] =	vst v1  }
0x6a: {  	v1 =	vld.idx.msk [tilespmem:v6+s13+$0x0], $0xffff  }
0x6b: {  	v7 =	vor.u32 $0x3, v0;
	_ =	sdelay $0x3  }
0x6c: {  	[tilespmem:s9+$0xFFFFFD10] =	vst v1  }
0x6d: {  	v1 =	vld.idx.msk [tilespmem:v7+s13+$0x0], $0xffff  }
0x6e: {  	v8 =	vor.u32 $0x4, v0;
	_ =	sdelay $0x3  }
0x6f: {  	[tilespmem:s9+$0xFFFFFD90] =	vst v1  }
0x70: {  	v1 =	vld.idx.msk [tilespmem:v8+s13+$0x0], $0xffff  }
0x71: {  	v9 =	vor.u32 $0x5, v0;
	_ =	sdelay $0x3  }
0x72: {  	[tilespmem:s9+$0xFFFFFE10] =	vst v1  }
0x73: {  	v1 =	vld.idx.msk [tilespmem:v9+s13+$0x0], $0xffff  }
0x74: {  	v10 =	vor.u32 $0x6, v0;
	_ =	sdelay $0x3  }
0x75: {  	[tilespmem:s9+$0xFFFFFE90] =	vst v1  }
0x76: {  	v1 =	vld.idx.msk [tilespmem:v10+s13+$0x0], $0xffff  }
0x77: {  	v0 =	vor.u32 $0x7, v0;
	_ =	sdelay $0x3  }
0x78: {  	[tilespmem:s9+$0xFFFFFF10] =	vst v1  }
0x79: {  	v0 =	vld.idx.msk [tilespmem:v0+s13+$0x0], $0xffff;
	_ =	sdelay $0x4  }
0x7a: {  	s14 =	simm.s32 @!p0 $0x3;
	[tilespmem:s9+$0xFFFFFF90] =	vst v0  }
0x7b: {  	_ =	swait.ge @!p0 [sflag:s14], $0x10  }
0x7c: {  	[sflag:s14] =	ssyncset.done @!p0 $0x0  }
0x7d: {  	[sflag:s14] =	ssyncadd.s32 @!p0 $0xFFFFFFF0  }
0x7e: {  	v11 =	vld [tilespmem:$0xE428]  }
0x7f: {  	v12 =	vld [tilespmem:s1+$0xFFFFFFA0];
	_ =	sdelay $0x4  }
0x80: {  	v13 =	vshll.u32 v11, $0xC;
	v14 =	vshll.u32 v12, $0x3  }
0x81: {  	v15 =	vshll.u32 v11, $0x7;
	v2 =	vand.u32 $0xFFFF8000, v13;
	v3 =	vand.u32 $0xFFFFFC00, v14  }
0x82: {  	v16 =	vand.u32 $0x380, v15;
	v2 =	vadd.s32 v2, v3  }
0x83: {  	v1 =	vand.u32 $0x7F, v12;
	v2 =	vor.u32 v16, v2  }
0x84: {  	v1 =	vor.u32 v1, v2;
	_ =	sdelay $0x3  }
0x85: {  	s14 =	rddreg [dreg:$0x9]  }
0x86: {  	[tilespmem:s14], [sflag:$0x3] =	stream.indirect_vreg.gather [hbm4b:s0+s4], $0x1, v1, vm0, $0xb8;
	[tilespmem:$0x19908] =	vst v63  }
0x87: {  	[tilespmem:s8+$0xFFFFFFA0] =	vst v11  }
0x88: {  	v0 =	vld [tilespmem:$0xE428];
	_ =	sdelay $0x4  }
0x89: {  	v0 =	vshll.u32 v0, $0x3;
	_ =	sdelay $0x4  }
0x8a: {  	v1 =	vld.idx.msk [tilespmem:v0+s13+$0x0], $0xffff  }
0x8b: {  	v17 =	vor.u32 $0x1, v0;
	_ =	sdelay $0x3  }
0x8c: {  	[tilespmem:s9+$0xFFFFFC20] =	vst v1  }
0x8d: {  	v1 =	vld.idx.msk [tilespmem:v17+s13+$0x0], $0xffff  }
0x8e: {  	v18 =	vor.u32 $0x2, v0;
	_ =	sdelay $0x3  }
0x8f: {  	[tilespmem:s9+$0xFFFFFCA0] =	vst v1  }
0x90: {  	v1 =	vld.idx.msk [tilespmem:v18+s13+$0x0], $0xffff  }
0x91: {  	v19 =	vor.u32 $0x3, v0;
	_ =	sdelay $0x3  }
0x92: {  	[tilespmem:s9+$0xFFFFFD20] =	vst v1  }
0x93: {  	v1 =	vld.idx.msk [tilespmem:v19+s13+$0x0], $0xffff  }
0x94: {  	v20 =	vor.u32 $0x4, v0;
	_ =	sdelay $0x3  }
0x95: {  	[tilespmem:s9+$0xFFFFFDA0] =	vst v1  }
0x96: {  	v1 =	vld.idx.msk [tilespmem:v20+s13+$0x0], $0xffff  }
0x97: {  	v21 =	vor.u32 $0x5, v0;
	_ =	sdelay $0x3  }
0x98: {  	[tilespmem:s9+$0xFFFFFE20] =	vst v1  }
0x99: {  	v1 =	vld.idx.msk [tilespmem:v21+s13+$0x0], $0xffff  }
0x9a: {  	v22 =	vor.u32 $0x6, v0;
	_ =	sdelay $0x3  }
0x9b: {  	[tilespmem:s9+$0xFFFFFEA0] =	vst v1  }
0x9c: {  	v1 =	vld.idx.msk [tilespmem:v22+s13+$0x0], $0xffff  }
0x9d: {  	v0 =	vor.u32 $0x7, v0;
	_ =	sdelay $0x3  }
0x9e: {  	[tilespmem:s9+$0xFFFFFF20] =	vst v1  }
0x9f: {  	v0 =	vld.idx.msk [tilespmem:v0+s13+$0x0], $0xffff;
	_ =	sdelay $0x4  }
0xa0: {  	s14 =	simm.s32 @!p0 $0x4;
	[tilespmem:s9+$0xFFFFFFA0] =	vst v0  }
0xa1: {  	_ =	swait.ge @!p0 [sflag:s14], $0x10  }
0xa2: {  	[sflag:s14] =	ssyncset.done @!p0 $0x0  }
0xa3: {  	[sflag:s14] =	ssyncadd.s32 @!p0 $0xFFFFFFF0  }
0xa4: {  	v23 =	vld [tilespmem:$0xE438]  }
0xa5: {  	v24 =	vld [tilespmem:s1+$0xFFFFFFB0];
	_ =	sdelay $0x4  }
0xa6: {  	v25 =	vshll.u32 v23, $0xC;
	v26 =	vshll.u32 v24, $0x3  }
0xa7: {  	v27 =	vshll.u32 v23, $0x7;
	v2 =	vand.u32 $0xFFFF8000, v25;
	v3 =	vand.u32 $0xFFFFFC00, v26  }
0xa8: {  	v28 =	vand.u32 $0x380, v27;
	v2 =	vadd.s32 v2, v3  }
0xa9: {  	v1 =	vand.u32 $0x7F, v24;
	v2 =	vor.u32 v28, v2  }
0xaa: {  	v1 =	vor.u32 v1, v2;
	_ =	sdelay $0x3  }
0xab: {  	s14 =	rddreg [dreg:$0xa]  }
0xac: {  	[tilespmem:s14], [sflag:$0x4] =	stream.indirect_vreg.gather [hbm4b:s0+s4], $0x1, v1, vm0, $0xb8;
	[tilespmem:$0x19908] =	vst v63  }
0xad: {  	[tilespmem:s8+$0xFFFFFFB0] =	vst v23  }
0xae: {  	v0 =	vld [tilespmem:$0xE438];
	_ =	sdelay $0x4  }
0xaf: {  	v0 =	vshll.u32 v0, $0x3;
	_ =	sdelay $0x4  }
0xb0: {  	v1 =	vld.idx.msk [tilespmem:v0+s13+$0x0], $0xffff  }
0xb1: {  	v29 =	vor.u32 $0x1, v0;
	_ =	sdelay $0x3  }
0xb2: {  	[tilespmem:s9+$0xFFFFFC30] =	vst v1  }
0xb3: {  	v1 =	vld.idx.msk [tilespmem:v29+s13+$0x0], $0xffff  }
0xb4: {  	v30 =	vor.u32 $0x2, v0;
	_ =	sdelay $0x3  }
0xb5: {  	[tilespmem:s9+$0xFFFFFCB0] =	vst v1  }
0xb6: {  	v1 =	vld.idx.msk [tilespmem:v30+s13+$0x0], $0xffff  }
0xb7: {  	v31 =	vor.u32 $0x3, v0;
	_ =	sdelay $0x3  }
0xb8: {  	[tilespmem:s9+$0xFFFFFD30] =	vst v1  }
0xb9: {  	v1 =	vld.idx.msk [tilespmem:v31+s13+$0x0], $0xffff  }
0xba: {  	v32 =	vor.u32 $0x4, v0;
	_ =	sdelay $0x3  }
0xbb: {  	[tilespmem:s9+$0xFFFFFDB0] =	vst v1  }
0xbc: {  	v1 =	vld.idx.msk [tilespmem:v32+s13+$0x0], $0xffff  }
0xbd: {  	v33 =	vor.u32 $0x5, v0;
	_ =	sdelay $0x3  }
0xbe: {  	[tilespmem:s9+$0xFFFFFE30] =	vst v1  }
0xbf: {  	v1 =	vld.idx.msk [tilespmem:v33+s13+$0x0], $0xffff  }
0xc0: {  	v34 =	vor.u32 $0x6, v0;
	_ =	sdelay $0x3  }
0xc1: {  	[tilespmem:s9+$0xFFFFFEB0] =	vst v1  }
0xc2: {  	v1 =	vld.idx.msk [tilespmem:v34+s13+$0x0], $0xffff  }
0xc3: {  	v0 =	vor.u32 $0x7, v0;
	_ =	sdelay $0x3  }
0xc4: {  	[tilespmem:s9+$0xFFFFFF30] =	vst v1  }
0xc5: {  	v0 =	vld.idx.msk [tilespmem:v0+s13+$0x0], $0xffff;
	_ =	sdelay $0x4  }
0xc6: {  	s14 =	simm.s32 @!p0 $0x5;
	[tilespmem:s9+$0xFFFFFFB0] =	vst v0  }
0xc7: {  	_ =	swait.ge @!p0 [sflag:s14], $0x10  }
0xc8: {  	[sflag:s14] =	ssyncset.done @!p0 $0x0  }
0xc9: {  	[sflag:s14] =	ssyncadd.s32 @!p0 $0xFFFFFFF0  }
0xca: {  	v35 =	vld [tilespmem:$0xE448]  }
0xcb: {  	v36 =	vld [tilespmem:s1+$0xFFFFFFC0];
	_ =	sdelay $0x4  }
0xcc: {  	v37 =	vshll.u32 v35, $0xC;
	v38 =	vshll.u32 v36, $0x3  }
0xcd: {  	v39 =	vshll.u32 v35, $0x7;
	v2 =	vand.u32 $0xFFFF8000, v37;
	v3 =	vand.u32 $0xFFFFFC00, v38  }
0xce: {  	v40 =	vand.u32 $0x380, v39;
	v2 =	vadd.s32 v2, v3  }
0xcf: {  	v1 =	vand.u32 $0x7F, v36;
	v2 =	vor.u32 v40, v2  }
0xd0: {  	v1 =	vor.u32 v1, v2;
	_ =	sdelay $0x3  }
0xd1: {  	s14 =	rddreg [dreg:$0xb]  }
0xd2: {  	[tilespmem:s14], [sflag:$0x5] =	stream.indirect_vreg.gather [hbm4b:s0+s4], $0x1, v1, vm0, $0xb8;
	[tilespmem:$0x19908] =	vst v63  }
0xd3: {  	[tilespmem:s8+$0xFFFFFFC0] =	vst v35  }
0xd4: {  	v0 =	vld [tilespmem:$0xE448];
	_ =	sdelay $0x4  }
0xd5: {  	v0 =	vshll.u32 v0, $0x3;
	_ =	sdelay $0x4  }
0xd6: {  	v1 =	vld.idx.msk [tilespmem:v0+s13+$0x0], $0xffff  }
0xd7: {  	v41 =	vor.u32 $0x1, v0;
	_ =	sdelay $0x3  }
0xd8: {  	[tilespmem:s9+$0xFFFFFC40] =	vst v1  }
0xd9: {  	v1 =	vld.idx.msk [tilespmem:v41+s13+$0x0], $0xffff  }
0xda: {  	v42 =	vor.u32 $0x2, v0;
	_ =	sdelay $0x3  }
0xdb: {  	[tilespmem:s9+$0xFFFFFCC0] =	vst v1  }
0xdc: {  	v1 =	vld.idx.msk [tilespmem:v42+s13+$0x0], $0xffff  }
0xdd: {  	v43 =	vor.u32 $0x3, v0;
	_ =	sdelay $0x3  }
0xde: {  	[tilespmem:s9+$0xFFFFFD40] =	vst v1  }
0xdf: {  	v1 =	vld.idx.msk [tilespmem:v43+s13+$0x0], $0xffff  }
0xe0: {  	v44 =	vor.u32 $0x4, v0;
	_ =	sdelay $0x3  }
0xe1: {  	[tilespmem:s9+$0xFFFFFDC0] =	vst v1  }
0xe2: {  	v1 =	vld.idx.msk [tilespmem:v44+s13+$0x0], $0xffff  }
0xe3: {  	v45 =	vor.u32 $0x5, v0;
	_ =	sdelay $0x3  }
0xe4: {  	[tilespmem:s9+$0xFFFFFE40] =	vst v1  }
0xe5: {  	v1 =	vld.idx.msk [tilespmem:v45+s13+$0x0], $0xffff  }
0xe6: {  	v46 =	vor.u32 $0x6, v0;
	_ =	sdelay $0x3  }
0xe7: {  	[tilespmem:s9+$0xFFFFFEC0] =	vst v1  }
0xe8: {  	v1 =	vld.idx.msk [tilespmem:v46+s13+$0x0], $0xffff  }
0xe9: {  	v0 =	vor.u32 $0x7, v0;
	_ =	sdelay $0x3  }
0xea: {  	[tilespmem:s9+$0xFFFFFF40] =	vst v1  }
0xeb: {  	v0 =	vld.idx.msk [tilespmem:v0+s13+$0x0], $0xffff;
	_ =	sdelay $0x4  }
0xec: {  	s14 =	simm.s32 @!p0 $0x6;
	[tilespmem:s9+$0xFFFFFFC0] =	vst v0  }
0xed: {  	_ =	swait.ge @!p0 [sflag:s14], $0x10  }
0xee: {  	[sflag:s14] =	ssyncset.done @!p0 $0x0  }
0xef: {  	[sflag:s14] =	ssyncadd.s32 @!p0 $0xFFFFFFF0  }
0xf0: {  	v47 =	vld [tilespmem:$0xE458]  }
0xf1: {  	v48 =	vld [tilespmem:s1+$0xFFFFFFD0];
	_ =	sdelay $0x4  }
0xf2: {  	v49 =	vshll.u32 v47, $0xC;
	v50 =	vshll.u32 v48, $0x3  }
0xf3: {  	v51 =	vshll.u32 v47, $0x7;
	v2 =	vand.u32 $0xFFFF8000, v49;
	v3 =	vand.u32 $0xFFFFFC00, v50  }
0xf4: {  	v52 =	vand.u32 $0x380, v51;
	v2 =	vadd.s32 v2, v3  }
0xf5: {  	v1 =	vand.u32 $0x7F, v48;
	v2 =	vor.u32 v52, v2  }
0xf6: {  	v1 =	vor.u32 v1, v2;
	_ =	sdelay $0x3  }
0xf7: {  	s14 =	rddreg [dreg:$0xc]  }
0xf8: {  	[tilespmem:s14], [sflag:$0x6] =	stream.indirect_vreg.gather [hbm4b:s0+s4], $0x1, v1, vm0, $0xb8;
	[tilespmem:$0x19908] =	vst v63  }
0xf9: {  	[tilespmem:s8+$0xFFFFFFD0] =	vst v47  }
0xfa: {  	v0 =	vld [tilespmem:$0xE458];
	_ =	sdelay $0x4  }
0xfb: {  	v0 =	vshll.u32 v0, $0x3;
	_ =	sdelay $0x4  }
0xfc: {  	v1 =	vld.idx.msk [tilespmem:v0+s13+$0x0], $0xffff  }
0xfd: {  	v53 =	vor.u32 $0x1, v0;
	_ =	sdelay $0x3  }
0xfe: {  	[tilespmem:s9+$0xFFFFFC50] =	vst v1  }
0xff: {  	v1 =	vld.idx.msk [tilespmem:v53+s13+$0x0], $0xffff  }
0x100: {  	v54 =	vor.u32 $0x2, v0;
	_ =	sdelay $0x3  }
0x101: {  	[tilespmem:s9+$0xFFFFFCD0] =	vst v1  }
0x102: {  	v1 =	vld.idx.msk [tilespmem:v54+s13+$0x0], $0xffff  }
0x103: {  	v55 =	vor.u32 $0x3, v0;
	_ =	sdelay $0x3  }
0x104: {  	[tilespmem:s9+$0xFFFFFD50] =	vst v1  }
0x105: {  	v1 =	vld.idx.msk [tilespmem:v55+s13+$0x0], $0xffff  }
0x106: {  	v56 =	vor.u32 $0x4, v0;
	_ =	sdelay $0x3  }
0x107: {  	[tilespmem:s9+$0xFFFFFDD0] =	vst v1  }
0x108: {  	v1 =	vld.idx.msk [tilespmem:v56+s13+$0x0], $0xffff  }
0x109: {  	v57 =	vor.u32 $0x5, v0;
	_ =	sdelay $0x3  }
0x10a: {  	[tilespmem:s9+$0xFFFFFE50] =	vst v1  }
0x10b: {  	v1 =	vld.idx.msk [tilespmem:v57+s13+$0x0], $0xffff  }
0x10c: {  	v58 =	vor.u32 $0x6, v0;
	_ =	sdelay $0x3  }
0x10d: {  	[tilespmem:s9+$0xFFFFFED0] =	vst v1  }
0x10e: {  	v1 =	vld.idx.msk [tilespmem:v58+s13+$0x0], $0xffff  }
0x10f: {  	v0 =	vor.u32 $0x7, v0;
	_ =	sdelay $0x3  }
0x110: {  	[tilespmem:s9+$0xFFFFFF50] =	vst v1  }
0x111: {  	v0 =	vld.idx.msk [tilespmem:v0+s13+$0x0], $0xffff;
	_ =	sdelay $0x4  }
0x112: {  	s14 =	simm.s32 @!p0 $0x7;
	[tilespmem:s9+$0xFFFFFFD0] =	vst v0  }
0x113: {  	_ =	swait.ge @!p0 [sflag:s14], $0x10  }
0x114: {  	[sflag:s14] =	ssyncset.done @!p0 $0x0  }
0x115: {  	[sflag:s14] =	ssyncadd.s32 @!p0 $0xFFFFFFF0  }
0x116: {  	v59 =	vld [tilespmem:$0xE468]  }
0x117: {  	v60 =	vld [tilespmem:s1+$0xFFFFFFE0];
	_ =	sdelay $0x4  }
0x118: {  	v61 =	vshll.u32 v59, $0xC;
	v62 =	vshll.u32 v60, $0x3  }
0x119: {  	v63 =	vshll.u32 v59, $0x7;
	v2 =	vand.u32 $0xFFFF8000, v61;
	v3 =	vand.u32 $0xFFFFFC00, v62  }
0x11a: {  	v7 =	vand.u32 $0x380, v63;
	v2 =	vadd.s32 v2, v3  }
0x11b: {  	v1 =	vand.u32 $0x7F, v60;
	v2 =	vor.u32 v7, v2  }
0x11c: {  	v1 =	vor.u32 v1, v2;
	_ =	sdelay $0x3  }
0x11d: {  	s14 =	rddreg [dreg:$0xd]  }
0x11e: {  	[tilespmem:s14], [sflag:$0x7] =	stream.indirect_vreg.gather [hbm4b:s0+s4], $0x1, v1, vm0, $0xb8;
	[tilespmem:$0x19908] =	vst v63  }
0x11f: {  	[tilespmem:s8+$0xFFFFFFE0] =	vst v59  }
0x120: {  	v0 =	vld [tilespmem:$0xE468];
	_ =	sdelay $0x4  }
0x121: {  	v0 =	vshll.u32 v0, $0x3;
	_ =	sdelay $0x4  }
0x122: {  	v1 =	vld.idx.msk [tilespmem:v0+s13+$0x0], $0xffff  }
0x123: {  	v8 =	vor.u32 $0x1, v0;
	_ =	sdelay $0x3  }
0x124: {  	[tilespmem:s9+$0xFFFFFC60] =	vst v1  }
0x125: {  	v1 =	vld.idx.msk [tilespmem:v8+s13+$0x0], $0xffff  }
0x126: {  	v9 =	vor.u32 $0x2, v0;
	_ =	sdelay $0x3  }
0x127: {  	[tilespmem:s9+$0xFFFFFCE0] =	vst v1  }
0x128: {  	v1 =	vld.idx.msk [tilespmem:v9+s13+$0x0], $0xffff  }
0x129: {  	v10 =	vor.u32 $0x3, v0;
	_ =	sdelay $0x3  }
0x12a: {  	[tilespmem:s9+$0xFFFFFD60] =	vst v1  }
0x12b: {  	v1 =	vld.idx.msk [tilespmem:v10+s13+$0x0], $0xffff  }
0x12c: {  	v11 =	vor.u32 $0x4, v0;
	_ =	sdelay $0x3  }
0x12d: {  	[tilespmem:s9+$0xFFFFFDE0] =	vst v1  }
0x12e: {  	v1 =	vld.idx.msk [tilespmem:v11+s13+$0x0], $0xffff  }
0x12f: {  	v12 =	vor.u32 $0x5, v0;
	_ =	sdelay $0x3  }
0x130: {  	[tilespmem:s9+$0xFFFFFE60] =	vst v1  }
0x131: {  	v1 =	vld.idx.msk [tilespmem:v12+s13+$0x0], $0xffff  }
0x132: {  	v13 =	vor.u32 $0x6, v0;
	_ =	sdelay $0x3  }
0x133: {  	[tilespmem:s9+$0xFFFFFEE0] =	vst v1  }
0x134: {  	v1 =	vld.idx.msk [tilespmem:v13+s13+$0x0], $0xffff  }
0x135: {  	v0 =	vor.u32 $0x7, v0;
	_ =	sdelay $0x3  }
0x136: {  	[tilespmem:s9+$0xFFFFFF60] =	vst v1  }
0x137: {  	v0 =	vld.idx.msk [tilespmem:v0+s13+$0x0], $0xffff;
	_ =	sdelay $0x4  }
0x138: {  	s14 =	simm.s32 @!p0 $0x8;
	[tilespmem:s9+$0xFFFFFFE0] =	vst v0  }
0x139: {  	_ =	swait.ge @!p0 [sflag:s14], $0x10  }
0x13a: {  	[sflag:s14] =	ssyncset.done @!p0 $0x0  }
0x13b: {  	[sflag:s14] =	ssyncadd.s32 @!p0 $0xFFFFFFF0  }
0x13c: {  	v14 =	vld [tilespmem:$0xE478]  }
0x13d: {  	v15 =	vld [tilespmem:s1+$0xFFFFFFF0];
	_ =	sdelay $0x4  }
0x13e: {  	v16 =	vshll.u32 v14, $0xC;
	v17 =	vshll.u32 v15, $0x3  }
0x13f: {  	v18 =	vshll.u32 v14, $0x7;
	v2 =	vand.u32 $0xFFFF8000, v16;
	v3 =	vand.u32 $0xFFFFFC00, v17  }
0x140: {  	v19 =	vand.u32 $0x380, v18;
	v2 =	vadd.s32 v2, v3  }
0x141: {  	v1 =	vand.u32 $0x7F, v15;
	v2 =	vor.u32 v19, v2  }
0x142: {  	v1 =	vor.u32 v1, v2;
	_ =	sdelay $0x3  }
0x143: {  	s14 =	rddreg [dreg:$0xe]  }
0x144: {  	[tilespmem:s14], [sflag:$0x8] =	stream.indirect_vreg.gather [hbm4b:s0+s4], $0x1, v1, vm0, $0xb8;
	[tilespmem:$0x19908] =	vst v63  }
0x145: {  	[tilespmem:s8+$0xFFFFFFF0] =	vst v14  }
0x146: {  	v0 =	vld [tilespmem:$0xE478];
	_ =	sdelay $0x4  }
0x147: {  	v0 =	vshll.u32 v0, $0x3;
	_ =	sdelay $0x4  }
0x148: {  	v1 =	vld.idx.msk [tilespmem:v0+s13+$0x0], $0xffff  }
0x149: {  	v20 =	vor.u32 $0x1, v0;
	_ =	sdelay $0x3  }
0x14a: {  	[tilespmem:s9+$0xFFFFFC70] =	vst v1  }
0x14b: {  	v1 =	vld.idx.msk [tilespmem:v20+s13+$0x0], $0xffff  }
0x14c: {  	v21 =	vor.u32 $0x2, v0;
	_ =	sdelay $0x3  }
0x14d: {  	[tilespmem:s9+$0xFFFFFCF0] =	vst v1  }
0x14e: {  	v1 =	vld.idx.msk [tilespmem:v21+s13+$0x0], $0xffff  }
0x14f: {  	v22 =	vor.u32 $0x3, v0;
	_ =	sdelay $0x3  }
0x150: {  	[tilespmem:s9+$0xFFFFFD70] =	vst v1  }
0x151: {  	v1 =	vld.idx.msk [tilespmem:v22+s13+$0x0], $0xffff  }
0x152: {  	v23 =	vor.u32 $0x4, v0;
	_ =	sdelay $0x3  }
0x153: {  	[tilespmem:s9+$0xFFFFFDF0] =	vst v1  }
0x154: {  	v1 =	vld.idx.msk [tilespmem:v23+s13+$0x0], $0xffff  }
0x155: {  	v24 =	vor.u32 $0x5, v0;
	_ =	sdelay $0x3  }
0x156: {  	[tilespmem:s9+$0xFFFFFE70] =	vst v1  }
0x157: {  	v1 =	vld.idx.msk [tilespmem:v24+s13+$0x0], $0xffff  }
0x158: {  	v25 =	vor.u32 $0x6, v0;
	_ =	sdelay $0x3  }
0x159: {  	[tilespmem:s9+$0xFFFFFEF0] =	vst v1  }
0x15a: {  	v1 =	vld.idx.msk [tilespmem:v25+s13+$0x0], $0xffff  }
0x15b: {  	v0 =	vor.u32 $0x7, v0;
	_ =	sdelay $0x3  }
0x15c: {  	[tilespmem:s9+$0xFFFFFF70] =	vst v1  }
0x15d: {  	v0 =	vld.idx.msk [tilespmem:v0+s13+$0x0], $0xffff;
	_ =	sdelay $0x4  }
0x15e: {  	[tilespmem:s9+$0xFFFFFFF0] =	vst v0  }
0x15f: {  	_ =	swait.ge [sflag:s15], $0x10  }
0x160: {  	[sflag:s15] =	ssyncset.done $0x0  }
0x161: {  	[sflag:s15] =	ssyncadd.s32 $0xFFFFFFF0  }
0x162: {  	v26 =	vld [tilespmem:$0xE488]  }
0x163: {  	v27 =	vld [tilespmem:s1+$0x0];
	_ =	sdelay $0x4  }
0x164: {  	v28 =	vshll.u32 v26, $0xC;
	v29 =	vshll.u32 v27, $0x3  }
0x165: {  	v30 =	vshll.u32 v26, $0x7;
	v2 =	vand.u32 $0xFFFF8000, v28;
	v3 =	vand.u32 $0xFFFFFC00, v29  }
0x166: {  	v31 =	vand.u32 $0x380, v30;
	v2 =	vadd.s32 v2, v3  }
0x167: {  	v1 =	vand.u32 $0x7F, v27;
	v2 =	vor.u32 v31, v2  }
0x168: {  	v1 =	vor.u32 v1, v2;
	_ =	sdelay $0x4  }
0x169: {  	[tilespmem:s11], [sflag:$0x1] =	stream.indirect_vreg.gather [hbm4b:s0+s4], $0x1, v1, vm0, $0xb8;
	[tilespmem:$0x19908] =	vst v63  }
0x16a: {  	[tilespmem:s8+$0x0] =	vst v26  }
0x16b: {  	v0 =	vld [tilespmem:$0xE488];
	_ =	sdelay $0x4  }
0x16c: {  	v0 =	vshll.u32 v0, $0x3;
	_ =	sdelay $0x4  }
0x16d: {  	v1 =	vld.idx.msk [tilespmem:v0+s13+$0x0], $0xffff  }
0x16e: {  	v32 =	vor.u32 $0x1, v0;
	_ =	sdelay $0x3  }
0x16f: {  	[tilespmem:s9+$0x0] =	vst v1  }
0x170: {  	v1 =	vld.idx.msk [tilespmem:v32+s13+$0x0], $0xffff  }
0x171: {  	v33 =	vor.u32 $0x2, v0;
	_ =	sdelay $0x3  }
0x172: {  	[tilespmem:s9+$0x80] =	vst v1  }
0x173: {  	v1 =	vld.idx.msk [tilespmem:v33+s13+$0x0], $0xffff  }
0x174: {  	v34 =	vor.u32 $0x3, v0;
	_ =	sdelay $0x3  }
0x175: {  	[tilespmem:s9+$0x100] =	vst v1  }
0x176: {  	v1 =	vld.idx.msk [tilespmem:v34+s13+$0x0], $0xffff  }
0x177: {  	v35 =	vor.u32 $0x4, v0;
	_ =	sdelay $0x3  }
0x178: {  	[tilespmem:s9+$0x180] =	vst v1  }
0x179: {  	v1 =	vld.idx.msk [tilespmem:v35+s13+$0x0], $0xffff  }
0x17a: {  	v36 =	vor.u32 $0x5, v0;
	_ =	sdelay $0x3  }
0x17b: {  	[tilespmem:s9+$0x200] =	vst v1  }
0x17c: {  	v1 =	vld.idx.msk [tilespmem:v36+s13+$0x0], $0xffff  }
0x17d: {  	v37 =	vor.u32 $0x6, v0;
	_ =	sdelay $0x3  }
0x17e: {  	[tilespmem:s9+$0x280] =	vst v1  }
0x17f: {  	v1 =	vld.idx.msk [tilespmem:v37+s13+$0x0], $0xffff  }
0x180: {  	v0 =	vor.u32 $0x7, v0;
	_ =	sdelay $0x3  }
0x181: {  	[tilespmem:s9+$0x300] =	vst v1  }
0x182: {  	v0 =	vld.idx.msk [tilespmem:v0+s13+$0x0], $0xffff;
	_ =	sdelay $0x4  }
0x183: {  	[tilespmem:s9+$0x380] =	vst v0  }
0x184: {  	_ =	swait.ge [sflag:s16], $0x10  }
0x185: {  	[sflag:s16] =	ssyncset.done $0x0  }
0x186: {  	[sflag:s16] =	ssyncadd.s32 $0xFFFFFFF0  }
0x187: {  	v38 =	vld [tilespmem:$0xE498]  }
0x188: {  	v39 =	vld [tilespmem:s1+$0x10];
	_ =	sdelay $0x4  }
0x189: {  	v40 =	vshll.u32 v38, $0xC;
	v41 =	vshll.u32 v39, $0x3  }
0x18a: {  	v42 =	vshll.u32 v38, $0x7;
	v2 =	vand.u32 $0xFFFF8000, v40;
	v3 =	vand.u32 $0xFFFFFC00, v41  }
0x18b: {  	v43 =	vand.u32 $0x380, v42;
	v2 =	vadd.s32 v2, v3  }
0x18c: {  	v1 =	vand.u32 $0x7F, v39;
	v2 =	vor.u32 v43, v2  }
0x18d: {  	v1 =	vor.u32 v1, v2;
	_ =	sdelay $0x3  }
0x18e: {  	s14 =	rddreg [dreg:$0xf]  }
0x18f: {  	[tilespmem:s14], [sflag:$0x2] =	stream.indirect_vreg.gather [hbm4b:s0+s4], $0x1, v1, vm0, $0xb8;
	[tilespmem:$0x19908] =	vst v63  }
0x190: {  	[tilespmem:s8+$0x10] =	vst v38  }
0x191: {  	v0 =	vld [tilespmem:$0xE498];
	_ =	sdelay $0x4  }
0x192: {  	v0 =	vshll.u32 v0, $0x3;
	_ =	sdelay $0x4  }
0x193: {  	v1 =	vld.idx.msk [tilespmem:v0+s13+$0x0], $0xffff  }
0x194: {  	v44 =	vor.u32 $0x1, v0;
	_ =	sdelay $0x3  }
0x195: {  	[tilespmem:s9+$0x10] =	vst v1  }
0x196: {  	v1 =	vld.idx.msk [tilespmem:v44+s13+$0x0], $0xffff  }
0x197: {  	v45 =	vor.u32 $0x2, v0;
	_ =	sdelay $0x3  }
0x198: {  	[tilespmem:s9+$0x90] =	vst v1  }
0x199: {  	v1 =	vld.idx.msk [tilespmem:v45+s13+$0x0], $0xffff  }
0x19a: {  	v46 =	vor.u32 $0x3, v0;
	_ =	sdelay $0x3  }
0x19b: {  	[tilespmem:s9+$0x110] =	vst v1  }
0x19c: {  	v1 =	vld.idx.msk [tilespmem:v46+s13+$0x0], $0xffff  }
0x19d: {  	v47 =	vor.u32 $0x4, v0;
	_ =	sdelay $0x3  }
0x19e: {  	[tilespmem:s9+$0x190] =	vst v1  }
0x19f: {  	v1 =	vld.idx.msk [tilespmem:v47+s13+$0x0], $0xffff  }
0x1a0: {  	v48 =	vor.u32 $0x5, v0;
	_ =	sdelay $0x3  }
0x1a1: {  	[tilespmem:s9+$0x210] =	vst v1  }
0x1a2: {  	v1 =	vld.idx.msk [tilespmem:v48+s13+$0x0], $0xffff  }
0x1a3: {  	v49 =	vor.u32 $0x6, v0;
	_ =	sdelay $0x3  }
0x1a4: {  	[tilespmem:s9+$0x290] =	vst v1  }
0x1a5: {  	v1 =	vld.idx.msk [tilespmem:v49+s13+$0x0], $0xffff  }
0x1a6: {  	v0 =	vor.u32 $0x7, v0;
	_ =	sdelay $0x3  }
0x1a7: {  	[tilespmem:s9+$0x310] =	vst v1  }
0x1a8: {  	v0 =	vld.idx.msk [tilespmem:v0+s13+$0x0], $0xffff;
	_ =	sdelay $0x4  }
0x1a9: {  	[tilespmem:s9+$0x390] =	vst v0  }
0x1aa: {  	_ =	swait.ge [sflag:s17], $0x10  }
0x1ab: {  	[sflag:s17] =	ssyncset.done $0x0  }
0x1ac: {  	[sflag:s17] =	ssyncadd.s32 $0xFFFFFFF0  }
0x1ad: {  	v50 =	vld [tilespmem:$0xE4A8]  }
0x1ae: {  	v51 =	vld [tilespmem:s1+$0x20];
	_ =	sdelay $0x4  }
0x1af: {  	v52 =	vshll.u32 v50, $0xC;
	v53 =	vshll.u32 v51, $0x3  }
0x1b0: {  	v54 =	vshll.u32 v50, $0x7;
	v2 =	vand.u32 $0xFFFF8000, v52;
	v3 =	vand.u32 $0xFFFFFC00, v53  }
0x1b1: {  	v55 =	vand.u32 $0x380, v54;
	v2 =	vadd.s32 v2, v3  }
0x1b2: {  	v1 =	vand.u32 $0x7F, v51;
	v2 =	vor.u32 v55, v2  }
0x1b3: {  	v1 =	vor.u32 v1, v2;
	_ =	sdelay $0x3  }
0x1b4: {  	s14 =	rddreg [dreg:$0x10]  }
0x1b5: {  	[tilespmem:s14], [sflag:$0x3] =	stream.indirect_vreg.gather [hbm4b:s0+s4], $0x1, v1, vm0, $0xb8;
	[tilespmem:$0x19908] =	vst v63  }
0x1b6: {  	[tilespmem:s8+$0x20] =	vst v50  }
0x1b7: {  	v0 =	vld [tilespmem:$0xE4A8];
	_ =	sdelay $0x4  }
0x1b8: {  	v0 =	vshll.u32 v0, $0x3;
	_ =	sdelay $0x4  }
0x1b9: {  	v1 =	vld.idx.msk [tilespmem:v0+s13+$0x0], $0xffff  }
0x1ba: {  	v56 =	vor.u32 $0x1, v0;
	_ =	sdelay $0x3  }
0x1bb: {  	[tilespmem:s9+$0x20] =	vst v1  }
0x1bc: {  	v1 =	vld.idx.msk [tilespmem:v56+s13+$0x0], $0xffff  }
0x1bd: {  	v57 =	vor.u32 $0x2, v0;
	_ =	sdelay $0x3  }
0x1be: {  	[tilespmem:s9+$0xA0] =	vst v1  }
0x1bf: {  	v1 =	vld.idx.msk [tilespmem:v57+s13+$0x0], $0xffff  }
0x1c0: {  	v58 =	vor.u32 $0x3, v0;
	_ =	sdelay $0x3  }
0x1c1: {  	[tilespmem:s9+$0x120] =	vst v1  }
0x1c2: {  	v1 =	vld.idx.msk [tilespmem:v58+s13+$0x0], $0xffff  }
0x1c3: {  	v59 =	vor.u32 $0x4, v0;
	_ =	sdelay $0x3  }
0x1c4: {  	[tilespmem:s9+$0x1A0] =	vst v1  }
0x1c5: {  	v1 =	vld.idx.msk [tilespmem:v59+s13+$0x0], $0xffff  }
0x1c6: {  	v60 =	vor.u32 $0x5, v0;
	_ =	sdelay $0x3  }
0x1c7: {  	[tilespmem:s9+$0x220] =	vst v1  }
0x1c8: {  	v1 =	vld.idx.msk [tilespmem:v60+s13+$0x0], $0xffff  }
0x1c9: {  	v61 =	vor.u32 $0x6, v0;
	_ =	sdelay $0x3  }
0x1ca: {  	[tilespmem:s9+$0x2A0] =	vst v1  }
0x1cb: {  	v1 =	vld.idx.msk [tilespmem:v61+s13+$0x0], $0xffff  }
0x1cc: {  	v0 =	vor.u32 $0x7, v0;
	_ =	sdelay $0x3  }
0x1cd: {  	[tilespmem:s9+$0x320] =	vst v1  }
0x1ce: {  	v0 =	vld.idx.msk [tilespmem:v0+s13+$0x0], $0xffff;
	_ =	sdelay $0x4  }
0x1cf: {  	[tilespmem:s9+$0x3A0] =	vst v0  }
0x1d0: {  	_ =	swait.ge [sflag:s18], $0x10  }
0x1d1: {  	[sflag:s18] =	ssyncset.done $0x0  }
0x1d2: {  	[sflag:s18] =	ssyncadd.s32 $0xFFFFFFF0  }
0x1d3: {  	v62 =	vld [tilespmem:$0xE4B8]  }
0x1d4: {  	v63 =	vld [tilespmem:s1+$0x30];
	_ =	sdelay $0x4  }
0x1d5: {  	v6 =	vshll.u32 v62, $0xC;
	v7 =	vshll.u32 v63, $0x3  }
0x1d6: {  	v8 =	vshll.u32 v62, $0x7;
	v2 =	vand.u32 $0xFFFF8000, v6;
	v3 =	vand.u32 $0xFFFFFC00, v7  }
0x1d7: {  	v9 =	vand.u32 $0x380, v8;
	v2 =	vadd.s32 v2, v3  }
0x1d8: {  	v1 =	vand.u32 $0x7F, v63;
	v2 =	vor.u32 v9, v2  }
0x1d9: {  	v1 =	vor.u32 v1, v2;
	_ =	sdelay $0x3  }
0x1da: {  	s14 =	rddreg [dreg:$0x11]  }
0x1db: {  	[tilespmem:s14], [sflag:$0x4] =	stream.indirect_vreg.gather [hbm4b:s0+s4], $0x1, v1, vm0, $0xb8;
	[tilespmem:$0x19908] =	vst v63  }
0x1dc: {  	[tilespmem:s8+$0x30] =	vst v62  }
0x1dd: {  	v0 =	vld [tilespmem:$0xE4B8];
	_ =	sdelay $0x4  }
0x1de: {  	v0 =	vshll.u32 v0, $0x3;
	_ =	sdelay $0x4  }
0x1df: {  	v1 =	vld.idx.msk [tilespmem:v0+s13+$0x0], $0xffff  }
0x1e0: {  	v10 =	vor.u32 $0x1, v0;
	_ =	sdelay $0x3  }
0x1e1: {  	[tilespmem:s9+$0x30] =	vst v1  }
0x1e2: {  	v1 =	vld.idx.msk [tilespmem:v10+s13+$0x0], $0xffff  }
0x1e3: {  	v11 =	vor.u32 $0x2, v0;
	_ =	sdelay $0x3  }
0x1e4: {  	[tilespmem:s9+$0xB0] =	vst v1  }
0x1e5: {  	v1 =	vld.idx.msk [tilespmem:v11+s13+$0x0], $0xffff  }
0x1e6: {  	v12 =	vor.u32 $0x3, v0;
	_ =	sdelay $0x3  }
0x1e7: {  	[tilespmem:s9+$0x130] =	vst v1  }
0x1e8: {  	v1 =	vld.idx.msk [tilespmem:v12+s13+$0x0], $0xffff  }
0x1e9: {  	v13 =	vor.u32 $0x4, v0;
	_ =	sdelay $0x3  }
0x1ea: {  	[tilespmem:s9+$0x1B0] =	vst v1  }
0x1eb: {  	v1 =	vld.idx.msk [tilespmem:v13+s13+$0x0], $0xffff  }
0x1ec: {  	v14 =	vor.u32 $0x5, v0;
	_ =	sdelay $0x3  }
0x1ed: {  	[tilespmem:s9+$0x230] =	vst v1  }
0x1ee: {  	v1 =	vld.idx.msk [tilespmem:v14+s13+$0x0], $0xffff  }
0x1ef: {  	v15 =	vor.u32 $0x6, v0;
	_ =	sdelay $0x3  }
0x1f0: {  	[tilespmem:s9+$0x2B0] =	vst v1  }
0x1f1: {  	v1 =	vld.idx.msk [tilespmem:v15+s13+$0x0], $0xffff  }
0x1f2: {  	v0 =	vor.u32 $0x7, v0;
	_ =	sdelay $0x3  }
0x1f3: {  	[tilespmem:s9+$0x330] =	vst v1  }
0x1f4: {  	v0 =	vld.idx.msk [tilespmem:v0+s13+$0x0], $0xffff;
	_ =	sdelay $0x4  }
0x1f5: {  	[tilespmem:s9+$0x3B0] =	vst v0  }
0x1f6: {  	_ =	swait.ge [sflag:s19], $0x10  }
0x1f7: {  	[sflag:s19] =	ssyncset.done $0x0  }
0x1f8: {  	[sflag:s19] =	ssyncadd.s32 $0xFFFFFFF0  }
0x1f9: {  	v16 =	vld [tilespmem:$0xE4C8]  }
0x1fa: {  	v17 =	vld [tilespmem:s1+$0x40];
	_ =	sdelay $0x4  }
0x1fb: {  	v18 =	vshll.u32 v16, $0xC;
	v19 =	vshll.u32 v17, $0x3  }
0x1fc: {  	v20 =	vshll.u32 v16, $0x7;
	v2 =	vand.u32 $0xFFFF8000, v18;
	v3 =	vand.u32 $0xFFFFFC00, v19  }
0x1fd: {  	v21 =	vand.u32 $0x380, v20;
	v2 =	vadd.s32 v2, v3  }
0x1fe: {  	v1 =	vand.u32 $0x7F, v17;
	v2 =	vor.u32 v21, v2  }
0x1ff: {  	v1 =	vor.u32 v1, v2;
	_ =	sdelay $0x3  }
0x200: {  	s14 =	rddreg [dreg:$0x12]  }
0x201: {  	[tilespmem:s14], [sflag:$0x5] =	stream.indirect_vreg.gather [hbm4b:s0+s4], $0x1, v1, vm0, $0xb8;
	[tilespmem:$0x19908] =	vst v63  }
0x202: {  	[tilespmem:s8+$0x40] =	vst v16  }
0x203: {  	v0 =	vld [tilespmem:$0xE4C8];
	_ =	sdelay $0x4  }
0x204: {  	v0 =	vshll.u32 v0, $0x3;
	_ =	sdelay $0x4  }
0x205: {  	v1 =	vld.idx.msk [tilespmem:v0+s13+$0x0], $0xffff  }
0x206: {  	v22 =	vor.u32 $0x1, v0;
	_ =	sdelay $0x3  }
0x207: {  	[tilespmem:s9+$0x40] =	vst v1  }
0x208: {  	v1 =	vld.idx.msk [tilespmem:v22+s13+$0x0], $0xffff  }
0x209: {  	v23 =	vor.u32 $0x2, v0;
	_ =	sdelay $0x3  }
0x20a: {  	[tilespmem:s9+$0xC0] =	vst v1  }
0x20b: {  	v1 =	vld.idx.msk [tilespmem:v23+s13+$0x0], $0xffff  }
0x20c: {  	v24 =	vor.u32 $0x3, v0;
	_ =	sdelay $0x3  }
0x20d: {  	[tilespmem:s9+$0x140] =	vst v1  }
0x20e: {  	v1 =	vld.idx.msk [tilespmem:v24+s13+$0x0], $0xffff  }
0x20f: {  	v25 =	vor.u32 $0x4, v0;
	_ =	sdelay $0x3  }
0x210: {  	[tilespmem:s9+$0x1C0] =	vst v1  }
0x211: {  	v1 =	vld.idx.msk [tilespmem:v25+s13+$0x0], $0xffff  }
0x212: {  	v26 =	vor.u32 $0x5, v0;
	_ =	sdelay $0x3  }
0x213: {  	[tilespmem:s9+$0x240] =	vst v1  }
0x214: {  	v1 =	vld.idx.msk [tilespmem:v26+s13+$0x0], $0xffff  }
0x215: {  	v27 =	vor.u32 $0x6, v0;
	_ =	sdelay $0x3  }
0x216: {  	[tilespmem:s9+$0x2C0] =	vst v1  }
0x217: {  	v1 =	vld.idx.msk [tilespmem:v27+s13+$0x0], $0xffff  }
0x218: {  	v0 =	vor.u32 $0x7, v0;
	_ =	sdelay $0x3  }
0x219: {  	[tilespmem:s9+$0x340] =	vst v1  }
0x21a: {  	v0 =	vld.idx.msk [tilespmem:v0+s13+$0x0], $0xffff;
	_ =	sdelay $0x4  }
0x21b: {  	[tilespmem:s9+$0x3C0] =	vst v0  }
0x21c: {  	_ =	swait.ge [sflag:s20], $0x10  }
0x21d: {  	[sflag:s20] =	ssyncset.done $0x0  }
0x21e: {  	[sflag:s20] =	ssyncadd.s32 $0xFFFFFFF0  }
0x21f: {  	v28 =	vld [tilespmem:$0xE4D8]  }
0x220: {  	v29 =	vld [tilespmem:s1+$0x50];
	_ =	sdelay $0x4  }
0x221: {  	v30 =	vshll.u32 v28, $0xC;
	v31 =	vshll.u32 v29, $0x3  }
0x222: {  	v32 =	vshll.u32 v28, $0x7;
	v2 =	vand.u32 $0xFFFF8000, v30;
	v3 =	vand.u32 $0xFFFFFC00, v31  }
0x223: {  	v33 =	vand.u32 $0x380, v32;
	v2 =	vadd.s32 v2, v3  }
0x224: {  	v1 =	vand.u32 $0x7F, v29;
	v2 =	vor.u32 v33, v2  }
0x225: {  	v1 =	vor.u32 v1, v2;
	_ =	sdelay $0x4  }
0x226: {  	[tilespmem:s21], [sflag:$0x6] =	stream.indirect_vreg.gather [hbm4b:s0+s4], $0x1, v1, vm0, $0xb8;
	[tilespmem:$0x19908] =	vst v63  }
0x227: {  	[tilespmem:s8+$0x50] =	vst v28  }
0x228: {  	v0 =	vld [tilespmem:$0xE4D8];
	_ =	sdelay $0x4  }
0x229: {  	v0 =	vshll.u32 v0, $0x3;
	_ =	sdelay $0x4  }
0x22a: {  	v1 =	vld.idx.msk [tilespmem:v0+s13+$0x0], $0xffff  }
0x22b: {  	v34 =	vor.u32 $0x1, v0;
	_ =	sdelay $0x3  }
0x22c: {  	[tilespmem:s9+$0x50] =	vst v1  }
0x22d: {  	v1 =	vld.idx.msk [tilespmem:v34+s13+$0x0], $0xffff  }
0x22e: {  	v35 =	vor.u32 $0x2, v0;
	_ =	sdelay $0x3  }
0x22f: {  	[tilespmem:s9+$0xD0] =	vst v1  }
0x230: {  	v1 =	vld.idx.msk [tilespmem:v35+s13+$0x0], $0xffff  }
0x231: {  	v36 =	vor.u32 $0x3, v0;
	_ =	sdelay $0x3  }
0x232: {  	[tilespmem:s9+$0x150] =	vst v1  }
0x233: {  	v1 =	vld.idx.msk [tilespmem:v36+s13+$0x0], $0xffff  }
0x234: {  	v37 =	vor.u32 $0x4, v0;
	_ =	sdelay $0x3  }
0x235: {  	[tilespmem:s9+$0x1D0] =	vst v1  }
0x236: {  	v1 =	vld.idx.msk [tilespmem:v37+s13+$0x0], $0xffff  }
0x237: {  	v38 =	vor.u32 $0x5, v0;
	_ =	sdelay $0x3  }
0x238: {  	[tilespmem:s9+$0x250] =	vst v1  }
0x239: {  	v1 =	vld.idx.msk [tilespmem:v38+s13+$0x0], $0xffff  }
0x23a: {  	v39 =	vor.u32 $0x6, v0;
	_ =	sdelay $0x3  }
0x23b: {  	[tilespmem:s9+$0x2D0] =	vst v1  }
0x23c: {  	v1 =	vld.idx.msk [tilespmem:v39+s13+$0x0], $0xffff  }
0x23d: {  	v0 =	vor.u32 $0x7, v0;
	_ =	sdelay $0x3  }
0x23e: {  	[tilespmem:s9+$0x350] =	vst v1  }
0x23f: {  	v0 =	vld.idx.msk [tilespmem:v0+s13+$0x0], $0xffff;
	_ =	sdelay $0x4  }
0x240: {  	[tilespmem:s9+$0x3D0] =	vst v0  }
0x241: {  	_ =	swait.ge [sflag:s22], $0x10  }
0x242: {  	[sflag:s22] =	ssyncset.done $0x0  }
0x243: {  	[sflag:s22] =	ssyncadd.s32 $0xFFFFFFF0  }
0x244: {  	v40 =	vld [tilespmem:$0xE4E8]  }
0x245: {  	v41 =	vld [tilespmem:s1+$0x60];
	_ =	sdelay $0x4  }
0x246: {  	v42 =	vshll.u32 v40, $0xC;
	v43 =	vshll.u32 v41, $0x3  }
0x247: {  	v44 =	vshll.u32 v40, $0x7;
	v2 =	vand.u32 $0xFFFF8000, v42;
	v3 =	vand.u32 $0xFFFFFC00, v43  }
0x248: {  	v45 =	vand.u32 $0x380, v44;
	v2 =	vadd.s32 v2, v3  }
0x249: {  	v1 =	vand.u32 $0x7F, v41;
	v2 =	vor.u32 v45, v2  }
0x24a: {  	v1 =	vor.u32 v1, v2;
	_ =	sdelay $0x4  }
0x24b: {  	[tilespmem:s23], [sflag:$0x7] =	stream.indirect_vreg.gather [hbm4b:s0+s4], $0x1, v1, vm0, $0xb8;
	[tilespmem:$0x19908] =	vst v63  }
0x24c: {  	[tilespmem:s8+$0x60] =	vst v40  }
0x24d: {  	v0 =	vld [tilespmem:$0xE4E8];
	_ =	sdelay $0x4  }
0x24e: {  	v0 =	vshll.u32 v0, $0x3;
	_ =	sdelay $0x4  }
0x24f: {  	v1 =	vld.idx.msk [tilespmem:v0+s13+$0x0], $0xffff  }
0x250: {  	v46 =	vor.u32 $0x1, v0;
	_ =	sdelay $0x3  }
0x251: {  	[tilespmem:s9+$0x60] =	vst v1  }
0x252: {  	v1 =	vld.idx.msk [tilespmem:v46+s13+$0x0], $0xffff  }
0x253: {  	v47 =	vor.u32 $0x2, v0;
	_ =	sdelay $0x3  }
0x254: {  	[tilespmem:s9+$0xE0] =	vst v1  }
0x255: {  	v1 =	vld.idx.msk [tilespmem:v47+s13+$0x0], $0xffff  }
0x256: {  	v48 =	vor.u32 $0x3, v0;
	_ =	sdelay $0x3  }
0x257: {  	[tilespmem:s9+$0x160] =	vst v1  }
0x258: {  	v1 =	vld.idx.msk [tilespmem:v48+s13+$0x0], $0xffff  }
0x259: {  	v49 =	vor.u32 $0x4, v0;
	_ =	sdelay $0x3  }
0x25a: {  	[tilespmem:s9+$0x1E0] =	vst v1  }
0x25b: {  	v1 =	vld.idx.msk [tilespmem:v49+s13+$0x0], $0xffff  }
0x25c: {  	v50 =	vor.u32 $0x5, v0;
	_ =	sdelay $0x3  }
0x25d: {  	[tilespmem:s9+$0x260] =	vst v1  }
0x25e: {  	v1 =	vld.idx.msk [tilespmem:v50+s13+$0x0], $0xffff  }
0x25f: {  	v51 =	vor.u32 $0x6, v0;
	_ =	sdelay $0x3  }
0x260: {  	[tilespmem:s9+$0x2E0] =	vst v1  }
0x261: {  	v1 =	vld.idx.msk [tilespmem:v51+s13+$0x0], $0xffff  }
0x262: {  	v0 =	vor.u32 $0x7, v0;
	_ =	sdelay $0x3  }
0x263: {  	[tilespmem:s9+$0x360] =	vst v1  }
0x264: {  	v0 =	vld.idx.msk [tilespmem:v0+s13+$0x0], $0xffff;
	_ =	sdelay $0x4  }
0x265: {  	[tilespmem:s9+$0x3E0] =	vst v0  }
0x266: {  	_ =	swait.ge [sflag:s24], $0x10  }
0x267: {  	[sflag:s24] =	ssyncset.done $0x0  }
0x268: {  	[sflag:s24] =	ssyncadd.s32 $0xFFFFFFF0  }
0x269: {  	v52 =	vld [tilespmem:$0xE4F8]  }
0x26a: {  	v53 =	vld [tilespmem:s1+$0x70];
	_ =	sdelay $0x4  }
0x26b: {  	v54 =	vshll.u32 v52, $0xC;
	v55 =	vshll.u32 v53, $0x3  }
0x26c: {  	v56 =	vshll.u32 v52, $0x7;
	v2 =	vand.u32 $0xFFFF8000, v54;
	v3 =	vand.u32 $0xFFFFFC00, v55  }
0x26d: {  	v57 =	vand.u32 $0x380, v56;
	v2 =	vadd.s32 v2, v3  }
0x26e: {  	v1 =	vand.u32 $0x7F, v53;
	v2 =	vor.u32 v57, v2  }
0x26f: {  	v1 =	vor.u32 v1, v2;
	_ =	sdelay $0x4  }
0x270: {  	[tilespmem:s25], [sflag:$0x8] =	stream.indirect_vreg.gather [hbm4b:s0+s4], $0x1, v1, vm0, $0xb8;
	[tilespmem:$0x19908] =	vst v63  }
0x271: {  	[tilespmem:s8+$0x70] =	vst v52  }
0x272: {  	v0 =	vld [tilespmem:$0xE4F8];
	_ =	sdelay $0x4  }
0x273: {  	v0 =	vshll.u32 v0, $0x3;
	_ =	sdelay $0x4  }
0x274: {  	v1 =	vld.idx.msk [tilespmem:v0+s13+$0x0], $0xffff  }
0x275: {  	v58 =	vor.u32 $0x1, v0;
	_ =	sdelay $0x3  }
0x276: {  	[tilespmem:s9+$0x70] =	vst v1  }
0x277: {  	v1 =	vld.idx.msk [tilespmem:v58+s13+$0x0], $0xffff  }
0x278: {  	v59 =	vor.u32 $0x2, v0;
	_ =	sdelay $0x3  }
0x279: {  	[tilespmem:s9+$0xF0] =	vst v1  }
0x27a: {  	v1 =	vld.idx.msk [tilespmem:v59+s13+$0x0], $0xffff  }
0x27b: {  	v60 =	vor.u32 $0x3, v0;
	_ =	sdelay $0x3  }
0x27c: {  	[tilespmem:s9+$0x170] =	vst v1  }
0x27d: {  	v1 =	vld.idx.msk [tilespmem:v60+s13+$0x0], $0xffff  }
0x27e: {  	v61 =	vor.u32 $0x4, v0;
	_ =	sdelay $0x3  }
0x27f: {  	[tilespmem:s9+$0x1F0] =	vst v1  }
0x280: {  	v1 =	vld.idx.msk [tilespmem:v61+s13+$0x0], $0xffff  }
0x281: {  	v62 =	vor.u32 $0x5, v0;
	_ =	sdelay $0x3  }
0x282: {  	[tilespmem:s9+$0x270] =	vst v1  }
0x283: {  	v1 =	vld.idx.msk [tilespmem:v62+s13+$0x0], $0xffff  }
0x284: {  	v63 =	vor.u32 $0x6, v0;
	_ =	sdelay $0x3  }
0x285: {  	[tilespmem:s9+$0x2F0] =	vst v1  }
0x286: {  	v1 =	vld.idx.msk [tilespmem:v63+s13+$0x0], $0xffff  }
0x287: {  	v0 =	vor.u32 $0x7, v0;
	_ =	sdelay $0x3  }
0x288: {  	s2 =	sadd.s32 $0x1, s2;
	[tilespmem:s9+$0x370] =	vst v1  }
0x289: {  	p0 =	sne.s32 s2, $0x14;
	v0 =	vld.idx.msk [tilespmem:v0+s13+$0x0], $0xffff  }
.Ltmp0:
0x28a: {  	_ = 	snop;
	(pc) =	sbr.rel @p0 .LBB2_3-.Ltmp0, $2  }
0x28b: {  	_ =	sdelay $0x2  }
0x28c: {  	s1 =	sadd.s32 $0x100, s1;
	s8 =	sadd.s32 $0x100, s8;
	[tilespmem:s9+$0x3F0] =	vst v0;
	s9 =	sadd.s32 $0x800, s9  }
0x28d: {  	s1 =	smul.u32 $0x28000, s5;
	_ =	sdelay $0x1  }
0x28e: {  	s2 =	smul.u32 $0x140000, s5;
	s1 =	sor.u32 s7, s1  }
0x28f: {  	s1 =	sshrl.u32 s1, $0x3  }
0x290: {  	s14 =	sor.u32 s7, s2;
	s1 =	sadd.s32 s3, s1  }
0x291: {  	[hbm4b:s1+s26] =	stream.strided.scatter [tilespmem:s28], [sflag:$0xA], $0x1400, s12, s26, $0x38;
	[tilespmem:$0x19908] =	vst v63  }
0x292: {  	s1 =	sshrl.u32 s14, $0x3  }
0x293: {  	s5 =	sadd.s32 $0x1, s5;
	s1 =	sadd.s32 s6, s1  }
0x294: {  	[hbm4b:s1+s26] =	stream.strided.scatter [tilespmem:s29], [sflag:$0xA], $0xA000, s12, s26, $0x38;
	[tilespmem:$0x19908] =	vst v63  }
0x295: {  	p0 =	sne.s32 s5, $0x5;
	_ =	swait.ge [sflag:s30], $0x1400  }
.Ltmp1:
0x296: {  	[sflag:s30] =	ssyncset.done $0x0;
	(pc) =	sbr.rel @p0 .LBB2_2-.Ltmp1, $4  }
0x297: {  	[sflag:s30] =	ssyncadd.s32 $0xFFFFEC00  }
0x298: {  	_ =	swait.ge [sflag:s30], $0xA000  }
0x299: {  	[sflag:s30] =	ssyncset.done $0x0  }
0x29a: {  	s10 =	sadd.s32 $0x1400, s10;
	[sflag:s30] =	ssyncadd.s32 $0xFFFF6000  }
0x29b: {  	_ =	swait.ge [sflag:s15], $0x10  }
0x29c: {  	[sflag:s15] =	ssyncset.done $0x0  }
0x29d: {  	[sflag:s15] =	ssyncadd.s32 $0xFFFFFFF0  }
0x29e: {  	_ =	swait.ge [sflag:s16], $0x10  }
0x29f: {  	[sflag:s16] =	ssyncset.done $0x0  }
0x2a0: {  	[sflag:s16] =	ssyncadd.s32 $0xFFFFFFF0  }
0x2a1: {  	_ =	swait.ge [sflag:s17], $0x10  }
0x2a2: {  	[sflag:s17] =	ssyncset.done $0x0  }
0x2a3: {  	[sflag:s17] =	ssyncadd.s32 $0xFFFFFFF0  }
0x2a4: {  	_ =	swait.ge [sflag:s18], $0x10  }
0x2a5: {  	[sflag:s18] =	ssyncset.done $0x0  }
0x2a6: {  	[sflag:s18] =	ssyncadd.s32 $0xFFFFFFF0  }
0x2a7: {  	_ =	swait.ge [sflag:s19], $0x10  }
0x2a8: {  	[sflag:s19] =	ssyncset.done $0x0  }
0x2a9: {  	[sflag:s19] =	ssyncadd.s32 $0xFFFFFFF0  }
0x2aa: {  	_ =	swait.ge [sflag:s20], $0x10  }
0x2ab: {  	[sflag:s20] =	ssyncset.done $0x0  }
0x2ac: {  	[sflag:s20] =	ssyncadd.s32 $0xFFFFFFF0  }
0x2ad: {  	_ =	swait.ge [sflag:s22], $0x10  }
0x2ae: {  	[sflag:s22] =	ssyncset.done $0x0  }
0x2af: {  	[sflag:s22] =	ssyncadd.s32 $0xFFFFFFF0  }
0x2b0: {  	_ =	swait.ge [sflag:s24], $0x10  }
0x2b1: {  	s31 =	sadd.s32 $0x1, s31;
	s1 =	rddreg [dreg:$0x15]  }
0x2b2: {  	p0 =	sne.s32 s31, s1  }
.Ltmp2:
0x2b3: {  	_ = 	snop;
	(pc) =	sbr.rel @p0 .LBB2_1-.Ltmp2, $3  }
0x2b4: {  	_ =	sdelay $0x1  }
0x2b5: {  	[sflag:s24] =	ssyncset.done $0x0  }
0x2b6: {  	[sflag:s24] =	ssyncadd.s32 $0xFFFFFFF0  }
0x2b7: {  	_ =	sfence.sel $0x180000  }
0x2b8: {  	[bflag:$0x0] =	sbarrier.arrive $0xFFFF  }
0x2b9: {  	_ =	strace $0x90000047  }
0x2ba: {  	s0 =	stileid.u32;
	[bflag:$0x2] =	sbarrier.arrive $0xFFFF  }
0x2bb: {  	p0 =	sne.s32 s0, $0x0;
	s0 =	rddreg [dreg:$0x6]  }
0x2bc: {  	s0 =	sadd.s32 @!p0 $0x100000, s0  }
0x2bd: {  	[sflag:s0] =	ssyncadd.tile.s32 @!p0 $0x1;
	_ =	shalt  }
.Lfunc_end2:
_tile_overlayer_lowered:
.L_overlay_start_2:
0x2be: {  	(tag) =	ssettag $0x2  }
0x2bf: {  	s0 =	rddreg [dreg:$0x0];
	s2 =	stileid.u32  }
0x2c0: {  	s1 =	rddreg [dreg:$0x1];
	p0 =	sne.s32 s2, $0x0  }
0x2c1: {  	s3 =	rddreg [dreg:$0x2];
	[bflag:$0x3] =	sbarrier.arrive $0xFFFF;
	s2 =	simm.s32 @!p0 $0x1C0B  }
0x2c2: {  	[timem:s3], [sflag:s2] =	dma.local @!p0 [hbm:s0], s1  }
0x2c3: {  	s0 =	simm.s32 @!p0 $0xB  }
0x2c4: {  	_ =	swait.ge @!p0 [sflag:s0], s1  }
0x2c5: {  	s1 =	ssub.s32 @!p0 $0x0, s1;
	[sflag:s0] =	ssyncset.done @!p0 $0x0  }
0x2c6: {  	[sflag:s0] =	ssyncadd.s32 @!p0 s1  }
0x2c7: {  	[bflag:$0x3] =	sbarrier.arrive $0xFFFF  }
0x2c8: {  	_ =	shalt  }

</sc_bundles>
